<compile_context>
chip_gen: v7x
topology: tpu7x:2x2x1
jax: 0.10.2.dev20260603
libtpu: 0.0.44.dev20260713+nightly
codegen_flags: <defaults>
</compile_context>

<pallas_src>
import functools

import jax
import jax.numpy as jnp
from jax import lax
from jax.experimental import pallas as pl
from jax.experimental.pallas import tpu as pltpu
from jax.experimental.pallas import tpu_sc as plsc

NC = 2
NS = 16
NW = NC * NS
NBUF = 2


@functools.partial(jax.jit, static_argnames=("h", "v", "d"))
def _embed_sc(xt, weight, h, v, d):
    b = xt.shape[1]
    bw = b // NW

    mesh = plsc.VectorSubcoreMesh(core_axis_name="c", subcore_axis_name="s")

    @functools.partial(
        pl.kernel,
        out_type=jax.ShapeDtypeStruct((h, d, b), jnp.float32),
        mesh=mesh,
        compiler_params=pltpu.CompilerParams(
            use_tc_tiling_on_sc=False, needs_layout_passes=False
        ),
        scratch_types=[
            pltpu.VMEM((h, bw), jnp.int32),
            *([pltpu.VMEM((bw, d), jnp.float32)] * NBUF),
            *([pltpu.VMEM((d, bw), jnp.float32)] * NBUF),
            *([pltpu.SemaphoreType.DMA] * NBUF),
            *([pltpu.SemaphoreType.DMA] * NBUF),
        ],
    )
    def body(xt_hbm, table_hbm, out_hbm, idx_v, *rest):
        gbuf = rest[:NBUF]
        tbuf = rest[NBUF : 2 * NBUF]
        gsem = rest[2 * NBUF : 3 * NBUF]
        wsem = rest[3 * NBUF : 4 * NBUF]
        wid = lax.axis_index("s") * NC + lax.axis_index("c")
        b0 = wid * bw
        pltpu.sync_copy(xt_hbm.at[:, pl.ds(b0, bw)], idx_v)

        iota = lax.iota(jnp.int32, 16)
        rvecs = [v16 * 16 + iota for v16 in range(bw // 16)]

        for s in range(NBUF):
            pltpu.async_copy(table_hbm.at[idx_v.at[s]], gbuf[s], gsem[s])

        def block(g, _):
            for s in range(NBUF):
                hh = g * NBUF + s
                pltpu.make_async_copy(
                    table_hbm.at[idx_v.at[0]], gbuf[s], gsem[s]
                ).wait()

                @pl.when(g > 0)
                def _():
                    pltpu.make_async_copy(
                        tbuf[s], out_hbm.at[0, :, pl.ds(b0, bw)], wsem[s]
                    ).wait()

                def cb_body(cb, carry):
                    coff = cb * 16
                    for dg in range(16):
                        cdiag = ((iota + dg) & 15) + coff
                        vals = [
                            plsc.load_gather(gbuf[s], [rvecs[v16], cdiag])
                            for v16 in range(bw // 16)
                        ]
                        for v16 in range(bw // 16):
                            plsc.store_scatter(
                                tbuf[s], [cdiag, rvecs[v16]], vals[v16]
                            )
                    return carry

                lax.fori_loop(0, d // 16, cb_body, None)

                pltpu.async_copy(
                    tbuf[s], out_hbm.at[hh, :, pl.ds(b0, bw)], wsem[s]
                )

                @pl.when(g < h // NBUF - 1)
                def _():
                    pltpu.async_copy(
                        table_hbm.at[idx_v.at[hh + NBUF]], gbuf[s], gsem[s]
                    )

            return _

        lax.fori_loop(0, h // NBUF, block, None)
        for s in range(NBUF):
            pltpu.make_async_copy(
                tbuf[s], out_hbm.at[0, :, pl.ds(b0, bw)], wsem[s]
            ).wait()

    return body(xt, weight)


def kernel(x, weight):
    b, h = x.shape
    v, d = weight.shape
    xt = x.T.astype(jnp.int32)
    out3 = _embed_sc(xt, weight, h, v, d)
    return out3.transpose(2, 0, 1)

# --- scband reference (transcript-rebuilt; emitter-appended) ---
"""Pipeline reference for scband-embedding-12103217840535 (READ-ONLY COPY).

The authoritative reference and input builder live on the scoring server;
editing this copy changes nothing except your own understanding.
"""

import jax, jax.numpy as jnp
import numpy as np

VOCAB = 1000000
DIM = 64
BATCH = 4096
HIST = 200

def setup_inputs(seed: int = 0) -> dict:
    key = jax.random.key(seed)
    k1, k2 = jax.random.split(key)
    x = jax.random.randint(k1, (BATCH, HIST), 0, VOCAB, dtype=jnp.int64 if jax.config.jax_enable_x64 else jnp.int32)
    weight = jax.random.normal(k2, (VOCAB, DIM), dtype=jnp.float32) * 0.02
    return {"x": x, "weight": weight}

def reference(x, weight):
    # F.embedding(x, weight) -> gather rows of weight by index
    y = jnp.take(weight, x, axis=0)
    return y

if __name__ == "__main__":
    import jax
    _d = setup_inputs()
    print(jax.jit(kernel)(*tuple(_d.values())))

</pallas_src>

<mosaic_0001>
#map = affine_map<(d0, d1) -> (0, 0)>
#map1 = affine_map<(d0, d1) -> (0, 0, 0)>
module attributes {stable_mosaic.version = 14 : i64} {
  func.func @body(%arg0: i32, %arg1: i32, %arg2: memref<200x4096xi32, #tpu.memory_space<hbm>>, %arg3: memref<1000000x64xf32, #tpu.memory_space<hbm>>, %arg4: memref<200x64x4096xf32, #tpu.memory_space<hbm>>, %arg5: memref<200x128xi32, #tpu.memory_space<vmem>>, %arg6: memref<128x64xf32, #tpu.memory_space<vmem>>, %arg7: memref<128x64xf32, #tpu.memory_space<vmem>>, %arg8: memref<64x128xf32, #tpu.memory_space<vmem>>, %arg9: memref<64x128xf32, #tpu.memory_space<vmem>>, %arg10: memref<!tpu.dma_semaphore, #tpu.memory_space<semaphore_mem>>, %arg11: memref<!tpu.dma_semaphore, #tpu.memory_space<semaphore_mem>>, %arg12: memref<!tpu.dma_semaphore, #tpu.memory_space<semaphore_mem>>, %arg13: memref<!tpu.dma_semaphore, #tpu.memory_space<semaphore_mem>>) attributes {dimension_semantics = [#tpu.dimension_semantics<core_parallel>, #tpu.dimension_semantics<subcore_parallel>], iteration_bounds = array<i64: 2, 16>, scalar_prefetch = 0 : i64, scratch_operands = 9 : i64, tpu.core_type = #tpu.core_type<sc_vector_subcore>, window_params = [{transform_indices = #map}, {transform_indices = #map}, {transform_indices = #map1}]} {
    %mul3A = arith.constant 2 : i32
    %mul3A_0 = arith.muli %arg1, %mul3A : i32
    %add3A = arith.addi %mul3A_0, %arg0 : i32
    %mul3A_1 = arith.constant 128 : i32
    %mul3A_2 = arith.muli %add3A, %mul3A_1 : i32
    "tpu.region"() ({
      %run_scoped3A = tpu.sem_alloc : memref<!tpu.dma_semaphore, #tpu.memory_space<semaphore_mem>>
      %dma_start3A_57 = arith.constant 0 : i32
      %dma_start3A_58 = tpu.memref_slice %arg2[%dma_start3A_57, %mul3A_2] : memref<200x4096xi32, #tpu.memory_space<hbm>> -> memref<200x128xi32, #tpu.memory_space<hbm>>
      %dma_start3A_59 = arith.constant 0 : i32
      %dma_start3A_60 = tpu.memref_slice %arg2[%dma_start3A_59, %mul3A_2] : memref<200x4096xi32, #tpu.memory_space<hbm>> -> memref<200x128xi32, #tpu.memory_space<hbm>>
      tpu.enqueue_dma source(%dma_start3A_60 : memref<200x128xi32, #tpu.memory_space<hbm>>) target(%arg5 : memref<200x128xi32, #tpu.memory_space<vmem>>) target_semaphore(%run_scoped3A : memref<!tpu.dma_semaphore, #tpu.memory_space<semaphore_mem>>)
      %dma_wait3A_61 = arith.constant 0 : i32
      %dma_wait3A_62 = tpu.memref_slice %arg2[%dma_wait3A_61, %mul3A_2] : memref<200x4096xi32, #tpu.memory_space<hbm>> -> memref<200x128xi32, #tpu.memory_space<hbm>>
      %dma_wait3A_63 = arith.constant 0 : i32
      %dma_wait3A_64 = tpu.memref_slice %arg2[%dma_wait3A_63, %mul3A_2] : memref<200x4096xi32, #tpu.memory_space<hbm>> -> memref<200x128xi32, #tpu.memory_space<hbm>>
      tpu.wait_dma2 semaphore(%run_scoped3A : memref<!tpu.dma_semaphore, #tpu.memory_space<semaphore_mem>>) src(%dma_wait3A_64 : memref<200x128xi32, #tpu.memory_space<hbm>>) dst(%arg5 : memref<200x128xi32, #tpu.memory_space<vmem>>)
      tpu.yield
    }) : () -> ()
    %iota3A = tpu.iota {dimensions = array<i32: 0>} : vector<16xi32>
    %add3A_3 = arith.constant 0 : i32
    %add3A_4 = vector.broadcast %add3A_3 : i32 to vector<16xi32>
    %add3A_5 = arith.addi %add3A_4, %iota3A : vector<16xi32>
    %add3A_6 = arith.constant 16 : i32
    %add3A_7 = vector.broadcast %add3A_6 : i32 to vector<16xi32>
    %add3A_8 = arith.addi %add3A_7, %iota3A : vector<16xi32>
    %add3A_9 = arith.constant 32 : i32
    %add3A_10 = vector.broadcast %add3A_9 : i32 to vector<16xi32>
    %add3A_11 = arith.addi %add3A_10, %iota3A : vector<16xi32>
    %add3A_12 = arith.constant 48 : i32
    %add3A_13 = vector.broadcast %add3A_12 : i32 to vector<16xi32>
    %add3A_14 = arith.addi %add3A_13, %iota3A : vector<16xi32>
    %add3A_15 = arith.constant 64 : i32
    %add3A_16 = vector.broadcast %add3A_15 : i32 to vector<16xi32>
    %add3A_17 = arith.addi %add3A_16, %iota3A : vector<16xi32>
    %add3A_18 = arith.constant 80 : i32
    %add3A_19 = vector.broadcast %add3A_18 : i32 to vector<16xi32>
    %add3A_20 = arith.addi %add3A_19, %iota3A : vector<16xi32>
    %add3A_21 = arith.constant 96 : i32
    %add3A_22 = vector.broadcast %add3A_21 : i32 to vector<16xi32>
    %add3A_23 = arith.addi %add3A_22, %iota3A : vector<16xi32>
    %add3A_24 = arith.constant 112 : i32
    %add3A_25 = vector.broadcast %add3A_24 : i32 to vector<16xi32>
    %add3A_26 = arith.addi %add3A_25, %iota3A : vector<16xi32>
    %dma_start3A = arith.constant 0 : i32
    %dma_start3A_27 = arith.constant 0 : i32
    %dma_start3A_28 = tpu.memref_slice %arg5[%dma_start3A, %dma_start3A_27] : memref<200x128xi32, #tpu.memory_space<vmem>> -> memref<1x128xi32, #tpu.memory_space<vmem>>
    %dma_start3A_29 = tpu.memref_squeeze %dma_start3A_28 : memref<1x128xi32, #tpu.memory_space<vmem>> -> memref<128xi32, #tpu.memory_space<vmem>>
    %dma_start3A_30 = arith.constant 0 : i32
    %dma_start3A_31 = arith.constant 0 : i32
    %dma_start3A_32 = tpu.memref_slice %arg3[%dma_start3A_30, %dma_start3A_31] : memref<1000000x64xf32, #tpu.memory_space<hbm>> -> memref<1000000x64xf32, #tpu.memory_space<hbm>>
    tpu.enqueue_indirect_dma source(%dma_start3A_32 : memref<1000000x64xf32, #tpu.memory_space<hbm>>) target(%arg6 : memref<128x64xf32, #tpu.memory_space<vmem>>) offsets(%dma_start3A_29 : memref<128xi32, #tpu.memory_space<vmem>>) semaphore(%arg10 : memref<!tpu.dma_semaphore, #tpu.memory_space<semaphore_mem>>)
    %dma_start3A_33 = arith.constant 1 : i32
    %dma_start3A_34 = arith.constant 0 : i32
    %dma_start3A_35 = tpu.memref_slice %arg5[%dma_start3A_33, %dma_start3A_34] : memref<200x128xi32, #tpu.memory_space<vmem>> -> memref<1x128xi32, #tpu.memory_space<vmem>>
    %dma_start3A_36 = tpu.memref_squeeze %dma_start3A_35 : memref<1x128xi32, #tpu.memory_space<vmem>> -> memref<128xi32, #tpu.memory_space<vmem>>
    %dma_start3A_37 = arith.constant 0 : i32
    %dma_start3A_38 = arith.constant 0 : i32
    %dma_start3A_39 = tpu.memref_slice %arg3[%dma_start3A_37, %dma_start3A_38] : memref<1000000x64xf32, #tpu.memory_space<hbm>> -> memref<1000000x64xf32, #tpu.memory_space<hbm>>
    tpu.enqueue_indirect_dma source(%dma_start3A_39 : memref<1000000x64xf32, #tpu.memory_space<hbm>>) target(%arg7 : memref<128x64xf32, #tpu.memory_space<vmem>>) offsets(%dma_start3A_36 : memref<128xi32, #tpu.memory_space<vmem>>) semaphore(%arg11 : memref<!tpu.dma_semaphore, #tpu.memory_space<semaphore_mem>>)
    %scan3A = arith.constant 0 : i32
    %scan3A_40 = arith.constant 100 : i32
    %scan3A_41 = arith.addi %scan3A, %scan3A_40 : i32
    %scan3A_42 = arith.constant 1 : i32
    scf.for %scan3A_57 = %scan3A to %scan3A_41 step %scan3A_42  : i32 {
      %mul3A_58 = arith.constant 2 : i32
      %mul3A_59 = arith.muli %scan3A_57, %mul3A_58 : i32
      %add3A_60 = arith.constant 0 : i32
      %add3A_61 = arith.addi %mul3A_59, %add3A_60 : i32
      %dma_wait3A_62 = arith.constant 0 : i32
      %dma_wait3A_63 = arith.constant 0 : i32
      %dma_wait3A_64 = tpu.memref_slice %arg5[%dma_wait3A_62, %dma_wait3A_63] : memref<200x128xi32, #tpu.memory_space<vmem>> -> memref<1x128xi32, #tpu.memory_space<vmem>>
      %dma_wait3A_65 = tpu.memref_squeeze %dma_wait3A_64 : memref<1x128xi32, #tpu.memory_space<vmem>> -> memref<128xi32, #tpu.memory_space<vmem>>
      %dma_wait3A_66 = arith.constant 0 : i32
      %dma_wait3A_67 = arith.constant 0 : i32
      %dma_wait3A_68 = tpu.memref_slice %arg3[%dma_wait3A_66, %dma_wait3A_67] : memref<1000000x64xf32, #tpu.memory_space<hbm>> -> memref<1000000x64xf32, #tpu.memory_space<hbm>>
      tpu.wait_indirect_dma semaphore(%arg10 : memref<!tpu.dma_semaphore, #tpu.memory_space<semaphore_mem>>) src(%dma_wait3A_68 : memref<1000000x64xf32, #tpu.memory_space<hbm>>) dst(%arg6 : memref<128x64xf32, #tpu.memory_space<vmem>>)
      %gt3A = arith.constant 0 : i32
      %gt3A_69 = arith.cmpi sgt, %scan3A_57, %gt3A : i32
      %convert_element_type3A = arith.extui %gt3A_69 : i1 to i32
      %cond3A = arith.constant 0 : i32
      %cond3A_70 = arith.cmpi ne, %convert_element_type3A, %cond3A : i32
      scf.if %cond3A_70 {
        %dma_wait3A_118 = arith.constant 0 : i32
        %dma_wait3A_119 = arith.constant 0 : i32
        %dma_wait3A_120 = tpu.memref_slice %arg4[%dma_wait3A_118, %dma_wait3A_119, %mul3A_2] : memref<200x64x4096xf32, #tpu.memory_space<hbm>> -> memref<1x64x128xf32, #tpu.memory_space<hbm>>
        %dma_wait3A_121 = tpu.memref_squeeze %dma_wait3A_120 : memref<1x64x128xf32, #tpu.memory_space<hbm>> -> memref<64x128xf32, #tpu.memory_space<hbm>>
        %dma_wait3A_122 = arith.constant 0 : i32
        %dma_wait3A_123 = tpu.memref_slice %arg4[%dma_wait3A_118, %dma_wait3A_122, %mul3A_2] : memref<200x64x4096xf32, #tpu.memory_space<hbm>> -> memref<1x64x128xf32, #tpu.memory_space<hbm>>
        %dma_wait3A_124 = tpu.memref_squeeze %dma_wait3A_123 : memref<1x64x128xf32, #tpu.memory_space<hbm>> -> memref<64x128xf32, #tpu.memory_space<hbm>>
        tpu.wait_dma2 semaphore(%arg12 : memref<!tpu.dma_semaphore, #tpu.memory_space<semaphore_mem>>) src(%arg8 : memref<64x128xf32, #tpu.memory_space<vmem>>) dst(%dma_wait3A_124 : memref<64x128xf32, #tpu.memory_space<hbm>>)
      } else {
      }
      %scan3A_71 = arith.constant 0 : i32
      %scan3A_72 = arith.constant 4 : i32
      %scan3A_73 = arith.addi %scan3A_71, %scan3A_72 : i32
      %scan3A_74 = arith.constant 1 : i32
      scf.for %scan3A_118 = %scan3A_71 to %scan3A_73 step %scan3A_74  : i32 {
        %mul3A_119 = arith.constant 16 : i32
        %mul3A_120 = arith.muli %scan3A_118, %mul3A_119 : i32
        %add3A_121 = arith.constant 0 : i32
        %add3A_122 = vector.broadcast %add3A_121 : i32 to vector<16xi32>
        %add3A_123 = arith.addi %iota3A, %add3A_122 : vector<16xi32>
        %and3A = arith.constant 15 : i32
        %and3A_124 = vector.broadcast %and3A : i32 to vector<16xi32>
        %and3A_125 = arith.andi %add3A_123, %and3A_124 : vector<16xi32>
        %add3A_126 = vector.broadcast %mul3A_120 : i32 to vector<16xi32>
        %add3A_127 = arith.addi %and3A_125, %add3A_126 : vector<16xi32>
        %gather3A = tpu.vector_load_idx %arg6[%add3A_5, %add3A_127] : memref<128x64xf32, #tpu.memory_space<vmem>>[vector<16xi32>, vector<16xi32>], vector<16xf32>,
        %gather3A_128 = tpu.vector_load_idx %arg6[%add3A_8, %add3A_127] : memref<128x64xf32, #tpu.memory_space<vmem>>[vector<16xi32>, vector<16xi32>], vector<16xf32>,
        %gather3A_129 = tpu.vector_load_idx %arg6[%add3A_11, %add3A_127] : memref<128x64xf32, #tpu.memory_space<vmem>>[vector<16xi32>, vector<16xi32>], vector<16xf32>,
        %gather3A_130 = tpu.vector_load_idx %arg6[%add3A_14, %add3A_127] : memref<128x64xf32, #tpu.memory_space<vmem>>[vector<16xi32>, vector<16xi32>], vector<16xf32>,
        %gather3A_131 = tpu.vector_load_idx %arg6[%add3A_17, %add3A_127] : memref<128x64xf32, #tpu.memory_space<vmem>>[vector<16xi32>, vector<16xi32>], vector<16xf32>,
        %gather3A_132 = tpu.vector_load_idx %arg6[%add3A_20, %add3A_127] : memref<128x64xf32, #tpu.memory_space<vmem>>[vector<16xi32>, vector<16xi32>], vector<16xf32>,
        %gather3A_133 = tpu.vector_load_idx %arg6[%add3A_23, %add3A_127] : memref<128x64xf32, #tpu.memory_space<vmem>>[vector<16xi32>, vector<16xi32>], vector<16xf32>,
        %gather3A_134 = tpu.vector_load_idx %arg6[%add3A_26, %add3A_127] : memref<128x64xf32, #tpu.memory_space<vmem>>[vector<16xi32>, vector<16xi32>], vector<16xf32>,
        tpu.vector_store_idx %arg8[%add3A_127, %add3A_5], %gather3A : memref<64x128xf32, #tpu.memory_space<vmem>>[vector<16xi32>, vector<16xi32>], vector<16xf32>,
        tpu.vector_store_idx %arg8[%add3A_127, %add3A_8], %gather3A_128 : memref<64x128xf32, #tpu.memory_space<vmem>>[vector<16xi32>, vector<16xi32>], vector<16xf32>,
        tpu.vector_store_idx %arg8[%add3A_127, %add3A_11], %gather3A_129 : memref<64x128xf32, #tpu.memory_space<vmem>>[vector<16xi32>, vector<16xi32>], vector<16xf32>,
        tpu.vector_store_idx %arg8[%add3A_127, %add3A_14], %gather3A_130 : memref<64x128xf32, #tpu.memory_space<vmem>>[vector<16xi32>, vector<16xi32>], vector<16xf32>,
        tpu.vector_store_idx %arg8[%add3A_127, %add3A_17], %gather3A_131 : memref<64x128xf32, #tpu.memory_space<vmem>>[vector<16xi32>, vector<16xi32>], vector<16xf32>,
        tpu.vector_store_idx %arg8[%add3A_127, %add3A_20], %gather3A_132 : memref<64x128xf32, #tpu.memory_space<vmem>>[vector<16xi32>, vector<16xi32>], vector<16xf32>,
        tpu.vector_store_idx %arg8[%add3A_127, %add3A_23], %gather3A_133 : memref<64x128xf32, #tpu.memory_space<vmem>>[vector<16xi32>, vector<16xi32>], vector<16xf32>,
        tpu.vector_store_idx %arg8[%add3A_127, %add3A_26], %gather3A_134 : memref<64x128xf32, #tpu.memory_space<vmem>>[vector<16xi32>, vector<16xi32>], vector<16xf32>,
        %add3A_135 = arith.constant 1 : i32
        %add3A_136 = vector.broadcast %add3A_135 : i32 to vector<16xi32>
        %add3A_137 = arith.addi %iota3A, %add3A_136 : vector<16xi32>
        %and3A_138 = arith.constant 15 : i32
        %and3A_139 = vector.broadcast %and3A_138 : i32 to vector<16xi32>
        %and3A_140 = arith.andi %add3A_137, %and3A_139 : vector<16xi32>
        %add3A_141 = vector.broadcast %mul3A_120 : i32 to vector<16xi32>
        %add3A_142 = arith.addi %and3A_140, %add3A_141 : vector<16xi32>
        %gather3A_143 = tpu.vector_load_idx %arg6[%add3A_5, %add3A_142] : memref<128x64xf32, #tpu.memory_space<vmem>>[vector<16xi32>, vector<16xi32>], vector<16xf32>,
        %gather3A_144 = tpu.vector_load_idx %arg6[%add3A_8, %add3A_142] : memref<128x64xf32, #tpu.memory_space<vmem>>[vector<16xi32>, vector<16xi32>], vector<16xf32>,
        %gather3A_145 = tpu.vector_load_idx %arg6[%add3A_11, %add3A_142] : memref<128x64xf32, #tpu.memory_space<vmem>>[vector<16xi32>, vector<16xi32>], vector<16xf32>,
        %gather3A_146 = tpu.vector_load_idx %arg6[%add3A_14, %add3A_142] : memref<128x64xf32, #tpu.memory_space<vmem>>[vector<16xi32>, vector<16xi32>], vector<16xf32>,
        %gather3A_147 = tpu.vector_load_idx %arg6[%add3A_17, %add3A_142] : memref<128x64xf32, #tpu.memory_space<vmem>>[vector<16xi32>, vector<16xi32>], vector<16xf32>,
        %gather3A_148 = tpu.vector_load_idx %arg6[%add3A_20, %add3A_142] : memref<128x64xf32, #tpu.memory_space<vmem>>[vector<16xi32>, vector<16xi32>], vector<16xf32>,
        %gather3A_149 = tpu.vector_load_idx %arg6[%add3A_23, %add3A_142] : memref<128x64xf32, #tpu.memory_space<vmem>>[vector<16xi32>, vector<16xi32>], vector<16xf32>,
        %gather3A_150 = tpu.vector_load_idx %arg6[%add3A_26, %add3A_142] : memref<128x64xf32, #tpu.memory_space<vmem>>[vector<16xi32>, vector<16xi32>], vector<16xf32>,
        tpu.vector_store_idx %arg8[%add3A_142, %add3A_5], %gather3A_143 : memref<64x128xf32, #tpu.memory_space<vmem>>[vector<16xi32>, vector<16xi32>], vector<16xf32>,
        tpu.vector_store_idx %arg8[%add3A_142, %add3A_8], %gather3A_144 : memref<64x128xf32, #tpu.memory_space<vmem>>[vector<16xi32>, vector<16xi32>], vector<16xf32>,
        tpu.vector_store_idx %arg8[%add3A_142, %add3A_11], %gather3A_145 : memref<64x128xf32, #tpu.memory_space<vmem>>[vector<16xi32>, vector<16xi32>], vector<16xf32>,
        tpu.vector_store_idx %arg8[%add3A_142, %add3A_14], %gather3A_146 : memref<64x128xf32, #tpu.memory_space<vmem>>[vector<16xi32>, vector<16xi32>], vector<16xf32>,
        tpu.vector_store_idx %arg8[%add3A_142, %add3A_17], %gather3A_147 : memref<64x128xf32, #tpu.memory_space<vmem>>[vector<16xi32>, vector<16xi32>], vector<16xf32>,
        tpu.vector_store_idx %arg8[%add3A_142, %add3A_20], %gather3A_148 : memref<64x128xf32, #tpu.memory_space<vmem>>[vector<16xi32>, vector<16xi32>], vector<16xf32>,
        tpu.vector_store_idx %arg8[%add3A_142, %add3A_23], %gather3A_149 : memref<64x128xf32, #tpu.memory_space<vmem>>[vector<16xi32>, vector<16xi32>], vector<16xf32>,
        tpu.vector_store_idx %arg8[%add3A_142, %add3A_26], %gather3A_150 : memref<64x128xf32, #tpu.memory_space<vmem>>[vector<16xi32>, vector<16xi32>], vector<16xf32>,
        %add3A_151 = arith.constant 2 : i32
        %add3A_152 = vector.broadcast %add3A_151 : i32 to vector<16xi32>
        %add3A_153 = arith.addi %iota3A, %add3A_152 : vector<16xi32>
        %and3A_154 = arith.constant 15 : i32
        %and3A_155 = vector.broadcast %and3A_154 : i32 to vector<16xi32>
        %and3A_156 = arith.andi %add3A_153, %and3A_155 : vector<16xi32>
        %add3A_157 = vector.broadcast %mul3A_120 : i32 to vector<16xi32>
        %add3A_158 = arith.addi %and3A_156, %add3A_157 : vector<16xi32>
        %gather3A_159 = tpu.vector_load_idx %arg6[%add3A_5, %add3A_158] : memref<128x64xf32, #tpu.memory_space<vmem>>[vector<16xi32>, vector<16xi32>], vector<16xf32>,
        %gather3A_160 = tpu.vector_load_idx %arg6[%add3A_8, %add3A_158] : memref<128x64xf32, #tpu.memory_space<vmem>>[vector<16xi32>, vector<16xi32>], vector<16xf32>,
        %gather3A_161 = tpu.vector_load_idx %arg6[%add3A_11, %add3A_158] : memref<128x64xf32, #tpu.memory_space<vmem>>[vector<16xi32>, vector<16xi32>], vector<16xf32>,
        %gather3A_162 = tpu.vector_load_idx %arg6[%add3A_14, %add3A_158] : memref<128x64xf32, #tpu.memory_space<vmem>>[vector<16xi32>, vector<16xi32>], vector<16xf32>,
        %gather3A_163 = tpu.vector_load_idx %arg6[%add3A_17, %add3A_158] : memref<128x64xf32, #tpu.memory_space<vmem>>[vector<16xi32>, vector<16xi32>], vector<16xf32>,
        %gather3A_164 = tpu.vector_load_idx %arg6[%add3A_20, %add3A_158] : memref<128x64xf32, #tpu.memory_space<vmem>>[vector<16xi32>, vector<16xi32>], vector<16xf32>,
        %gather3A_165 = tpu.vector_load_idx %arg6[%add3A_23, %add3A_158] : memref<128x64xf32, #tpu.memory_space<vmem>>[vector<16xi32>, vector<16xi32>], vector<16xf32>,
        %gather3A_166 = tpu.vector_load_idx %arg6[%add3A_26, %add3A_158] : memref<128x64xf32, #tpu.memory_space<vmem>>[vector<16xi32>, vector<16xi32>], vector<16xf32>,
        tpu.vector_store_idx %arg8[%add3A_158, %add3A_5], %gather3A_159 : memref<64x128xf32, #tpu.memory_space<vmem>>[vector<16xi32>, vector<16xi32>], vector<16xf32>,
        tpu.vector_store_idx %arg8[%add3A_158, %add3A_8], %gather3A_160 : memref<64x128xf32, #tpu.memory_space<vmem>>[vector<16xi32>, vector<16xi32>], vector<16xf32>,
        tpu.vector_store_idx %arg8[%add3A_158, %add3A_11], %gather3A_161 : memref<64x128xf32, #tpu.memory_space<vmem>>[vector<16xi32>, vector<16xi32>], vector<16xf32>,
        tpu.vector_store_idx %arg8[%add3A_158, %add3A_14], %gather3A_162 : memref<64x128xf32, #tpu.memory_space<vmem>>[vector<16xi32>, vector<16xi32>], vector<16xf32>,
        tpu.vector_store_idx %arg8[%add3A_158, %add3A_17], %gather3A_163 : memref<64x128xf32, #tpu.memory_space<vmem>>[vector<16xi32>, vector<16xi32>], vector<16xf32>,
        tpu.vector_store_idx %arg8[%add3A_158, %add3A_20], %gather3A_164 : memref<64x128xf32, #tpu.memory_space<vmem>>[vector<16xi32>, vector<16xi32>], vector<16xf32>,
        tpu.vector_store_idx %arg8[%add3A_158, %add3A_23], %gather3A_165 : memref<64x128xf32, #tpu.memory_space<vmem>>[vector<16xi32>, vector<16xi32>], vector<16xf32>,
        tpu.vector_store_idx %arg8[%add3A_158, %add3A_26], %gather3A_166 : memref<64x128xf32, #tpu.memory_space<vmem>>[vector<16xi32>, vector<16xi32>], vector<16xf32>,
        %add3A_167 = arith.constant 3 : i32
        %add3A_168 = vector.broadcast %add3A_167 : i32 to vector<16xi32>
        %add3A_169 = arith.addi %iota3A, %add3A_168 : vector<16xi32>
        %and3A_170 = arith.constant 15 : i32
        %and3A_171 = vector.broadcast %and3A_170 : i32 to vector<16xi32>
        %and3A_172 = arith.andi %add3A_169, %and3A_171 : vector<16xi32>
        %add3A_173 = vector.broadcast %mul3A_120 : i32 to vector<16xi32>
        %add3A_174 = arith.addi %and3A_172, %add3A_173 : vector<16xi32>
        %gather3A_175 = tpu.vector_load_idx %arg6[%add3A_5, %add3A_174] : memref<128x64xf32, #tpu.memory_space<vmem>>[vector<16xi32>, vector<16xi32>], vector<16xf32>,
        %gather3A_176 = tpu.vector_load_idx %arg6[%add3A_8, %add3A_174] : memref<128x64xf32, #tpu.memory_space<vmem>>[vector<16xi32>, vector<16xi32>], vector<16xf32>,
        %gather3A_177 = tpu.vector_load_idx %arg6[%add3A_11, %add3A_174] : memref<128x64xf32, #tpu.memory_space<vmem>>[vector<16xi32>, vector<16xi32>], vector<16xf32>,
        %gather3A_178 = tpu.vector_load_idx %arg6[%add3A_14, %add3A_174] : memref<128x64xf32, #tpu.memory_space<vmem>>[vector<16xi32>, vector<16xi32>], vector<16xf32>,
        %gather3A_179 = tpu.vector_load_idx %arg6[%add3A_17, %add3A_174] : memref<128x64xf32, #tpu.memory_space<vmem>>[vector<16xi32>, vector<16xi32>], vector<16xf32>,
        %gather3A_180 = tpu.vector_load_idx %arg6[%add3A_20, %add3A_174] : memref<128x64xf32, #tpu.memory_space<vmem>>[vector<16xi32>, vector<16xi32>], vector<16xf32>,
        %gather3A_181 = tpu.vector_load_idx %arg6[%add3A_23, %add3A_174] : memref<128x64xf32, #tpu.memory_space<vmem>>[vector<16xi32>, vector<16xi32>], vector<16xf32>,
        %gather3A_182 = tpu.vector_load_idx %arg6[%add3A_26, %add3A_174] : memref<128x64xf32, #tpu.memory_space<vmem>>[vector<16xi32>, vector<16xi32>], vector<16xf32>,
        tpu.vector_store_idx %arg8[%add3A_174, %add3A_5], %gather3A_175 : memref<64x128xf32, #tpu.memory_space<vmem>>[vector<16xi32>, vector<16xi32>], vector<16xf32>,
        tpu.vector_store_idx %arg8[%add3A_174, %add3A_8], %gather3A_176 : memref<64x128xf32, #tpu.memory_space<vmem>>[vector<16xi32>, vector<16xi32>], vector<16xf32>,
        tpu.vector_store_idx %arg8[%add3A_174, %add3A_11], %gather3A_177 : memref<64x128xf32, #tpu.memory_space<vmem>>[vector<16xi32>, vector<16xi32>], vector<16xf32>,
        tpu.vector_store_idx %arg8[%add3A_174, %add3A_14], %gather3A_178 : memref<64x128xf32, #tpu.memory_space<vmem>>[vector<16xi32>, vector<16xi32>], vector<16xf32>,
        tpu.vector_store_idx %arg8[%add3A_174, %add3A_17], %gather3A_179 : memref<64x128xf32, #tpu.memory_space<vmem>>[vector<16xi32>, vector<16xi32>], vector<16xf32>,
        tpu.vector_store_idx %arg8[%add3A_174, %add3A_20], %gather3A_180 : memref<64x128xf32, #tpu.memory_space<vmem>>[vector<16xi32>, vector<16xi32>], vector<16xf32>,
        tpu.vector_store_idx %arg8[%add3A_174, %add3A_23], %gather3A_181 : memref<64x128xf32, #tpu.memory_space<vmem>>[vector<16xi32>, vector<16xi32>], vector<16xf32>,
        tpu.vector_store_idx %arg8[%add3A_174, %add3A_26], %gather3A_182 : memref<64x128xf32, #tpu.memory_space<vmem>>[vector<16xi32>, vector<16xi32>], vector<16xf32>,
        %add3A_183 = arith.constant 4 : i32
        %add3A_184 = vector.broadcast %add3A_183 : i32 to vector<16xi32>
        %add3A_185 = arith.addi %iota3A, %add3A_184 : vector<16xi32>
        %and3A_186 = arith.constant 15 : i32
        %and3A_187 = vector.broadcast %and3A_186 : i32 to vector<16xi32>
        %and3A_188 = arith.andi %add3A_185, %and3A_187 : vector<16xi32>
        %add3A_189 = vector.broadcast %mul3A_120 : i32 to vector<16xi32>
        %add3A_190 = arith.addi %and3A_188, %add3A_189 : vector<16xi32>
        %gather3A_191 = tpu.vector_load_idx %arg6[%add3A_5, %add3A_190] : memref<128x64xf32, #tpu.memory_space<vmem>>[vector<16xi32>, vector<16xi32>], vector<16xf32>,
        %gather3A_192 = tpu.vector_load_idx %arg6[%add3A_8, %add3A_190] : memref<128x64xf32, #tpu.memory_space<vmem>>[vector<16xi32>, vector<16xi32>], vector<16xf32>,
        %gather3A_193 = tpu.vector_load_idx %arg6[%add3A_11, %add3A_190] : memref<128x64xf32, #tpu.memory_space<vmem>>[vector<16xi32>, vector<16xi32>], vector<16xf32>,
        %gather3A_194 = tpu.vector_load_idx %arg6[%add3A_14, %add3A_190] : memref<128x64xf32, #tpu.memory_space<vmem>>[vector<16xi32>, vector<16xi32>], vector<16xf32>,
        %gather3A_195 = tpu.vector_load_idx %arg6[%add3A_17, %add3A_190] : memref<128x64xf32, #tpu.memory_space<vmem>>[vector<16xi32>, vector<16xi32>], vector<16xf32>,
        %gather3A_196 = tpu.vector_load_idx %arg6[%add3A_20, %add3A_190] : memref<128x64xf32, #tpu.memory_space<vmem>>[vector<16xi32>, vector<16xi32>], vector<16xf32>,
        %gather3A_197 = tpu.vector_load_idx %arg6[%add3A_23, %add3A_190] : memref<128x64xf32, #tpu.memory_space<vmem>>[vector<16xi32>, vector<16xi32>], vector<16xf32>,
        %gather3A_198 = tpu.vector_load_idx %arg6[%add3A_26, %add3A_190] : memref<128x64xf32, #tpu.memory_space<vmem>>[vector<16xi32>, vector<16xi32>], vector<16xf32>,
        tpu.vector_store_idx %arg8[%add3A_190, %add3A_5], %gather3A_191 : memref<64x128xf32, #tpu.memory_space<vmem>>[vector<16xi32>, vector<16xi32>], vector<16xf32>,
        tpu.vector_store_idx %arg8[%add3A_190, %add3A_8], %gather3A_192 : memref<64x128xf32, #tpu.memory_space<vmem>>[vector<16xi32>, vector<16xi32>], vector<16xf32>,
        tpu.vector_store_idx %arg8[%add3A_190, %add3A_11], %gather3A_193 : memref<64x128xf32, #tpu.memory_space<vmem>>[vector<16xi32>, vector<16xi32>], vector<16xf32>,
        tpu.vector_store_idx %arg8[%add3A_190, %add3A_14], %gather3A_194 : memref<64x128xf32, #tpu.memory_space<vmem>>[vector<16xi32>, vector<16xi32>], vector<16xf32>,
        tpu.vector_store_idx %arg8[%add3A_190, %add3A_17], %gather3A_195 : memref<64x128xf32, #tpu.memory_space<vmem>>[vector<16xi32>, vector<16xi32>], vector<16xf32>,
        tpu.vector_store_idx %arg8[%add3A_190, %add3A_20], %gather3A_196 : memref<64x128xf32, #tpu.memory_space<vmem>>[vector<16xi32>, vector<16xi32>], vector<16xf32>,
        tpu.vector_store_idx %arg8[%add3A_190, %add3A_23], %gather3A_197 : memref<64x128xf32, #tpu.memory_space<vmem>>[vector<16xi32>, vector<16xi32>], vector<16xf32>,
        tpu.vector_store_idx %arg8[%add3A_190, %add3A_26], %gather3A_198 : memref<64x128xf32, #tpu.memory_space<vmem>>[vector<16xi32>, vector<16xi32>], vector<16xf32>,
        %add3A_199 = arith.constant 5 : i32
        %add3A_200 = vector.broadcast %add3A_199 : i32 to vector<16xi32>
        %add3A_201 = arith.addi %iota3A, %add3A_200 : vector<16xi32>
        %and3A_202 = arith.constant 15 : i32
        %and3A_203 = vector.broadcast %and3A_202 : i32 to vector<16xi32>
        %and3A_204 = arith.andi %add3A_201, %and3A_203 : vector<16xi32>
        %add3A_205 = vector.broadcast %mul3A_120 : i32 to vector<16xi32>
        %add3A_206 = arith.addi %and3A_204, %add3A_205 : vector<16xi32>
        %gather3A_207 = tpu.vector_load_idx %arg6[%add3A_5, %add3A_206] : memref<128x64xf32, #tpu.memory_space<vmem>>[vector<16xi32>, vector<16xi32>], vector<16xf32>,
        %gather3A_208 = tpu.vector_load_idx %arg6[%add3A_8, %add3A_206] : memref<128x64xf32, #tpu.memory_space<vmem>>[vector<16xi32>, vector<16xi32>], vector<16xf32>,
        %gather3A_209 = tpu.vector_load_idx %arg6[%add3A_11, %add3A_206] : memref<128x64xf32, #tpu.memory_space<vmem>>[vector<16xi32>, vector<16xi32>], vector<16xf32>,
        %gather3A_210 = tpu.vector_load_idx %arg6[%add3A_14, %add3A_206] : memref<128x64xf32, #tpu.memory_space<vmem>>[vector<16xi32>, vector<16xi32>], vector<16xf32>,
        %gather3A_211 = tpu.vector_load_idx %arg6[%add3A_17, %add3A_206] : memref<128x64xf32, #tpu.memory_space<vmem>>[vector<16xi32>, vector<16xi32>], vector<16xf32>,
        %gather3A_212 = tpu.vector_load_idx %arg6[%add3A_20, %add3A_206] : memref<128x64xf32, #tpu.memory_space<vmem>>[vector<16xi32>, vector<16xi32>], vector<16xf32>,
        %gather3A_213 = tpu.vector_load_idx %arg6[%add3A_23, %add3A_206] : memref<128x64xf32, #tpu.memory_space<vmem>>[vector<16xi32>, vector<16xi32>], vector<16xf32>,
        %gather3A_214 = tpu.vector_load_idx %arg6[%add3A_26, %add3A_206] : memref<128x64xf32, #tpu.memory_space<vmem>>[vector<16xi32>, vector<16xi32>], vector<16xf32>,
        tpu.vector_store_idx %arg8[%add3A_206, %add3A_5], %gather3A_207 : memref<64x128xf32, #tpu.memory_space<vmem>>[vector<16xi32>, vector<16xi32>], vector<16xf32>,
        tpu.vector_store_idx %arg8[%add3A_206, %add3A_8], %gather3A_208 : memref<64x128xf32, #tpu.memory_space<vmem>>[vector<16xi32>, vector<16xi32>], vector<16xf32>,
        tpu.vector_store_idx %arg8[%add3A_206, %add3A_11], %gather3A_209 : memref<64x128xf32, #tpu.memory_space<vmem>>[vector<16xi32>, vector<16xi32>], vector<16xf32>,
        tpu.vector_store_idx %arg8[%add3A_206, %add3A_14], %gather3A_210 : memref<64x128xf32, #tpu.memory_space<vmem>>[vector<16xi32>, vector<16xi32>], vector<16xf32>,
        tpu.vector_store_idx %arg8[%add3A_206, %add3A_17], %gather3A_211 : memref<64x128xf32, #tpu.memory_space<vmem>>[vector<16xi32>, vector<16xi32>], vector<16xf32>,
        tpu.vector_store_idx %arg8[%add3A_206, %add3A_20], %gather3A_212 : memref<64x128xf32, #tpu.memory_space<vmem>>[vector<16xi32>, vector<16xi32>], vector<16xf32>,
        tpu.vector_store_idx %arg8[%add3A_206, %add3A_23], %gather3A_213 : memref<64x128xf32, #tpu.memory_space<vmem>>[vector<16xi32>, vector<16xi32>], vector<16xf32>,
        tpu.vector_store_idx %arg8[%add3A_206, %add3A_26], %gather3A_214 : memref<64x128xf32, #tpu.memory_space<vmem>>[vector<16xi32>, vector<16xi32>], vector<16xf32>,
        %add3A_215 = arith.constant 6 : i32
        %add3A_216 = vector.broadcast %add3A_215 : i32 to vector<16xi32>
        %add3A_217 = arith.addi %iota3A, %add3A_216 : vector<16xi32>
        %and3A_218 = arith.constant 15 : i32
        %and3A_219 = vector.broadcast %and3A_218 : i32 to vector<16xi32>
        %and3A_220 = arith.andi %add3A_217, %and3A_219 : vector<16xi32>
        %add3A_221 = vector.broadcast %mul3A_120 : i32 to vector<16xi32>
        %add3A_222 = arith.addi %and3A_220, %add3A_221 : vector<16xi32>
        %gather3A_223 = tpu.vector_load_idx %arg6[%add3A_5, %add3A_222] : memref<128x64xf32, #tpu.memory_space<vmem>>[vector<16xi32>, vector<16xi32>], vector<16xf32>,
        %gather3A_224 = tpu.vector_load_idx %arg6[%add3A_8, %add3A_222] : memref<128x64xf32, #tpu.memory_space<vmem>>[vector<16xi32>, vector<16xi32>], vector<16xf32>,
        %gather3A_225 = tpu.vector_load_idx %arg6[%add3A_11, %add3A_222] : memref<128x64xf32, #tpu.memory_space<vmem>>[vector<16xi32>, vector<16xi32>], vector<16xf32>,
        %gather3A_226 = tpu.vector_load_idx %arg6[%add3A_14, %add3A_222] : memref<128x64xf32, #tpu.memory_space<vmem>>[vector<16xi32>, vector<16xi32>], vector<16xf32>,
        %gather3A_227 = tpu.vector_load_idx %arg6[%add3A_17, %add3A_222] : memref<128x64xf32, #tpu.memory_space<vmem>>[vector<16xi32>, vector<16xi32>], vector<16xf32>,
        %gather3A_228 = tpu.vector_load_idx %arg6[%add3A_20, %add3A_222] : memref<128x64xf32, #tpu.memory_space<vmem>>[vector<16xi32>, vector<16xi32>], vector<16xf32>,
        %gather3A_229 = tpu.vector_load_idx %arg6[%add3A_23, %add3A_222] : memref<128x64xf32, #tpu.memory_space<vmem>>[vector<16xi32>, vector<16xi32>], vector<16xf32>,
        %gather3A_230 = tpu.vector_load_idx %arg6[%add3A_26, %add3A_222] : memref<128x64xf32, #tpu.memory_space<vmem>>[vector<16xi32>, vector<16xi32>], vector<16xf32>,
        tpu.vector_store_idx %arg8[%add3A_222, %add3A_5], %gather3A_223 : memref<64x128xf32, #tpu.memory_space<vmem>>[vector<16xi32>, vector<16xi32>], vector<16xf32>,
        tpu.vector_store_idx %arg8[%add3A_222, %add3A_8], %gather3A_224 : memref<64x128xf32, #tpu.memory_space<vmem>>[vector<16xi32>, vector<16xi32>], vector<16xf32>,
        tpu.vector_store_idx %arg8[%add3A_222, %add3A_11], %gather3A_225 : memref<64x128xf32, #tpu.memory_space<vmem>>[vector<16xi32>, vector<16xi32>], vector<16xf32>,
        tpu.vector_store_idx %arg8[%add3A_222, %add3A_14], %gather3A_226 : memref<64x128xf32, #tpu.memory_space<vmem>>[vector<16xi32>, vector<16xi32>], vector<16xf32>,
        tpu.vector_store_idx %arg8[%add3A_222, %add3A_17], %gather3A_227 : memref<64x128xf32, #tpu.memory_space<vmem>>[vector<16xi32>, vector<16xi32>], vector<16xf32>,
        tpu.vector_store_idx %arg8[%add3A_222, %add3A_20], %gather3A_228 : memref<64x128xf32, #tpu.memory_space<vmem>>[vector<16xi32>, vector<16xi32>], vector<16xf32>,
        tpu.vector_store_idx %arg8[%add3A_222, %add3A_23], %gather3A_229 : memref<64x128xf32, #tpu.memory_space<vmem>>[vector<16xi32>, vector<16xi32>], vector<16xf32>,
        tpu.vector_store_idx %arg8[%add3A_222, %add3A_26], %gather3A_230 : memref<64x128xf32, #tpu.memory_space<vmem>>[vector<16xi32>, vector<16xi32>], vector<16xf32>,
        %add3A_231 = arith.constant 7 : i32
        %add3A_232 = vector.broadcast %add3A_231 : i32 to vector<16xi32>
        %add3A_233 = arith.addi %iota3A, %add3A_232 : vector<16xi32>
        %and3A_234 = arith.constant 15 : i32
        %and3A_235 = vector.broadcast %and3A_234 : i32 to vector<16xi32>
        %and3A_236 = arith.andi %add3A_233, %and3A_235 : vector<16xi32>
        %add3A_237 = vector.broadcast %mul3A_120 : i32 to vector<16xi32>
        %add3A_238 = arith.addi %and3A_236, %add3A_237 : vector<16xi32>
        %gather3A_239 = tpu.vector_load_idx %arg6[%add3A_5, %add3A_238] : memref<128x64xf32, #tpu.memory_space<vmem>>[vector<16xi32>, vector<16xi32>], vector<16xf32>,
        %gather3A_240 = tpu.vector_load_idx %arg6[%add3A_8, %add3A_238] : memref<128x64xf32, #tpu.memory_space<vmem>>[vector<16xi32>, vector<16xi32>], vector<16xf32>,
        %gather3A_241 = tpu.vector_load_idx %arg6[%add3A_11, %add3A_238] : memref<128x64xf32, #tpu.memory_space<vmem>>[vector<16xi32>, vector<16xi32>], vector<16xf32>,
        %gather3A_242 = tpu.vector_load_idx %arg6[%add3A_14, %add3A_238] : memref<128x64xf32, #tpu.memory_space<vmem>>[vector<16xi32>, vector<16xi32>], vector<16xf32>,
        %gather3A_243 = tpu.vector_load_idx %arg6[%add3A_17, %add3A_238] : memref<128x64xf32, #tpu.memory_space<vmem>>[vector<16xi32>, vector<16xi32>], vector<16xf32>,
        %gather3A_244 = tpu.vector_load_idx %arg6[%add3A_20, %add3A_238] : memref<128x64xf32, #tpu.memory_space<vmem>>[vector<16xi32>, vector<16xi32>], vector<16xf32>,
        %gather3A_245 = tpu.vector_load_idx %arg6[%add3A_23, %add3A_238] : memref<128x64xf32, #tpu.memory_space<vmem>>[vector<16xi32>, vector<16xi32>], vector<16xf32>,
        %gather3A_246 = tpu.vector_load_idx %arg6[%add3A_26, %add3A_238] : memref<128x64xf32, #tpu.memory_space<vmem>>[vector<16xi32>, vector<16xi32>], vector<16xf32>,
        tpu.vector_store_idx %arg8[%add3A_238, %add3A_5], %gather3A_239 : memref<64x128xf32, #tpu.memory_space<vmem>>[vector<16xi32>, vector<16xi32>], vector<16xf32>,
        tpu.vector_store_idx %arg8[%add3A_238, %add3A_8], %gather3A_240 : memref<64x128xf32, #tpu.memory_space<vmem>>[vector<16xi32>, vector<16xi32>], vector<16xf32>,
        tpu.vector_store_idx %arg8[%add3A_238, %add3A_11], %gather3A_241 : memref<64x128xf32, #tpu.memory_space<vmem>>[vector<16xi32>, vector<16xi32>], vector<16xf32>,
        tpu.vector_store_idx %arg8[%add3A_238, %add3A_14], %gather3A_242 : memref<64x128xf32, #tpu.memory_space<vmem>>[vector<16xi32>, vector<16xi32>], vector<16xf32>,
        tpu.vector_store_idx %arg8[%add3A_238, %add3A_17], %gather3A_243 : memref<64x128xf32, #tpu.memory_space<vmem>>[vector<16xi32>, vector<16xi32>], vector<16xf32>,
        tpu.vector_store_idx %arg8[%add3A_238, %add3A_20], %gather3A_244 : memref<64x128xf32, #tpu.memory_space<vmem>>[vector<16xi32>, vector<16xi32>], vector<16xf32>,
        tpu.vector_store_idx %arg8[%add3A_238, %add3A_23], %gather3A_245 : memref<64x128xf32, #tpu.memory_space<vmem>>[vector<16xi32>, vector<16xi32>], vector<16xf32>,
        tpu.vector_store_idx %arg8[%add3A_238, %add3A_26], %gather3A_246 : memref<64x128xf32, #tpu.memory_space<vmem>>[vector<16xi32>, vector<16xi32>], vector<16xf32>,
        %add3A_247 = arith.constant 8 : i32
        %add3A_248 = vector.broadcast %add3A_247 : i32 to vector<16xi32>
        %add3A_249 = arith.addi %iota3A, %add3A_248 : vector<16xi32>
        %and3A_250 = arith.constant 15 : i32
        %and3A_251 = vector.broadcast %and3A_250 : i32 to vector<16xi32>
        %and3A_252 = arith.andi %add3A_249, %and3A_251 : vector<16xi32>
        %add3A_253 = vector.broadcast %mul3A_120 : i32 to vector<16xi32>
        %add3A_254 = arith.addi %and3A_252, %add3A_253 : vector<16xi32>
        %gather3A_255 = tpu.vector_load_idx %arg6[%add3A_5, %add3A_254] : memref<128x64xf32, #tpu.memory_space<vmem>>[vector<16xi32>, vector<16xi32>], vector<16xf32>,
        %gather3A_256 = tpu.vector_load_idx %arg6[%add3A_8, %add3A_254] : memref<128x64xf32, #tpu.memory_space<vmem>>[vector<16xi32>, vector<16xi32>], vector<16xf32>,
        %gather3A_257 = tpu.vector_load_idx %arg6[%add3A_11, %add3A_254] : memref<128x64xf32, #tpu.memory_space<vmem>>[vector<16xi32>, vector<16xi32>], vector<16xf32>,
        %gather3A_258 = tpu.vector_load_idx %arg6[%add3A_14, %add3A_254] : memref<128x64xf32, #tpu.memory_space<vmem>>[vector<16xi32>, vector<16xi32>], vector<16xf32>,
        %gather3A_259 = tpu.vector_load_idx %arg6[%add3A_17, %add3A_254] : memref<128x64xf32, #tpu.memory_space<vmem>>[vector<16xi32>, vector<16xi32>], vector<16xf32>,
        %gather3A_260 = tpu.vector_load_idx %arg6[%add3A_20, %add3A_254] : memref<128x64xf32, #tpu.memory_space<vmem>>[vector<16xi32>, vector<16xi32>], vector<16xf32>,
        %gather3A_261 = tpu.vector_load_idx %arg6[%add3A_23, %add3A_254] : memref<128x64xf32, #tpu.memory_space<vmem>>[vector<16xi32>, vector<16xi32>], vector<16xf32>,
        %gather3A_262 = tpu.vector_load_idx %arg6[%add3A_26, %add3A_254] : memref<128x64xf32, #tpu.memory_space<vmem>>[vector<16xi32>, vector<16xi32>], vector<16xf32>,
        tpu.vector_store_idx %arg8[%add3A_254, %add3A_5], %gather3A_255 : memref<64x128xf32, #tpu.memory_space<vmem>>[vector<16xi32>, vector<16xi32>], vector<16xf32>,
        tpu.vector_store_idx %arg8[%add3A_254, %add3A_8], %gather3A_256 : memref<64x128xf32, #tpu.memory_space<vmem>>[vector<16xi32>, vector<16xi32>], vector<16xf32>,
        tpu.vector_store_idx %arg8[%add3A_254, %add3A_11], %gather3A_257 : memref<64x128xf32, #tpu.memory_space<vmem>>[vector<16xi32>, vector<16xi32>], vector<16xf32>,
        tpu.vector_store_idx %arg8[%add3A_254, %add3A_14], %gather3A_258 : memref<64x128xf32, #tpu.memory_space<vmem>>[vector<16xi32>, vector<16xi32>], vector<16xf32>,
        tpu.vector_store_idx %arg8[%add3A_254, %add3A_17], %gather3A_259 : memref<64x128xf32, #tpu.memory_space<vmem>>[vector<16xi32>, vector<16xi32>], vector<16xf32>,
        tpu.vector_store_idx %arg8[%add3A_254, %add3A_20], %gather3A_260 : memref<64x128xf32, #tpu.memory_space<vmem>>[vector<16xi32>, vector<16xi32>], vector<16xf32>,
        tpu.vector_store_idx %arg8[%add3A_254, %add3A_23], %gather3A_261 : memref<64x128xf32, #tpu.memory_space<vmem>>[vector<16xi32>, vector<16xi32>], vector<16xf32>,
        tpu.vector_store_idx %arg8[%add3A_254, %add3A_26], %gather3A_262 : memref<64x128xf32, #tpu.memory_space<vmem>>[vector<16xi32>, vector<16xi32>], vector<16xf32>,
        %add3A_263 = arith.constant 9 : i32
        %add3A_264 = vector.broadcast %add3A_263 : i32 to vector<16xi32>
        %add3A_265 = arith.addi %iota3A, %add3A_264 : vector<16xi32>
        %and3A_266 = arith.constant 15 : i32
        %and3A_267 = vector.broadcast %and3A_266 : i32 to vector<16xi32>
        %and3A_268 = arith.andi %add3A_265, %and3A_267 : vector<16xi32>
        %add3A_269 = vector.broadcast %mul3A_120 : i32 to vector<16xi32>
        %add3A_270 = arith.addi %and3A_268, %add3A_269 : vector<16xi32>
        %gather3A_271 = tpu.vector_load_idx %arg6[%add3A_5, %add3A_270] : memref<128x64xf32, #tpu.memory_space<vmem>>[vector<16xi32>, vector<16xi32>], vector<16xf32>,
        %gather3A_272 = tpu.vector_load_idx %arg6[%add3A_8, %add3A_270] : memref<128x64xf32, #tpu.memory_space<vmem>>[vector<16xi32>, vector<16xi32>], vector<16xf32>,
        %gather3A_273 = tpu.vector_load_idx %arg6[%add3A_11, %add3A_270] : memref<128x64xf32, #tpu.memory_space<vmem>>[vector<16xi32>, vector<16xi32>], vector<16xf32>,
        %gather3A_274 = tpu.vector_load_idx %arg6[%add3A_14, %add3A_270] : memref<128x64xf32, #tpu.memory_space<vmem>>[vector<16xi32>, vector<16xi32>], vector<16xf32>,
        %gather3A_275 = tpu.vector_load_idx %arg6[%add3A_17, %add3A_270] : memref<128x64xf32, #tpu.memory_space<vmem>>[vector<16xi32>, vector<16xi32>], vector<16xf32>,
        %gather3A_276 = tpu.vector_load_idx %arg6[%add3A_20, %add3A_270] : memref<128x64xf32, #tpu.memory_space<vmem>>[vector<16xi32>, vector<16xi32>], vector<16xf32>,
        %gather3A_277 = tpu.vector_load_idx %arg6[%add3A_23, %add3A_270] : memref<128x64xf32, #tpu.memory_space<vmem>>[vector<16xi32>, vector<16xi32>], vector<16xf32>,
        %gather3A_278 = tpu.vector_load_idx %arg6[%add3A_26, %add3A_270] : memref<128x64xf32, #tpu.memory_space<vmem>>[vector<16xi32>, vector<16xi32>], vector<16xf32>,
        tpu.vector_store_idx %arg8[%add3A_270, %add3A_5], %gather3A_271 : memref<64x128xf32, #tpu.memory_space<vmem>>[vector<16xi32>, vector<16xi32>], vector<16xf32>,
        tpu.vector_store_idx %arg8[%add3A_270, %add3A_8], %gather3A_272 : memref<64x128xf32, #tpu.memory_space<vmem>>[vector<16xi32>, vector<16xi32>], vector<16xf32>,
        tpu.vector_store_idx %arg8[%add3A_270, %add3A_11], %gather3A_273 : memref<64x128xf32, #tpu.memory_space<vmem>>[vector<16xi32>, vector<16xi32>], vector<16xf32>,
        tpu.vector_store_idx %arg8[%add3A_270, %add3A_14], %gather3A_274 : memref<64x128xf32, #tpu.memory_space<vmem>>[vector<16xi32>, vector<16xi32>], vector<16xf32>,
        tpu.vector_store_idx %arg8[%add3A_270, %add3A_17], %gather3A_275 : memref<64x128xf32, #tpu.memory_space<vmem>>[vector<16xi32>, vector<16xi32>], vector<16xf32>,
        tpu.vector_store_idx %arg8[%add3A_270, %add3A_20], %gather3A_276 : memref<64x128xf32, #tpu.memory_space<vmem>>[vector<16xi32>, vector<16xi32>], vector<16xf32>,
        tpu.vector_store_idx %arg8[%add3A_270, %add3A_23], %gather3A_277 : memref<64x128xf32, #tpu.memory_space<vmem>>[vector<16xi32>, vector<16xi32>], vector<16xf32>,
        tpu.vector_store_idx %arg8[%add3A_270, %add3A_26], %gather3A_278 : memref<64x128xf32, #tpu.memory_space<vmem>>[vector<16xi32>, vector<16xi32>], vector<16xf32>,
        %add3A_279 = arith.constant 10 : i32
        %add3A_280 = vector.broadcast %add3A_279 : i32 to vector<16xi32>
        %add3A_281 = arith.addi %iota3A, %add3A_280 : vector<16xi32>
        %and3A_282 = arith.constant 15 : i32
        %and3A_283 = vector.broadcast %and3A_282 : i32 to vector<16xi32>
        %and3A_284 = arith.andi %add3A_281, %and3A_283 : vector<16xi32>
        %add3A_285 = vector.broadcast %mul3A_120 : i32 to vector<16xi32>
        %add3A_286 = arith.addi %and3A_284, %add3A_285 : vector<16xi32>
        %gather3A_287 = tpu.vector_load_idx %arg6[%add3A_5, %add3A_286] : memref<128x64xf32, #tpu.memory_space<vmem>>[vector<16xi32>, vector<16xi32>], vector<16xf32>,
        %gather3A_288 = tpu.vector_load_idx %arg6[%add3A_8, %add3A_286] : memref<128x64xf32, #tpu.memory_space<vmem>>[vector<16xi32>, vector<16xi32>], vector<16xf32>,
        %gather3A_289 = tpu.vector_load_idx %arg6[%add3A_11, %add3A_286] : memref<128x64xf32, #tpu.memory_space<vmem>>[vector<16xi32>, vector<16xi32>], vector<16xf32>,
        %gather3A_290 = tpu.vector_load_idx %arg6[%add3A_14, %add3A_286] : memref<128x64xf32, #tpu.memory_space<vmem>>[vector<16xi32>, vector<16xi32>], vector<16xf32>,
        %gather3A_291 = tpu.vector_load_idx %arg6[%add3A_17, %add3A_286] : memref<128x64xf32, #tpu.memory_space<vmem>>[vector<16xi32>, vector<16xi32>], vector<16xf32>,
        %gather3A_292 = tpu.vector_load_idx %arg6[%add3A_20, %add3A_286] : memref<128x64xf32, #tpu.memory_space<vmem>>[vector<16xi32>, vector<16xi32>], vector<16xf32>,
        %gather3A_293 = tpu.vector_load_idx %arg6[%add3A_23, %add3A_286] : memref<128x64xf32, #tpu.memory_space<vmem>>[vector<16xi32>, vector<16xi32>], vector<16xf32>,
        %gather3A_294 = tpu.vector_load_idx %arg6[%add3A_26, %add3A_286] : memref<128x64xf32, #tpu.memory_space<vmem>>[vector<16xi32>, vector<16xi32>], vector<16xf32>,
        tpu.vector_store_idx %arg8[%add3A_286, %add3A_5], %gather3A_287 : memref<64x128xf32, #tpu.memory_space<vmem>>[vector<16xi32>, vector<16xi32>], vector<16xf32>,
        tpu.vector_store_idx %arg8[%add3A_286, %add3A_8], %gather3A_288 : memref<64x128xf32, #tpu.memory_space<vmem>>[vector<16xi32>, vector<16xi32>], vector<16xf32>,
        tpu.vector_store_idx %arg8[%add3A_286, %add3A_11], %gather3A_289 : memref<64x128xf32, #tpu.memory_space<vmem>>[vector<16xi32>, vector<16xi32>], vector<16xf32>,
        tpu.vector_store_idx %arg8[%add3A_286, %add3A_14], %gather3A_290 : memref<64x128xf32, #tpu.memory_space<vmem>>[vector<16xi32>, vector<16xi32>], vector<16xf32>,
        tpu.vector_store_idx %arg8[%add3A_286, %add3A_17], %gather3A_291 : memref<64x128xf32, #tpu.memory_space<vmem>>[vector<16xi32>, vector<16xi32>], vector<16xf32>,
        tpu.vector_store_idx %arg8[%add3A_286, %add3A_20], %gather3A_292 : memref<64x128xf32, #tpu.memory_space<vmem>>[vector<16xi32>, vector<16xi32>], vector<16xf32>,
        tpu.vector_store_idx %arg8[%add3A_286, %add3A_23], %gather3A_293 : memref<64x128xf32, #tpu.memory_space<vmem>>[vector<16xi32>, vector<16xi32>], vector<16xf32>,
        tpu.vector_store_idx %arg8[%add3A_286, %add3A_26], %gather3A_294 : memref<64x128xf32, #tpu.memory_space<vmem>>[vector<16xi32>, vector<16xi32>], vector<16xf32>,
        %add3A_295 = arith.constant 11 : i32
        %add3A_296 = vector.broadcast %add3A_295 : i32 to vector<16xi32>
        %add3A_297 = arith.addi %iota3A, %add3A_296 : vector<16xi32>
        %and3A_298 = arith.constant 15 : i32
        %and3A_299 = vector.broadcast %and3A_298 : i32 to vector<16xi32>
        %and3A_300 = arith.andi %add3A_297, %and3A_299 : vector<16xi32>
        %add3A_301 = vector.broadcast %mul3A_120 : i32 to vector<16xi32>
        %add3A_302 = arith.addi %and3A_300, %add3A_301 : vector<16xi32>
        %gather3A_303 = tpu.vector_load_idx %arg6[%add3A_5, %add3A_302] : memref<128x64xf32, #tpu.memory_space<vmem>>[vector<16xi32>, vector<16xi32>], vector<16xf32>,
        %gather3A_304 = tpu.vector_load_idx %arg6[%add3A_8, %add3A_302] : memref<128x64xf32, #tpu.memory_space<vmem>>[vector<16xi32>, vector<16xi32>], vector<16xf32>,
        %gather3A_305 = tpu.vector_load_idx %arg6[%add3A_11, %add3A_302] : memref<128x64xf32, #tpu.memory_space<vmem>>[vector<16xi32>, vector<16xi32>], vector<16xf32>,
        %gather3A_306 = tpu.vector_load_idx %arg6[%add3A_14, %add3A_302] : memref<128x64xf32, #tpu.memory_space<vmem>>[vector<16xi32>, vector<16xi32>], vector<16xf32>,
        %gather3A_307 = tpu.vector_load_idx %arg6[%add3A_17, %add3A_302] : memref<128x64xf32, #tpu.memory_space<vmem>>[vector<16xi32>, vector<16xi32>], vector<16xf32>,
        %gather3A_308 = tpu.vector_load_idx %arg6[%add3A_20, %add3A_302] : memref<128x64xf32, #tpu.memory_space<vmem>>[vector<16xi32>, vector<16xi32>], vector<16xf32>,
        %gather3A_309 = tpu.vector_load_idx %arg6[%add3A_23, %add3A_302] : memref<128x64xf32, #tpu.memory_space<vmem>>[vector<16xi32>, vector<16xi32>], vector<16xf32>,
        %gather3A_310 = tpu.vector_load_idx %arg6[%add3A_26, %add3A_302] : memref<128x64xf32, #tpu.memory_space<vmem>>[vector<16xi32>, vector<16xi32>], vector<16xf32>,
        tpu.vector_store_idx %arg8[%add3A_302, %add3A_5], %gather3A_303 : memref<64x128xf32, #tpu.memory_space<vmem>>[vector<16xi32>, vector<16xi32>], vector<16xf32>,
        tpu.vector_store_idx %arg8[%add3A_302, %add3A_8], %gather3A_304 : memref<64x128xf32, #tpu.memory_space<vmem>>[vector<16xi32>, vector<16xi32>], vector<16xf32>,
        tpu.vector_store_idx %arg8[%add3A_302, %add3A_11], %gather3A_305 : memref<64x128xf32, #tpu.memory_space<vmem>>[vector<16xi32>, vector<16xi32>], vector<16xf32>,
        tpu.vector_store_idx %arg8[%add3A_302, %add3A_14], %gather3A_306 : memref<64x128xf32, #tpu.memory_space<vmem>>[vector<16xi32>, vector<16xi32>], vector<16xf32>,
        tpu.vector_store_idx %arg8[%add3A_302, %add3A_17], %gather3A_307 : memref<64x128xf32, #tpu.memory_space<vmem>>[vector<16xi32>, vector<16xi32>], vector<16xf32>,
        tpu.vector_store_idx %arg8[%add3A_302, %add3A_20], %gather3A_308 : memref<64x128xf32, #tpu.memory_space<vmem>>[vector<16xi32>, vector<16xi32>], vector<16xf32>,
        tpu.vector_store_idx %arg8[%add3A_302, %add3A_23], %gather3A_309 : memref<64x128xf32, #tpu.memory_space<vmem>>[vector<16xi32>, vector<16xi32>], vector<16xf32>,
        tpu.vector_store_idx %arg8[%add3A_302, %add3A_26], %gather3A_310 : memref<64x128xf32, #tpu.memory_space<vmem>>[vector<16xi32>, vector<16xi32>], vector<16xf32>,
        %add3A_311 = arith.constant 12 : i32
        %add3A_312 = vector.broadcast %add3A_311 : i32 to vector<16xi32>
        %add3A_313 = arith.addi %iota3A, %add3A_312 : vector<16xi32>
        %and3A_314 = arith.constant 15 : i32
        %and3A_315 = vector.broadcast %and3A_314 : i32 to vector<16xi32>
        %and3A_316 = arith.andi %add3A_313, %and3A_315 : vector<16xi32>
        %add3A_317 = vector.broadcast %mul3A_120 : i32 to vector<16xi32>
        %add3A_318 = arith.addi %and3A_316, %add3A_317 : vector<16xi32>
        %gather3A_319 = tpu.vector_load_idx %arg6[%add3A_5, %add3A_318] : memref<128x64xf32, #tpu.memory_space<vmem>>[vector<16xi32>, vector<16xi32>], vector<16xf32>,
        %gather3A_320 = tpu.vector_load_idx %arg6[%add3A_8, %add3A_318] : memref<128x64xf32, #tpu.memory_space<vmem>>[vector<16xi32>, vector<16xi32>], vector<16xf32>,
        %gather3A_321 = tpu.vector_load_idx %arg6[%add3A_11, %add3A_318] : memref<128x64xf32, #tpu.memory_space<vmem>>[vector<16xi32>, vector<16xi32>], vector<16xf32>,
        %gather3A_322 = tpu.vector_load_idx %arg6[%add3A_14, %add3A_318] : memref<128x64xf32, #tpu.memory_space<vmem>>[vector<16xi32>, vector<16xi32>], vector<16xf32>,
        %gather3A_323 = tpu.vector_load_idx %arg6[%add3A_17, %add3A_318] : memref<128x64xf32, #tpu.memory_space<vmem>>[vector<16xi32>, vector<16xi32>], vector<16xf32>,
        %gather3A_324 = tpu.vector_load_idx %arg6[%add3A_20, %add3A_318] : memref<128x64xf32, #tpu.memory_space<vmem>>[vector<16xi32>, vector<16xi32>], vector<16xf32>,
        %gather3A_325 = tpu.vector_load_idx %arg6[%add3A_23, %add3A_318] : memref<128x64xf32, #tpu.memory_space<vmem>>[vector<16xi32>, vector<16xi32>], vector<16xf32>,
        %gather3A_326 = tpu.vector_load_idx %arg6[%add3A_26, %add3A_318] : memref<128x64xf32, #tpu.memory_space<vmem>>[vector<16xi32>, vector<16xi32>], vector<16xf32>,
        tpu.vector_store_idx %arg8[%add3A_318, %add3A_5], %gather3A_319 : memref<64x128xf32, #tpu.memory_space<vmem>>[vector<16xi32>, vector<16xi32>], vector<16xf32>,
        tpu.vector_store_idx %arg8[%add3A_318, %add3A_8], %gather3A_320 : memref<64x128xf32, #tpu.memory_space<vmem>>[vector<16xi32>, vector<16xi32>], vector<16xf32>,
        tpu.vector_store_idx %arg8[%add3A_318, %add3A_11], %gather3A_321 : memref<64x128xf32, #tpu.memory_space<vmem>>[vector<16xi32>, vector<16xi32>], vector<16xf32>,
        tpu.vector_store_idx %arg8[%add3A_318, %add3A_14], %gather3A_322 : memref<64x128xf32, #tpu.memory_space<vmem>>[vector<16xi32>, vector<16xi32>], vector<16xf32>,
        tpu.vector_store_idx %arg8[%add3A_318, %add3A_17], %gather3A_323 : memref<64x128xf32, #tpu.memory_space<vmem>>[vector<16xi32>, vector<16xi32>], vector<16xf32>,
        tpu.vector_store_idx %arg8[%add3A_318, %add3A_20], %gather3A_324 : memref<64x128xf32, #tpu.memory_space<vmem>>[vector<16xi32>, vector<16xi32>], vector<16xf32>,
        tpu.vector_store_idx %arg8[%add3A_318, %add3A_23], %gather3A_325 : memref<64x128xf32, #tpu.memory_space<vmem>>[vector<16xi32>, vector<16xi32>], vector<16xf32>,
        tpu.vector_store_idx %arg8[%add3A_318, %add3A_26], %gather3A_326 : memref<64x128xf32, #tpu.memory_space<vmem>>[vector<16xi32>, vector<16xi32>], vector<16xf32>,
        %add3A_327 = arith.constant 13 : i32
        %add3A_328 = vector.broadcast %add3A_327 : i32 to vector<16xi32>
        %add3A_329 = arith.addi %iota3A, %add3A_328 : vector<16xi32>
        %and3A_330 = arith.constant 15 : i32
        %and3A_331 = vector.broadcast %and3A_330 : i32 to vector<16xi32>
        %and3A_332 = arith.andi %add3A_329, %and3A_331 : vector<16xi32>
        %add3A_333 = vector.broadcast %mul3A_120 : i32 to vector<16xi32>
        %add3A_334 = arith.addi %and3A_332, %add3A_333 : vector<16xi32>
        %gather3A_335 = tpu.vector_load_idx %arg6[%add3A_5, %add3A_334] : memref<128x64xf32, #tpu.memory_space<vmem>>[vector<16xi32>, vector<16xi32>], vector<16xf32>,
        %gather3A_336 = tpu.vector_load_idx %arg6[%add3A_8, %add3A_334] : memref<128x64xf32, #tpu.memory_space<vmem>>[vector<16xi32>, vector<16xi32>], vector<16xf32>,
        %gather3A_337 = tpu.vector_load_idx %arg6[%add3A_11, %add3A_334] : memref<128x64xf32, #tpu.memory_space<vmem>>[vector<16xi32>, vector<16xi32>], vector<16xf32>,
        %gather3A_338 = tpu.vector_load_idx %arg6[%add3A_14, %add3A_334] : memref<128x64xf32, #tpu.memory_space<vmem>>[vector<16xi32>, vector<16xi32>], vector<16xf32>,
        %gather3A_339 = tpu.vector_load_idx %arg6[%add3A_17, %add3A_334] : memref<128x64xf32, #tpu.memory_space<vmem>>[vector<16xi32>, vector<16xi32>], vector<16xf32>,
        %gather3A_340 = tpu.vector_load_idx %arg6[%add3A_20, %add3A_334] : memref<128x64xf32, #tpu.memory_space<vmem>>[vector<16xi32>, vector<16xi32>], vector<16xf32>,
        %gather3A_341 = tpu.vector_load_idx %arg6[%add3A_23, %add3A_334] : memref<128x64xf32, #tpu.memory_space<vmem>>[vector<16xi32>, vector<16xi32>], vector<16xf32>,
        %gather3A_342 = tpu.vector_load_idx %arg6[%add3A_26, %add3A_334] : memref<128x64xf32, #tpu.memory_space<vmem>>[vector<16xi32>, vector<16xi32>], vector<16xf32>,
        tpu.vector_store_idx %arg8[%add3A_334, %add3A_5], %gather3A_335 : memref<64x128xf32, #tpu.memory_space<vmem>>[vector<16xi32>, vector<16xi32>], vector<16xf32>,
        tpu.vector_store_idx %arg8[%add3A_334, %add3A_8], %gather3A_336 : memref<64x128xf32, #tpu.memory_space<vmem>>[vector<16xi32>, vector<16xi32>], vector<16xf32>,
        tpu.vector_store_idx %arg8[%add3A_334, %add3A_11], %gather3A_337 : memref<64x128xf32, #tpu.memory_space<vmem>>[vector<16xi32>, vector<16xi32>], vector<16xf32>,
        tpu.vector_store_idx %arg8[%add3A_334, %add3A_14], %gather3A_338 : memref<64x128xf32, #tpu.memory_space<vmem>>[vector<16xi32>, vector<16xi32>], vector<16xf32>,
        tpu.vector_store_idx %arg8[%add3A_334, %add3A_17], %gather3A_339 : memref<64x128xf32, #tpu.memory_space<vmem>>[vector<16xi32>, vector<16xi32>], vector<16xf32>,
        tpu.vector_store_idx %arg8[%add3A_334, %add3A_20], %gather3A_340 : memref<64x128xf32, #tpu.memory_space<vmem>>[vector<16xi32>, vector<16xi32>], vector<16xf32>,
        tpu.vector_store_idx %arg8[%add3A_334, %add3A_23], %gather3A_341 : memref<64x128xf32, #tpu.memory_space<vmem>>[vector<16xi32>, vector<16xi32>], vector<16xf32>,
        tpu.vector_store_idx %arg8[%add3A_334, %add3A_26], %gather3A_342 : memref<64x128xf32, #tpu.memory_space<vmem>>[vector<16xi32>, vector<16xi32>], vector<16xf32>,
        %add3A_343 = arith.constant 14 : i32
        %add3A_344 = vector.broadcast %add3A_343 : i32 to vector<16xi32>
        %add3A_345 = arith.addi %iota3A, %add3A_344 : vector<16xi32>
        %and3A_346 = arith.constant 15 : i32
        %and3A_347 = vector.broadcast %and3A_346 : i32 to vector<16xi32>
        %and3A_348 = arith.andi %add3A_345, %and3A_347 : vector<16xi32>
        %add3A_349 = vector.broadcast %mul3A_120 : i32 to vector<16xi32>
        %add3A_350 = arith.addi %and3A_348, %add3A_349 : vector<16xi32>
        %gather3A_351 = tpu.vector_load_idx %arg6[%add3A_5, %add3A_350] : memref<128x64xf32, #tpu.memory_space<vmem>>[vector<16xi32>, vector<16xi32>], vector<16xf32>,
        %gather3A_352 = tpu.vector_load_idx %arg6[%add3A_8, %add3A_350] : memref<128x64xf32, #tpu.memory_space<vmem>>[vector<16xi32>, vector<16xi32>], vector<16xf32>,
        %gather3A_353 = tpu.vector_load_idx %arg6[%add3A_11, %add3A_350] : memref<128x64xf32, #tpu.memory_space<vmem>>[vector<16xi32>, vector<16xi32>], vector<16xf32>,
        %gather3A_354 = tpu.vector_load_idx %arg6[%add3A_14, %add3A_350] : memref<128x64xf32, #tpu.memory_space<vmem>>[vector<16xi32>, vector<16xi32>], vector<16xf32>,
        %gather3A_355 = tpu.vector_load_idx %arg6[%add3A_17, %add3A_350] : memref<128x64xf32, #tpu.memory_space<vmem>>[vector<16xi32>, vector<16xi32>], vector<16xf32>,
        %gather3A_356 = tpu.vector_load_idx %arg6[%add3A_20, %add3A_350] : memref<128x64xf32, #tpu.memory_space<vmem>>[vector<16xi32>, vector<16xi32>], vector<16xf32>,
        %gather3A_357 = tpu.vector_load_idx %arg6[%add3A_23, %add3A_350] : memref<128x64xf32, #tpu.memory_space<vmem>>[vector<16xi32>, vector<16xi32>], vector<16xf32>,
        %gather3A_358 = tpu.vector_load_idx %arg6[%add3A_26, %add3A_350] : memref<128x64xf32, #tpu.memory_space<vmem>>[vector<16xi32>, vector<16xi32>], vector<16xf32>,
        tpu.vector_store_idx %arg8[%add3A_350, %add3A_5], %gather3A_351 : memref<64x128xf32, #tpu.memory_space<vmem>>[vector<16xi32>, vector<16xi32>], vector<16xf32>,
        tpu.vector_store_idx %arg8[%add3A_350, %add3A_8], %gather3A_352 : memref<64x128xf32, #tpu.memory_space<vmem>>[vector<16xi32>, vector<16xi32>], vector<16xf32>,
        tpu.vector_store_idx %arg8[%add3A_350, %add3A_11], %gather3A_353 : memref<64x128xf32, #tpu.memory_space<vmem>>[vector<16xi32>, vector<16xi32>], vector<16xf32>,
        tpu.vector_store_idx %arg8[%add3A_350, %add3A_14], %gather3A_354 : memref<64x128xf32, #tpu.memory_space<vmem>>[vector<16xi32>, vector<16xi32>], vector<16xf32>,
        tpu.vector_store_idx %arg8[%add3A_350, %add3A_17], %gather3A_355 : memref<64x128xf32, #tpu.memory_space<vmem>>[vector<16xi32>, vector<16xi32>], vector<16xf32>,
        tpu.vector_store_idx %arg8[%add3A_350, %add3A_20], %gather3A_356 : memref<64x128xf32, #tpu.memory_space<vmem>>[vector<16xi32>, vector<16xi32>], vector<16xf32>,
        tpu.vector_store_idx %arg8[%add3A_350, %add3A_23], %gather3A_357 : memref<64x128xf32, #tpu.memory_space<vmem>>[vector<16xi32>, vector<16xi32>], vector<16xf32>,
        tpu.vector_store_idx %arg8[%add3A_350, %add3A_26], %gather3A_358 : memref<64x128xf32, #tpu.memory_space<vmem>>[vector<16xi32>, vector<16xi32>], vector<16xf32>,
        %add3A_359 = arith.constant 15 : i32
        %add3A_360 = vector.broadcast %add3A_359 : i32 to vector<16xi32>
        %add3A_361 = arith.addi %iota3A, %add3A_360 : vector<16xi32>
        %and3A_362 = arith.constant 15 : i32
        %and3A_363 = vector.broadcast %and3A_362 : i32 to vector<16xi32>
        %and3A_364 = arith.andi %add3A_361, %and3A_363 : vector<16xi32>
        %add3A_365 = vector.broadcast %mul3A_120 : i32 to vector<16xi32>
        %add3A_366 = arith.addi %and3A_364, %add3A_365 : vector<16xi32>
        %gather3A_367 = tpu.vector_load_idx %arg6[%add3A_5, %add3A_366] : memref<128x64xf32, #tpu.memory_space<vmem>>[vector<16xi32>, vector<16xi32>], vector<16xf32>,
        %gather3A_368 = tpu.vector_load_idx %arg6[%add3A_8, %add3A_366] : memref<128x64xf32, #tpu.memory_space<vmem>>[vector<16xi32>, vector<16xi32>], vector<16xf32>,
        %gather3A_369 = tpu.vector_load_idx %arg6[%add3A_11, %add3A_366] : memref<128x64xf32, #tpu.memory_space<vmem>>[vector<16xi32>, vector<16xi32>], vector<16xf32>,
        %gather3A_370 = tpu.vector_load_idx %arg6[%add3A_14, %add3A_366] : memref<128x64xf32, #tpu.memory_space<vmem>>[vector<16xi32>, vector<16xi32>], vector<16xf32>,
        %gather3A_371 = tpu.vector_load_idx %arg6[%add3A_17, %add3A_366] : memref<128x64xf32, #tpu.memory_space<vmem>>[vector<16xi32>, vector<16xi32>], vector<16xf32>,
        %gather3A_372 = tpu.vector_load_idx %arg6[%add3A_20, %add3A_366] : memref<128x64xf32, #tpu.memory_space<vmem>>[vector<16xi32>, vector<16xi32>], vector<16xf32>,
        %gather3A_373 = tpu.vector_load_idx %arg6[%add3A_23, %add3A_366] : memref<128x64xf32, #tpu.memory_space<vmem>>[vector<16xi32>, vector<16xi32>], vector<16xf32>,
        %gather3A_374 = tpu.vector_load_idx %arg6[%add3A_26, %add3A_366] : memref<128x64xf32, #tpu.memory_space<vmem>>[vector<16xi32>, vector<16xi32>], vector<16xf32>,
        tpu.vector_store_idx %arg8[%add3A_366, %add3A_5], %gather3A_367 : memref<64x128xf32, #tpu.memory_space<vmem>>[vector<16xi32>, vector<16xi32>], vector<16xf32>,
        tpu.vector_store_idx %arg8[%add3A_366, %add3A_8], %gather3A_368 : memref<64x128xf32, #tpu.memory_space<vmem>>[vector<16xi32>, vector<16xi32>], vector<16xf32>,
        tpu.vector_store_idx %arg8[%add3A_366, %add3A_11], %gather3A_369 : memref<64x128xf32, #tpu.memory_space<vmem>>[vector<16xi32>, vector<16xi32>], vector<16xf32>,
        tpu.vector_store_idx %arg8[%add3A_366, %add3A_14], %gather3A_370 : memref<64x128xf32, #tpu.memory_space<vmem>>[vector<16xi32>, vector<16xi32>], vector<16xf32>,
        tpu.vector_store_idx %arg8[%add3A_366, %add3A_17], %gather3A_371 : memref<64x128xf32, #tpu.memory_space<vmem>>[vector<16xi32>, vector<16xi32>], vector<16xf32>,
        tpu.vector_store_idx %arg8[%add3A_366, %add3A_20], %gather3A_372 : memref<64x128xf32, #tpu.memory_space<vmem>>[vector<16xi32>, vector<16xi32>], vector<16xf32>,
        tpu.vector_store_idx %arg8[%add3A_366, %add3A_23], %gather3A_373 : memref<64x128xf32, #tpu.memory_space<vmem>>[vector<16xi32>, vector<16xi32>], vector<16xf32>,
        tpu.vector_store_idx %arg8[%add3A_366, %add3A_26], %gather3A_374 : memref<64x128xf32, #tpu.memory_space<vmem>>[vector<16xi32>, vector<16xi32>], vector<16xf32>,
      }
      %scan3A_75 = arith.constant 4 : i32
      %dma_start3A_76 = arith.constant 0 : i32
      %dma_start3A_77 = tpu.memref_slice %arg4[%add3A_61, %dma_start3A_76, %mul3A_2] : memref<200x64x4096xf32, #tpu.memory_space<hbm>> -> memref<1x64x128xf32, #tpu.memory_space<hbm>>
      %dma_start3A_78 = tpu.memref_squeeze %dma_start3A_77 : memref<1x64x128xf32, #tpu.memory_space<hbm>> -> memref<64x128xf32, #tpu.memory_space<hbm>>
      %dma_start3A_79 = arith.constant 0 : i32
      %dma_start3A_80 = tpu.memref_slice %arg4[%add3A_61, %dma_start3A_79, %mul3A_2] : memref<200x64x4096xf32, #tpu.memory_space<hbm>> -> memref<1x64x128xf32, #tpu.memory_space<hbm>>
      %dma_start3A_81 = tpu.memref_squeeze %dma_start3A_80 : memref<1x64x128xf32, #tpu.memory_space<hbm>> -> memref<64x128xf32, #tpu.memory_space<hbm>>
      tpu.enqueue_dma source(%arg8 : memref<64x128xf32, #tpu.memory_space<vmem>>) target(%dma_start3A_81 : memref<64x128xf32, #tpu.memory_space<hbm>>) target_semaphore(%arg12 : memref<!tpu.dma_semaphore, #tpu.memory_space<semaphore_mem>>)
      %lt3A = arith.constant 99 : i32
      %lt3A_82 = arith.cmpi slt, %scan3A_57, %lt3A : i32
      %convert_element_type3A_83 = arith.extui %lt3A_82 : i1 to i32
      %cond3A_84 = arith.constant 0 : i32
      %cond3A_85 = arith.cmpi ne, %convert_element_type3A_83, %cond3A_84 : i32
      scf.if %cond3A_85 {
        %add3A_118 = arith.constant 2 : i32
        %add3A_119 = arith.addi %add3A_61, %add3A_118 : i32
        %dma_start3A_120 = arith.constant 0 : i32
        %dma_start3A_121 = tpu.memref_slice %arg5[%add3A_119, %dma_start3A_120] : memref<200x128xi32, #tpu.memory_space<vmem>> -> memref<1x128xi32, #tpu.memory_space<vmem>>
        %dma_start3A_122 = tpu.memref_squeeze %dma_start3A_121 : memref<1x128xi32, #tpu.memory_space<vmem>> -> memref<128xi32, #tpu.memory_space<vmem>>
        %dma_start3A_123 = arith.constant 0 : i32
        %dma_start3A_124 = arith.constant 0 : i32
        %dma_start3A_125 = tpu.memref_slice %arg3[%dma_start3A_123, %dma_start3A_124] : memref<1000000x64xf32, #tpu.memory_space<hbm>> -> memref<1000000x64xf32, #tpu.memory_space<hbm>>
        tpu.enqueue_indirect_dma source(%dma_start3A_125 : memref<1000000x64xf32, #tpu.memory_space<hbm>>) target(%arg6 : memref<128x64xf32, #tpu.memory_space<vmem>>) offsets(%dma_start3A_122 : memref<128xi32, #tpu.memory_space<vmem>>) semaphore(%arg10 : memref<!tpu.dma_semaphore, #tpu.memory_space<semaphore_mem>>)
      } else {
      }
      %mul3A_86 = arith.constant 2 : i32
      %mul3A_87 = arith.muli %scan3A_57, %mul3A_86 : i32
      %add3A_88 = arith.constant 1 : i32
      %add3A_89 = arith.addi %mul3A_87, %add3A_88 : i32
      %dma_wait3A_90 = arith.constant 0 : i32
      %dma_wait3A_91 = arith.constant 0 : i32
      %dma_wait3A_92 = tpu.memref_slice %arg5[%dma_wait3A_90, %dma_wait3A_91] : memref<200x128xi32, #tpu.memory_space<vmem>> -> memref<1x128xi32, #tpu.memory_space<vmem>>
      %dma_wait3A_93 = tpu.memref_squeeze %dma_wait3A_92 : memref<1x128xi32, #tpu.memory_space<vmem>> -> memref<128xi32, #tpu.memory_space<vmem>>
      %dma_wait3A_94 = arith.constant 0 : i32
      %dma_wait3A_95 = arith.constant 0 : i32
      %dma_wait3A_96 = tpu.memref_slice %arg3[%dma_wait3A_94, %dma_wait3A_95] : memref<1000000x64xf32, #tpu.memory_space<hbm>> -> memref<1000000x64xf32, #tpu.memory_space<hbm>>
      tpu.wait_indirect_dma semaphore(%arg11 : memref<!tpu.dma_semaphore, #tpu.memory_space<semaphore_mem>>) src(%dma_wait3A_96 : memref<1000000x64xf32, #tpu.memory_space<hbm>>) dst(%arg7 : memref<128x64xf32, #tpu.memory_space<vmem>>)
      %gt3A_97 = arith.constant 0 : i32
      %gt3A_98 = arith.cmpi sgt, %scan3A_57, %gt3A_97 : i32
      %convert_element_type3A_99 = arith.extui %gt3A_98 : i1 to i32
      %cond3A_100 = arith.constant 0 : i32
      %cond3A_101 = arith.cmpi ne, %convert_element_type3A_99, %cond3A_100 : i32
      scf.if %cond3A_101 {
        %dma_wait3A_118 = arith.constant 0 : i32
        %dma_wait3A_119 = arith.constant 0 : i32
        %dma_wait3A_120 = tpu.memref_slice %arg4[%dma_wait3A_118, %dma_wait3A_119, %mul3A_2] : memref<200x64x4096xf32, #tpu.memory_space<hbm>> -> memref<1x64x128xf32, #tpu.memory_space<hbm>>
        %dma_wait3A_121 = tpu.memref_squeeze %dma_wait3A_120 : memref<1x64x128xf32, #tpu.memory_space<hbm>> -> memref<64x128xf32, #tpu.memory_space<hbm>>
        %dma_wait3A_122 = arith.constant 0 : i32
        %dma_wait3A_123 = tpu.memref_slice %arg4[%dma_wait3A_118, %dma_wait3A_122, %mul3A_2] : memref<200x64x4096xf32, #tpu.memory_space<hbm>> -> memref<1x64x128xf32, #tpu.memory_space<hbm>>
        %dma_wait3A_124 = tpu.memref_squeeze %dma_wait3A_123 : memref<1x64x128xf32, #tpu.memory_space<hbm>> -> memref<64x128xf32, #tpu.memory_space<hbm>>
        tpu.wait_dma2 semaphore(%arg13 : memref<!tpu.dma_semaphore, #tpu.memory_space<semaphore_mem>>) src(%arg9 : memref<64x128xf32, #tpu.memory_space<vmem>>) dst(%dma_wait3A_124 : memref<64x128xf32, #tpu.memory_space<hbm>>)
      } else {
      }
      %scan3A_102 = arith.constant 0 : i32
      %scan3A_103 = arith.constant 4 : i32
      %scan3A_104 = arith.addi %scan3A_102, %scan3A_103 : i32
      %scan3A_105 = arith.constant 1 : i32
      scf.for %scan3A_118 = %scan3A_102 to %scan3A_104 step %scan3A_105  : i32 {
        %mul3A_119 = arith.constant 16 : i32
        %mul3A_120 = arith.muli %scan3A_118, %mul3A_119 : i32
        %add3A_121 = arith.constant 0 : i32
        %add3A_122 = vector.broadcast %add3A_121 : i32 to vector<16xi32>
        %add3A_123 = arith.addi %iota3A, %add3A_122 : vector<16xi32>
        %and3A = arith.constant 15 : i32
        %and3A_124 = vector.broadcast %and3A : i32 to vector<16xi32>
        %and3A_125 = arith.andi %add3A_123, %and3A_124 : vector<16xi32>
        %add3A_126 = vector.broadcast %mul3A_120 : i32 to vector<16xi32>
        %add3A_127 = arith.addi %and3A_125, %add3A_126 : vector<16xi32>
        %gather3A = tpu.vector_load_idx %arg7[%add3A_5, %add3A_127] : memref<128x64xf32, #tpu.memory_space<vmem>>[vector<16xi32>, vector<16xi32>], vector<16xf32>,
        %gather3A_128 = tpu.vector_load_idx %arg7[%add3A_8, %add3A_127] : memref<128x64xf32, #tpu.memory_space<vmem>>[vector<16xi32>, vector<16xi32>], vector<16xf32>,
        %gather3A_129 = tpu.vector_load_idx %arg7[%add3A_11, %add3A_127] : memref<128x64xf32, #tpu.memory_space<vmem>>[vector<16xi32>, vector<16xi32>], vector<16xf32>,
        %gather3A_130 = tpu.vector_load_idx %arg7[%add3A_14, %add3A_127] : memref<128x64xf32, #tpu.memory_space<vmem>>[vector<16xi32>, vector<16xi32>], vector<16xf32>,
        %gather3A_131 = tpu.vector_load_idx %arg7[%add3A_17, %add3A_127] : memref<128x64xf32, #tpu.memory_space<vmem>>[vector<16xi32>, vector<16xi32>], vector<16xf32>,
        %gather3A_132 = tpu.vector_load_idx %arg7[%add3A_20, %add3A_127] : memref<128x64xf32, #tpu.memory_space<vmem>>[vector<16xi32>, vector<16xi32>], vector<16xf32>,
        %gather3A_133 = tpu.vector_load_idx %arg7[%add3A_23, %add3A_127] : memref<128x64xf32, #tpu.memory_space<vmem>>[vector<16xi32>, vector<16xi32>], vector<16xf32>,
        %gather3A_134 = tpu.vector_load_idx %arg7[%add3A_26, %add3A_127] : memref<128x64xf32, #tpu.memory_space<vmem>>[vector<16xi32>, vector<16xi32>], vector<16xf32>,
        tpu.vector_store_idx %arg9[%add3A_127, %add3A_5], %gather3A : memref<64x128xf32, #tpu.memory_space<vmem>>[vector<16xi32>, vector<16xi32>], vector<16xf32>,
        tpu.vector_store_idx %arg9[%add3A_127, %add3A_8], %gather3A_128 : memref<64x128xf32, #tpu.memory_space<vmem>>[vector<16xi32>, vector<16xi32>], vector<16xf32>,
        tpu.vector_store_idx %arg9[%add3A_127, %add3A_11], %gather3A_129 : memref<64x128xf32, #tpu.memory_space<vmem>>[vector<16xi32>, vector<16xi32>], vector<16xf32>,
        tpu.vector_store_idx %arg9[%add3A_127, %add3A_14], %gather3A_130 : memref<64x128xf32, #tpu.memory_space<vmem>>[vector<16xi32>, vector<16xi32>], vector<16xf32>,
        tpu.vector_store_idx %arg9[%add3A_127, %add3A_17], %gather3A_131 : memref<64x128xf32, #tpu.memory_space<vmem>>[vector<16xi32>, vector<16xi32>], vector<16xf32>,
        tpu.vector_store_idx %arg9[%add3A_127, %add3A_20], %gather3A_132 : memref<64x128xf32, #tpu.memory_space<vmem>>[vector<16xi32>, vector<16xi32>], vector<16xf32>,
        tpu.vector_store_idx %arg9[%add3A_127, %add3A_23], %gather3A_133 : memref<64x128xf32, #tpu.memory_space<vmem>>[vector<16xi32>, vector<16xi32>], vector<16xf32>,
        tpu.vector_store_idx %arg9[%add3A_127, %add3A_26], %gather3A_134 : memref<64x128xf32, #tpu.memory_space<vmem>>[vector<16xi32>, vector<16xi32>], vector<16xf32>,
        %add3A_135 = arith.constant 1 : i32
        %add3A_136 = vector.broadcast %add3A_135 : i32 to vector<16xi32>
        %add3A_137 = arith.addi %iota3A, %add3A_136 : vector<16xi32>
        %and3A_138 = arith.constant 15 : i32
        %and3A_139 = vector.broadcast %and3A_138 : i32 to vector<16xi32>
        %and3A_140 = arith.andi %add3A_137, %and3A_139 : vector<16xi32>
        %add3A_141 = vector.broadcast %mul3A_120 : i32 to vector<16xi32>
        %add3A_142 = arith.addi %and3A_140, %add3A_141 : vector<16xi32>
        %gather3A_143 = tpu.vector_load_idx %arg7[%add3A_5, %add3A_142] : memref<128x64xf32, #tpu.memory_space<vmem>>[vector<16xi32>, vector<16xi32>], vector<16xf32>,
        %gather3A_144 = tpu.vector_load_idx %arg7[%add3A_8, %add3A_142] : memref<128x64xf32, #tpu.memory_space<vmem>>[vector<16xi32>, vector<16xi32>], vector<16xf32>,
        %gather3A_145 = tpu.vector_load_idx %arg7[%add3A_11, %add3A_142] : memref<128x64xf32, #tpu.memory_space<vmem>>[vector<16xi32>, vector<16xi32>], vector<16xf32>,
        %gather3A_146 = tpu.vector_load_idx %arg7[%add3A_14, %add3A_142] : memref<128x64xf32, #tpu.memory_space<vmem>>[vector<16xi32>, vector<16xi32>], vector<16xf32>,
        %gather3A_147 = tpu.vector_load_idx %arg7[%add3A_17, %add3A_142] : memref<128x64xf32, #tpu.memory_space<vmem>>[vector<16xi32>, vector<16xi32>], vector<16xf32>,
        %gather3A_148 = tpu.vector_load_idx %arg7[%add3A_20, %add3A_142] : memref<128x64xf32, #tpu.memory_space<vmem>>[vector<16xi32>, vector<16xi32>], vector<16xf32>,
        %gather3A_149 = tpu.vector_load_idx %arg7[%add3A_23, %add3A_142] : memref<128x64xf32, #tpu.memory_space<vmem>>[vector<16xi32>, vector<16xi32>], vector<16xf32>,
        %gather3A_150 = tpu.vector_load_idx %arg7[%add3A_26, %add3A_142] : memref<128x64xf32, #tpu.memory_space<vmem>>[vector<16xi32>, vector<16xi32>], vector<16xf32>,
        tpu.vector_store_idx %arg9[%add3A_142, %add3A_5], %gather3A_143 : memref<64x128xf32, #tpu.memory_space<vmem>>[vector<16xi32>, vector<16xi32>], vector<16xf32>,
        tpu.vector_store_idx %arg9[%add3A_142, %add3A_8], %gather3A_144 : memref<64x128xf32, #tpu.memory_space<vmem>>[vector<16xi32>, vector<16xi32>], vector<16xf32>,
        tpu.vector_store_idx %arg9[%add3A_142, %add3A_11], %gather3A_145 : memref<64x128xf32, #tpu.memory_space<vmem>>[vector<16xi32>, vector<16xi32>], vector<16xf32>,
        tpu.vector_store_idx %arg9[%add3A_142, %add3A_14], %gather3A_146 : memref<64x128xf32, #tpu.memory_space<vmem>>[vector<16xi32>, vector<16xi32>], vector<16xf32>,
        tpu.vector_store_idx %arg9[%add3A_142, %add3A_17], %gather3A_147 : memref<64x128xf32, #tpu.memory_space<vmem>>[vector<16xi32>, vector<16xi32>], vector<16xf32>,
        tpu.vector_store_idx %arg9[%add3A_142, %add3A_20], %gather3A_148 : memref<64x128xf32, #tpu.memory_space<vmem>>[vector<16xi32>, vector<16xi32>], vector<16xf32>,
        tpu.vector_store_idx %arg9[%add3A_142, %add3A_23], %gather3A_149 : memref<64x128xf32, #tpu.memory_space<vmem>>[vector<16xi32>, vector<16xi32>], vector<16xf32>,
        tpu.vector_store_idx %arg9[%add3A_142, %add3A_26], %gather3A_150 : memref<64x128xf32, #tpu.memory_space<vmem>>[vector<16xi32>, vector<16xi32>], vector<16xf32>,
        %add3A_151 = arith.constant 2 : i32
        %add3A_152 = vector.broadcast %add3A_151 : i32 to vector<16xi32>
        %add3A_153 = arith.addi %iota3A, %add3A_152 : vector<16xi32>
        %and3A_154 = arith.constant 15 : i32
        %and3A_155 = vector.broadcast %and3A_154 : i32 to vector<16xi32>
        %and3A_156 = arith.andi %add3A_153, %and3A_155 : vector<16xi32>
        %add3A_157 = vector.broadcast %mul3A_120 : i32 to vector<16xi32>
        %add3A_158 = arith.addi %and3A_156, %add3A_157 : vector<16xi32>
        %gather3A_159 = tpu.vector_load_idx %arg7[%add3A_5, %add3A_158] : memref<128x64xf32, #tpu.memory_space<vmem>>[vector<16xi32>, vector<16xi32>], vector<16xf32>,
        %gather3A_160 = tpu.vector_load_idx %arg7[%add3A_8, %add3A_158] : memref<128x64xf32, #tpu.memory_space<vmem>>[vector<16xi32>, vector<16xi32>], vector<16xf32>,
        %gather3A_161 = tpu.vector_load_idx %arg7[%add3A_11, %add3A_158] : memref<128x64xf32, #tpu.memory_space<vmem>>[vector<16xi32>, vector<16xi32>], vector<16xf32>,
        %gather3A_162 = tpu.vector_load_idx %arg7[%add3A_14, %add3A_158] : memref<128x64xf32, #tpu.memory_space<vmem>>[vector<16xi32>, vector<16xi32>], vector<16xf32>,
        %gather3A_163 = tpu.vector_load_idx %arg7[%add3A_17, %add3A_158] : memref<128x64xf32, #tpu.memory_space<vmem>>[vector<16xi32>, vector<16xi32>], vector<16xf32>,
        %gather3A_164 = tpu.vector_load_idx %arg7[%add3A_20, %add3A_158] : memref<128x64xf32, #tpu.memory_space<vmem>>[vector<16xi32>, vector<16xi32>], vector<16xf32>,
        %gather3A_165 = tpu.vector_load_idx %arg7[%add3A_23, %add3A_158] : memref<128x64xf32, #tpu.memory_space<vmem>>[vector<16xi32>, vector<16xi32>], vector<16xf32>,
        %gather3A_166 = tpu.vector_load_idx %arg7[%add3A_26, %add3A_158] : memref<128x64xf32, #tpu.memory_space<vmem>>[vector<16xi32>, vector<16xi32>], vector<16xf32>,
        tpu.vector_store_idx %arg9[%add3A_158, %add3A_5], %gather3A_159 : memref<64x128xf32, #tpu.memory_space<vmem>>[vector<16xi32>, vector<16xi32>], vector<16xf32>,
        tpu.vector_store_idx %arg9[%add3A_158, %add3A_8], %gather3A_160 : memref<64x128xf32, #tpu.memory_space<vmem>>[vector<16xi32>, vector<16xi32>], vector<16xf32>,
        tpu.vector_store_idx %arg9[%add3A_158, %add3A_11], %gather3A_161 : memref<64x128xf32, #tpu.memory_space<vmem>>[vector<16xi32>, vector<16xi32>], vector<16xf32>,
        tpu.vector_store_idx %arg9[%add3A_158, %add3A_14], %gather3A_162 : memref<64x128xf32, #tpu.memory_space<vmem>>[vector<16xi32>, vector<16xi32>], vector<16xf32>,
        tpu.vector_store_idx %arg9[%add3A_158, %add3A_17], %gather3A_163 : memref<64x128xf32, #tpu.memory_space<vmem>>[vector<16xi32>, vector<16xi32>], vector<16xf32>,
        tpu.vector_store_idx %arg9[%add3A_158, %add3A_20], %gather3A_164 : memref<64x128xf32, #tpu.memory_space<vmem>>[vector<16xi32>, vector<16xi32>], vector<16xf32>,
        tpu.vector_store_idx %arg9[%add3A_158, %add3A_23], %gather3A_165 : memref<64x128xf32, #tpu.memory_space<vmem>>[vector<16xi32>, vector<16xi32>], vector<16xf32>,
        tpu.vector_store_idx %arg9[%add3A_158, %add3A_26], %gather3A_166 : memref<64x128xf32, #tpu.memory_space<vmem>>[vector<16xi32>, vector<16xi32>], vector<16xf32>,
        %add3A_167 = arith.constant 3 : i32
        %add3A_168 = vector.broadcast %add3A_167 : i32 to vector<16xi32>
        %add3A_169 = arith.addi %iota3A, %add3A_168 : vector<16xi32>
        %and3A_170 = arith.constant 15 : i32
        %and3A_171 = vector.broadcast %and3A_170 : i32 to vector<16xi32>
        %and3A_172 = arith.andi %add3A_169, %and3A_171 : vector<16xi32>
        %add3A_173 = vector.broadcast %mul3A_120 : i32 to vector<16xi32>
        %add3A_174 = arith.addi %and3A_172, %add3A_173 : vector<16xi32>
        %gather3A_175 = tpu.vector_load_idx %arg7[%add3A_5, %add3A_174] : memref<128x64xf32, #tpu.memory_space<vmem>>[vector<16xi32>, vector<16xi32>], vector<16xf32>,
        %gather3A_176 = tpu.vector_load_idx %arg7[%add3A_8, %add3A_174] : memref<128x64xf32, #tpu.memory_space<vmem>>[vector<16xi32>, vector<16xi32>], vector<16xf32>,
        %gather3A_177 = tpu.vector_load_idx %arg7[%add3A_11, %add3A_174] : memref<128x64xf32, #tpu.memory_space<vmem>>[vector<16xi32>, vector<16xi32>], vector<16xf32>,
        %gather3A_178 = tpu.vector_load_idx %arg7[%add3A_14, %add3A_174] : memref<128x64xf32, #tpu.memory_space<vmem>>[vector<16xi32>, vector<16xi32>], vector<16xf32>,
        %gather3A_179 = tpu.vector_load_idx %arg7[%add3A_17, %add3A_174] : memref<128x64xf32, #tpu.memory_space<vmem>>[vector<16xi32>, vector<16xi32>], vector<16xf32>,
        %gather3A_180 = tpu.vector_load_idx %arg7[%add3A_20, %add3A_174] : memref<128x64xf32, #tpu.memory_space<vmem>>[vector<16xi32>, vector<16xi32>], vector<16xf32>,
        %gather3A_181 = tpu.vector_load_idx %arg7[%add3A_23, %add3A_174] : memref<128x64xf32, #tpu.memory_space<vmem>>[vector<16xi32>, vector<16xi32>], vector<16xf32>,
        %gather3A_182 = tpu.vector_load_idx %arg7[%add3A_26, %add3A_174] : memref<128x64xf32, #tpu.memory_space<vmem>>[vector<16xi32>, vector<16xi32>], vector<16xf32>,
        tpu.vector_store_idx %arg9[%add3A_174, %add3A_5], %gather3A_175 : memref<64x128xf32, #tpu.memory_space<vmem>>[vector<16xi32>, vector<16xi32>], vector<16xf32>,
        tpu.vector_store_idx %arg9[%add3A_174, %add3A_8], %gather3A_176 : memref<64x128xf32, #tpu.memory_space<vmem>>[vector<16xi32>, vector<16xi32>], vector<16xf32>,
        tpu.vector_store_idx %arg9[%add3A_174, %add3A_11], %gather3A_177 : memref<64x128xf32, #tpu.memory_space<vmem>>[vector<16xi32>, vector<16xi32>], vector<16xf32>,
        tpu.vector_store_idx %arg9[%add3A_174, %add3A_14], %gather3A_178 : memref<64x128xf32, #tpu.memory_space<vmem>>[vector<16xi32>, vector<16xi32>], vector<16xf32>,
        tpu.vector_store_idx %arg9[%add3A_174, %add3A_17], %gather3A_179 : memref<64x128xf32, #tpu.memory_space<vmem>>[vector<16xi32>, vector<16xi32>], vector<16xf32>,
        tpu.vector_store_idx %arg9[%add3A_174, %add3A_20], %gather3A_180 : memref<64x128xf32, #tpu.memory_space<vmem>>[vector<16xi32>, vector<16xi32>], vector<16xf32>,
        tpu.vector_store_idx %arg9[%add3A_174, %add3A_23], %gather3A_181 : memref<64x128xf32, #tpu.memory_space<vmem>>[vector<16xi32>, vector<16xi32>], vector<16xf32>,
        tpu.vector_store_idx %arg9[%add3A_174, %add3A_26], %gather3A_182 : memref<64x128xf32, #tpu.memory_space<vmem>>[vector<16xi32>, vector<16xi32>], vector<16xf32>,
        %add3A_183 = arith.constant 4 : i32
        %add3A_184 = vector.broadcast %add3A_183 : i32 to vector<16xi32>
        %add3A_185 = arith.addi %iota3A, %add3A_184 : vector<16xi32>
        %and3A_186 = arith.constant 15 : i32
        %and3A_187 = vector.broadcast %and3A_186 : i32 to vector<16xi32>
        %and3A_188 = arith.andi %add3A_185, %and3A_187 : vector<16xi32>
        %add3A_189 = vector.broadcast %mul3A_120 : i32 to vector<16xi32>
        %add3A_190 = arith.addi %and3A_188, %add3A_189 : vector<16xi32>
        %gather3A_191 = tpu.vector_load_idx %arg7[%add3A_5, %add3A_190] : memref<128x64xf32, #tpu.memory_space<vmem>>[vector<16xi32>, vector<16xi32>], vector<16xf32>,
        %gather3A_192 = tpu.vector_load_idx %arg7[%add3A_8, %add3A_190] : memref<128x64xf32, #tpu.memory_space<vmem>>[vector<16xi32>, vector<16xi32>], vector<16xf32>,
        %gather3A_193 = tpu.vector_load_idx %arg7[%add3A_11, %add3A_190] : memref<128x64xf32, #tpu.memory_space<vmem>>[vector<16xi32>, vector<16xi32>], vector<16xf32>,
        %gather3A_194 = tpu.vector_load_idx %arg7[%add3A_14, %add3A_190] : memref<128x64xf32, #tpu.memory_space<vmem>>[vector<16xi32>, vector<16xi32>], vector<16xf32>,
        %gather3A_195 = tpu.vector_load_idx %arg7[%add3A_17, %add3A_190] : memref<128x64xf32, #tpu.memory_space<vmem>>[vector<16xi32>, vector<16xi32>], vector<16xf32>,
        %gather3A_196 = tpu.vector_load_idx %arg7[%add3A_20, %add3A_190] : memref<128x64xf32, #tpu.memory_space<vmem>>[vector<16xi32>, vector<16xi32>], vector<16xf32>,
        %gather3A_197 = tpu.vector_load_idx %arg7[%add3A_23, %add3A_190] : memref<128x64xf32, #tpu.memory_space<vmem>>[vector<16xi32>, vector<16xi32>], vector<16xf32>,
        %gather3A_198 = tpu.vector_load_idx %arg7[%add3A_26, %add3A_190] : memref<128x64xf32, #tpu.memory_space<vmem>>[vector<16xi32>, vector<16xi32>], vector<16xf32>,
        tpu.vector_store_idx %arg9[%add3A_190, %add3A_5], %gather3A_191 : memref<64x128xf32, #tpu.memory_space<vmem>>[vector<16xi32>, vector<16xi32>], vector<16xf32>,
        tpu.vector_store_idx %arg9[%add3A_190, %add3A_8], %gather3A_192 : memref<64x128xf32, #tpu.memory_space<vmem>>[vector<16xi32>, vector<16xi32>], vector<16xf32>,
        tpu.vector_store_idx %arg9[%add3A_190, %add3A_11], %gather3A_193 : memref<64x128xf32, #tpu.memory_space<vmem>>[vector<16xi32>, vector<16xi32>], vector<16xf32>,
        tpu.vector_store_idx %arg9[%add3A_190, %add3A_14], %gather3A_194 : memref<64x128xf32, #tpu.memory_space<vmem>>[vector<16xi32>, vector<16xi32>], vector<16xf32>,
        tpu.vector_store_idx %arg9[%add3A_190, %add3A_17], %gather3A_195 : memref<64x128xf32, #tpu.memory_space<vmem>>[vector<16xi32>, vector<16xi32>], vector<16xf32>,
        tpu.vector_store_idx %arg9[%add3A_190, %add3A_20], %gather3A_196 : memref<64x128xf32, #tpu.memory_space<vmem>>[vector<16xi32>, vector<16xi32>], vector<16xf32>,
        tpu.vector_store_idx %arg9[%add3A_190, %add3A_23], %gather3A_197 : memref<64x128xf32, #tpu.memory_space<vmem>>[vector<16xi32>, vector<16xi32>], vector<16xf32>,
        tpu.vector_store_idx %arg9[%add3A_190, %add3A_26], %gather3A_198 : memref<64x128xf32, #tpu.memory_space<vmem>>[vector<16xi32>, vector<16xi32>], vector<16xf32>,
        %add3A_199 = arith.constant 5 : i32
        %add3A_200 = vector.broadcast %add3A_199 : i32 to vector<16xi32>
        %add3A_201 = arith.addi %iota3A, %add3A_200 : vector<16xi32>
        %and3A_202 = arith.constant 15 : i32
        %and3A_203 = vector.broadcast %and3A_202 : i32 to vector<16xi32>
        %and3A_204 = arith.andi %add3A_201, %and3A_203 : vector<16xi32>
        %add3A_205 = vector.broadcast %mul3A_120 : i32 to vector<16xi32>
        %add3A_206 = arith.addi %and3A_204, %add3A_205 : vector<16xi32>
        %gather3A_207 = tpu.vector_load_idx %arg7[%add3A_5, %add3A_206] : memref<128x64xf32, #tpu.memory_space<vmem>>[vector<16xi32>, vector<16xi32>], vector<16xf32>,
        %gather3A_208 = tpu.vector_load_idx %arg7[%add3A_8, %add3A_206] : memref<128x64xf32, #tpu.memory_space<vmem>>[vector<16xi32>, vector<16xi32>], vector<16xf32>,
        %gather3A_209 = tpu.vector_load_idx %arg7[%add3A_11, %add3A_206] : memref<128x64xf32, #tpu.memory_space<vmem>>[vector<16xi32>, vector<16xi32>], vector<16xf32>,
        %gather3A_210 = tpu.vector_load_idx %arg7[%add3A_14, %add3A_206] : memref<128x64xf32, #tpu.memory_space<vmem>>[vector<16xi32>, vector<16xi32>], vector<16xf32>,
        %gather3A_211 = tpu.vector_load_idx %arg7[%add3A_17, %add3A_206] : memref<128x64xf32, #tpu.memory_space<vmem>>[vector<16xi32>, vector<16xi32>], vector<16xf32>,
        %gather3A_212 = tpu.vector_load_idx %arg7[%add3A_20, %add3A_206] : memref<128x64xf32, #tpu.memory_space<vmem>>[vector<16xi32>, vector<16xi32>], vector<16xf32>,
        %gather3A_213 = tpu.vector_load_idx %arg7[%add3A_23, %add3A_206] : memref<128x64xf32, #tpu.memory_space<vmem>>[vector<16xi32>, vector<16xi32>], vector<16xf32>,
        %gather3A_214 = tpu.vector_load_idx %arg7[%add3A_26, %add3A_206] : memref<128x64xf32, #tpu.memory_space<vmem>>[vector<16xi32>, vector<16xi32>], vector<16xf32>,
        tpu.vector_store_idx %arg9[%add3A_206, %add3A_5], %gather3A_207 : memref<64x128xf32, #tpu.memory_space<vmem>>[vector<16xi32>, vector<16xi32>], vector<16xf32>,
        tpu.vector_store_idx %arg9[%add3A_206, %add3A_8], %gather3A_208 : memref<64x128xf32, #tpu.memory_space<vmem>>[vector<16xi32>, vector<16xi32>], vector<16xf32>,
        tpu.vector_store_idx %arg9[%add3A_206, %add3A_11], %gather3A_209 : memref<64x128xf32, #tpu.memory_space<vmem>>[vector<16xi32>, vector<16xi32>], vector<16xf32>,
        tpu.vector_store_idx %arg9[%add3A_206, %add3A_14], %gather3A_210 : memref<64x128xf32, #tpu.memory_space<vmem>>[vector<16xi32>, vector<16xi32>], vector<16xf32>,
        tpu.vector_store_idx %arg9[%add3A_206, %add3A_17], %gather3A_211 : memref<64x128xf32, #tpu.memory_space<vmem>>[vector<16xi32>, vector<16xi32>], vector<16xf32>,
        tpu.vector_store_idx %arg9[%add3A_206, %add3A_20], %gather3A_212 : memref<64x128xf32, #tpu.memory_space<vmem>>[vector<16xi32>, vector<16xi32>], vector<16xf32>,
        tpu.vector_store_idx %arg9[%add3A_206, %add3A_23], %gather3A_213 : memref<64x128xf32, #tpu.memory_space<vmem>>[vector<16xi32>, vector<16xi32>], vector<16xf32>,
        tpu.vector_store_idx %arg9[%add3A_206, %add3A_26], %gather3A_214 : memref<64x128xf32, #tpu.memory_space<vmem>>[vector<16xi32>, vector<16xi32>], vector<16xf32>,
        %add3A_215 = arith.constant 6 : i32
        %add3A_216 = vector.broadcast %add3A_215 : i32 to vector<16xi32>
        %add3A_217 = arith.addi %iota3A, %add3A_216 : vector<16xi32>
        %and3A_218 = arith.constant 15 : i32
        %and3A_219 = vector.broadcast %and3A_218 : i32 to vector<16xi32>
        %and3A_220 = arith.andi %add3A_217, %and3A_219 : vector<16xi32>
        %add3A_221 = vector.broadcast %mul3A_120 : i32 to vector<16xi32>
        %add3A_222 = arith.addi %and3A_220, %add3A_221 : vector<16xi32>
        %gather3A_223 = tpu.vector_load_idx %arg7[%add3A_5, %add3A_222] : memref<128x64xf32, #tpu.memory_space<vmem>>[vector<16xi32>, vector<16xi32>], vector<16xf32>,
        %gather3A_224 = tpu.vector_load_idx %arg7[%add3A_8, %add3A_222] : memref<128x64xf32, #tpu.memory_space<vmem>>[vector<16xi32>, vector<16xi32>], vector<16xf32>,
        %gather3A_225 = tpu.vector_load_idx %arg7[%add3A_11, %add3A_222] : memref<128x64xf32, #tpu.memory_space<vmem>>[vector<16xi32>, vector<16xi32>], vector<16xf32>,
        %gather3A_226 = tpu.vector_load_idx %arg7[%add3A_14, %add3A_222] : memref<128x64xf32, #tpu.memory_space<vmem>>[vector<16xi32>, vector<16xi32>], vector<16xf32>,
        %gather3A_227 = tpu.vector_load_idx %arg7[%add3A_17, %add3A_222] : memref<128x64xf32, #tpu.memory_space<vmem>>[vector<16xi32>, vector<16xi32>], vector<16xf32>,
        %gather3A_228 = tpu.vector_load_idx %arg7[%add3A_20, %add3A_222] : memref<128x64xf32, #tpu.memory_space<vmem>>[vector<16xi32>, vector<16xi32>], vector<16xf32>,
        %gather3A_229 = tpu.vector_load_idx %arg7[%add3A_23, %add3A_222] : memref<128x64xf32, #tpu.memory_space<vmem>>[vector<16xi32>, vector<16xi32>], vector<16xf32>,
        %gather3A_230 = tpu.vector_load_idx %arg7[%add3A_26, %add3A_222] : memref<128x64xf32, #tpu.memory_space<vmem>>[vector<16xi32>, vector<16xi32>], vector<16xf32>,
        tpu.vector_store_idx %arg9[%add3A_222, %add3A_5], %gather3A_223 : memref<64x128xf32, #tpu.memory_space<vmem>>[vector<16xi32>, vector<16xi32>], vector<16xf32>,
        tpu.vector_store_idx %arg9[%add3A_222, %add3A_8], %gather3A_224 : memref<64x128xf32, #tpu.memory_space<vmem>>[vector<16xi32>, vector<16xi32>], vector<16xf32>,
        tpu.vector_store_idx %arg9[%add3A_222, %add3A_11], %gather3A_225 : memref<64x128xf32, #tpu.memory_space<vmem>>[vector<16xi32>, vector<16xi32>], vector<16xf32>,
        tpu.vector_store_idx %arg9[%add3A_222, %add3A_14], %gather3A_226 : memref<64x128xf32, #tpu.memory_space<vmem>>[vector<16xi32>, vector<16xi32>], vector<16xf32>,
        tpu.vector_store_idx %arg9[%add3A_222, %add3A_17], %gather3A_227 : memref<64x128xf32, #tpu.memory_space<vmem>>[vector<16xi32>, vector<16xi32>], vector<16xf32>,
        tpu.vector_store_idx %arg9[%add3A_222, %add3A_20], %gather3A_228 : memref<64x128xf32, #tpu.memory_space<vmem>>[vector<16xi32>, vector<16xi32>], vector<16xf32>,
        tpu.vector_store_idx %arg9[%add3A_222, %add3A_23], %gather3A_229 : memref<64x128xf32, #tpu.memory_space<vmem>>[vector<16xi32>, vector<16xi32>], vector<16xf32>,
        tpu.vector_store_idx %arg9[%add3A_222, %add3A_26], %gather3A_230 : memref<64x128xf32, #tpu.memory_space<vmem>>[vector<16xi32>, vector<16xi32>], vector<16xf32>,
        %add3A_231 = arith.constant 7 : i32
        %add3A_232 = vector.broadcast %add3A_231 : i32 to vector<16xi32>
        %add3A_233 = arith.addi %iota3A, %add3A_232 : vector<16xi32>
        %and3A_234 = arith.constant 15 : i32
        %and3A_235 = vector.broadcast %and3A_234 : i32 to vector<16xi32>
        %and3A_236 = arith.andi %add3A_233, %and3A_235 : vector<16xi32>
        %add3A_237 = vector.broadcast %mul3A_120 : i32 to vector<16xi32>
        %add3A_238 = arith.addi %and3A_236, %add3A_237 : vector<16xi32>
        %gather3A_239 = tpu.vector_load_idx %arg7[%add3A_5, %add3A_238] : memref<128x64xf32, #tpu.memory_space<vmem>>[vector<16xi32>, vector<16xi32>], vector<16xf32>,
        %gather3A_240 = tpu.vector_load_idx %arg7[%add3A_8, %add3A_238] : memref<128x64xf32, #tpu.memory_space<vmem>>[vector<16xi32>, vector<16xi32>], vector<16xf32>,
        %gather3A_241 = tpu.vector_load_idx %arg7[%add3A_11, %add3A_238] : memref<128x64xf32, #tpu.memory_space<vmem>>[vector<16xi32>, vector<16xi32>], vector<16xf32>,
        %gather3A_242 = tpu.vector_load_idx %arg7[%add3A_14, %add3A_238] : memref<128x64xf32, #tpu.memory_space<vmem>>[vector<16xi32>, vector<16xi32>], vector<16xf32>,
        %gather3A_243 = tpu.vector_load_idx %arg7[%add3A_17, %add3A_238] : memref<128x64xf32, #tpu.memory_space<vmem>>[vector<16xi32>, vector<16xi32>], vector<16xf32>,
        %gather3A_244 = tpu.vector_load_idx %arg7[%add3A_20, %add3A_238] : memref<128x64xf32, #tpu.memory_space<vmem>>[vector<16xi32>, vector<16xi32>], vector<16xf32>,
        %gather3A_245 = tpu.vector_load_idx %arg7[%add3A_23, %add3A_238] : memref<128x64xf32, #tpu.memory_space<vmem>>[vector<16xi32>, vector<16xi32>], vector<16xf32>,
        %gather3A_246 = tpu.vector_load_idx %arg7[%add3A_26, %add3A_238] : memref<128x64xf32, #tpu.memory_space<vmem>>[vector<16xi32>, vector<16xi32>], vector<16xf32>,
        tpu.vector_store_idx %arg9[%add3A_238, %add3A_5], %gather3A_239 : memref<64x128xf32, #tpu.memory_space<vmem>>[vector<16xi32>, vector<16xi32>], vector<16xf32>,
        tpu.vector_store_idx %arg9[%add3A_238, %add3A_8], %gather3A_240 : memref<64x128xf32, #tpu.memory_space<vmem>>[vector<16xi32>, vector<16xi32>], vector<16xf32>,
        tpu.vector_store_idx %arg9[%add3A_238, %add3A_11], %gather3A_241 : memref<64x128xf32, #tpu.memory_space<vmem>>[vector<16xi32>, vector<16xi32>], vector<16xf32>,
        tpu.vector_store_idx %arg9[%add3A_238, %add3A_14], %gather3A_242 : memref<64x128xf32, #tpu.memory_space<vmem>>[vector<16xi32>, vector<16xi32>], vector<16xf32>,
        tpu.vector_store_idx %arg9[%add3A_238, %add3A_17], %gather3A_243 : memref<64x128xf32, #tpu.memory_space<vmem>>[vector<16xi32>, vector<16xi32>], vector<16xf32>,
        tpu.vector_store_idx %arg9[%add3A_238, %add3A_20], %gather3A_244 : memref<64x128xf32, #tpu.memory_space<vmem>>[vector<16xi32>, vector<16xi32>], vector<16xf32>,
        tpu.vector_store_idx %arg9[%add3A_238, %add3A_23], %gather3A_245 : memref<64x128xf32, #tpu.memory_space<vmem>>[vector<16xi32>, vector<16xi32>], vector<16xf32>,
        tpu.vector_store_idx %arg9[%add3A_238, %add3A_26], %gather3A_246 : memref<64x128xf32, #tpu.memory_space<vmem>>[vector<16xi32>, vector<16xi32>], vector<16xf32>,
        %add3A_247 = arith.constant 8 : i32
        %add3A_248 = vector.broadcast %add3A_247 : i32 to vector<16xi32>
        %add3A_249 = arith.addi %iota3A, %add3A_248 : vector<16xi32>
        %and3A_250 = arith.constant 15 : i32
        %and3A_251 = vector.broadcast %and3A_250 : i32 to vector<16xi32>
        %and3A_252 = arith.andi %add3A_249, %and3A_251 : vector<16xi32>
        %add3A_253 = vector.broadcast %mul3A_120 : i32 to vector<16xi32>
        %add3A_254 = arith.addi %and3A_252, %add3A_253 : vector<16xi32>
        %gather3A_255 = tpu.vector_load_idx %arg7[%add3A_5, %add3A_254] : memref<128x64xf32, #tpu.memory_space<vmem>>[vector<16xi32>, vector<16xi32>], vector<16xf32>,
        %gather3A_256 = tpu.vector_load_idx %arg7[%add3A_8, %add3A_254] : memref<128x64xf32, #tpu.memory_space<vmem>>[vector<16xi32>, vector<16xi32>], vector<16xf32>,
        %gather3A_257 = tpu.vector_load_idx %arg7[%add3A_11, %add3A_254] : memref<128x64xf32, #tpu.memory_space<vmem>>[vector<16xi32>, vector<16xi32>], vector<16xf32>,
        %gather3A_258 = tpu.vector_load_idx %arg7[%add3A_14, %add3A_254] : memref<128x64xf32, #tpu.memory_space<vmem>>[vector<16xi32>, vector<16xi32>], vector<16xf32>,
        %gather3A_259 = tpu.vector_load_idx %arg7[%add3A_17, %add3A_254] : memref<128x64xf32, #tpu.memory_space<vmem>>[vector<16xi32>, vector<16xi32>], vector<16xf32>,
        %gather3A_260 = tpu.vector_load_idx %arg7[%add3A_20, %add3A_254] : memref<128x64xf32, #tpu.memory_space<vmem>>[vector<16xi32>, vector<16xi32>], vector<16xf32>,
        %gather3A_261 = tpu.vector_load_idx %arg7[%add3A_23, %add3A_254] : memref<128x64xf32, #tpu.memory_space<vmem>>[vector<16xi32>, vector<16xi32>], vector<16xf32>,
        %gather3A_262 = tpu.vector_load_idx %arg7[%add3A_26, %add3A_254] : memref<128x64xf32, #tpu.memory_space<vmem>>[vector<16xi32>, vector<16xi32>], vector<16xf32>,
        tpu.vector_store_idx %arg9[%add3A_254, %add3A_5], %gather3A_255 : memref<64x128xf32, #tpu.memory_space<vmem>>[vector<16xi32>, vector<16xi32>], vector<16xf32>,
        tpu.vector_store_idx %arg9[%add3A_254, %add3A_8], %gather3A_256 : memref<64x128xf32, #tpu.memory_space<vmem>>[vector<16xi32>, vector<16xi32>], vector<16xf32>,
        tpu.vector_store_idx %arg9[%add3A_254, %add3A_11], %gather3A_257 : memref<64x128xf32, #tpu.memory_space<vmem>>[vector<16xi32>, vector<16xi32>], vector<16xf32>,
        tpu.vector_store_idx %arg9[%add3A_254, %add3A_14], %gather3A_258 : memref<64x128xf32, #tpu.memory_space<vmem>>[vector<16xi32>, vector<16xi32>], vector<16xf32>,
        tpu.vector_store_idx %arg9[%add3A_254, %add3A_17], %gather3A_259 : memref<64x128xf32, #tpu.memory_space<vmem>>[vector<16xi32>, vector<16xi32>], vector<16xf32>,
        tpu.vector_store_idx %arg9[%add3A_254, %add3A_20], %gather3A_260 : memref<64x128xf32, #tpu.memory_space<vmem>>[vector<16xi32>, vector<16xi32>], vector<16xf32>,
        tpu.vector_store_idx %arg9[%add3A_254, %add3A_23], %gather3A_261 : memref<64x128xf32, #tpu.memory_space<vmem>>[vector<16xi32>, vector<16xi32>], vector<16xf32>,
        tpu.vector_store_idx %arg9[%add3A_254, %add3A_26], %gather3A_262 : memref<64x128xf32, #tpu.memory_space<vmem>>[vector<16xi32>, vector<16xi32>], vector<16xf32>,
        %add3A_263 = arith.constant 9 : i32
        %add3A_264 = vector.broadcast %add3A_263 : i32 to vector<16xi32>
        %add3A_265 = arith.addi %iota3A, %add3A_264 : vector<16xi32>
        %and3A_266 = arith.constant 15 : i32
        %and3A_267 = vector.broadcast %and3A_266 : i32 to vector<16xi32>
        %and3A_268 = arith.andi %add3A_265, %and3A_267 : vector<16xi32>
        %add3A_269 = vector.broadcast %mul3A_120 : i32 to vector<16xi32>
        %add3A_270 = arith.addi %and3A_268, %add3A_269 : vector<16xi32>
        %gather3A_271 = tpu.vector_load_idx %arg7[%add3A_5, %add3A_270] : memref<128x64xf32, #tpu.memory_space<vmem>>[vector<16xi32>, vector<16xi32>], vector<16xf32>,
        %gather3A_272 = tpu.vector_load_idx %arg7[%add3A_8, %add3A_270] : memref<128x64xf32, #tpu.memory_space<vmem>>[vector<16xi32>, vector<16xi32>], vector<16xf32>,
        %gather3A_273 = tpu.vector_load_idx %arg7[%add3A_11, %add3A_270] : memref<128x64xf32, #tpu.memory_space<vmem>>[vector<16xi32>, vector<16xi32>], vector<16xf32>,
        %gather3A_274 = tpu.vector_load_idx %arg7[%add3A_14, %add3A_270] : memref<128x64xf32, #tpu.memory_space<vmem>>[vector<16xi32>, vector<16xi32>], vector<16xf32>,
        %gather3A_275 = tpu.vector_load_idx %arg7[%add3A_17, %add3A_270] : memref<128x64xf32, #tpu.memory_space<vmem>>[vector<16xi32>, vector<16xi32>], vector<16xf32>,
        %gather3A_276 = tpu.vector_load_idx %arg7[%add3A_20, %add3A_270] : memref<128x64xf32, #tpu.memory_space<vmem>>[vector<16xi32>, vector<16xi32>], vector<16xf32>,
        %gather3A_277 = tpu.vector_load_idx %arg7[%add3A_23, %add3A_270] : memref<128x64xf32, #tpu.memory_space<vmem>>[vector<16xi32>, vector<16xi32>], vector<16xf32>,
        %gather3A_278 = tpu.vector_load_idx %arg7[%add3A_26, %add3A_270] : memref<128x64xf32, #tpu.memory_space<vmem>>[vector<16xi32>, vector<16xi32>], vector<16xf32>,
        tpu.vector_store_idx %arg9[%add3A_270, %add3A_5], %gather3A_271 : memref<64x128xf32, #tpu.memory_space<vmem>>[vector<16xi32>, vector<16xi32>], vector<16xf32>,
        tpu.vector_store_idx %arg9[%add3A_270, %add3A_8], %gather3A_272 : memref<64x128xf32, #tpu.memory_space<vmem>>[vector<16xi32>, vector<16xi32>], vector<16xf32>,
        tpu.vector_store_idx %arg9[%add3A_270, %add3A_11], %gather3A_273 : memref<64x128xf32, #tpu.memory_space<vmem>>[vector<16xi32>, vector<16xi32>], vector<16xf32>,
        tpu.vector_store_idx %arg9[%add3A_270, %add3A_14], %gather3A_274 : memref<64x128xf32, #tpu.memory_space<vmem>>[vector<16xi32>, vector<16xi32>], vector<16xf32>,
        tpu.vector_store_idx %arg9[%add3A_270, %add3A_17], %gather3A_275 : memref<64x128xf32, #tpu.memory_space<vmem>>[vector<16xi32>, vector<16xi32>], vector<16xf32>,
        tpu.vector_store_idx %arg9[%add3A_270, %add3A_20], %gather3A_276 : memref<64x128xf32, #tpu.memory_space<vmem>>[vector<16xi32>, vector<16xi32>], vector<16xf32>,
        tpu.vector_store_idx %arg9[%add3A_270, %add3A_23], %gather3A_277 : memref<64x128xf32, #tpu.memory_space<vmem>>[vector<16xi32>, vector<16xi32>], vector<16xf32>,
        tpu.vector_store_idx %arg9[%add3A_270, %add3A_26], %gather3A_278 : memref<64x128xf32, #tpu.memory_space<vmem>>[vector<16xi32>, vector<16xi32>], vector<16xf32>,
        %add3A_279 = arith.constant 10 : i32
        %add3A_280 = vector.broadcast %add3A_279 : i32 to vector<16xi32>
        %add3A_281 = arith.addi %iota3A, %add3A_280 : vector<16xi32>
        %and3A_282 = arith.constant 15 : i32
        %and3A_283 = vector.broadcast %and3A_282 : i32 to vector<16xi32>
        %and3A_284 = arith.andi %add3A_281, %and3A_283 : vector<16xi32>
        %add3A_285 = vector.broadcast %mul3A_120 : i32 to vector<16xi32>
        %add3A_286 = arith.addi %and3A_284, %add3A_285 : vector<16xi32>
        %gather3A_287 = tpu.vector_load_idx %arg7[%add3A_5, %add3A_286] : memref<128x64xf32, #tpu.memory_space<vmem>>[vector<16xi32>, vector<16xi32>], vector<16xf32>,
        %gather3A_288 = tpu.vector_load_idx %arg7[%add3A_8, %add3A_286] : memref<128x64xf32, #tpu.memory_space<vmem>>[vector<16xi32>, vector<16xi32>], vector<16xf32>,
        %gather3A_289 = tpu.vector_load_idx %arg7[%add3A_11, %add3A_286] : memref<128x64xf32, #tpu.memory_space<vmem>>[vector<16xi32>, vector<16xi32>], vector<16xf32>,
        %gather3A_290 = tpu.vector_load_idx %arg7[%add3A_14, %add3A_286] : memref<128x64xf32, #tpu.memory_space<vmem>>[vector<16xi32>, vector<16xi32>], vector<16xf32>,
        %gather3A_291 = tpu.vector_load_idx %arg7[%add3A_17, %add3A_286] : memref<128x64xf32, #tpu.memory_space<vmem>>[vector<16xi32>, vector<16xi32>], vector<16xf32>,
        %gather3A_292 = tpu.vector_load_idx %arg7[%add3A_20, %add3A_286] : memref<128x64xf32, #tpu.memory_space<vmem>>[vector<16xi32>, vector<16xi32>], vector<16xf32>,
        %gather3A_293 = tpu.vector_load_idx %arg7[%add3A_23, %add3A_286] : memref<128x64xf32, #tpu.memory_space<vmem>>[vector<16xi32>, vector<16xi32>], vector<16xf32>,
        %gather3A_294 = tpu.vector_load_idx %arg7[%add3A_26, %add3A_286] : memref<128x64xf32, #tpu.memory_space<vmem>>[vector<16xi32>, vector<16xi32>], vector<16xf32>,
        tpu.vector_store_idx %arg9[%add3A_286, %add3A_5], %gather3A_287 : memref<64x128xf32, #tpu.memory_space<vmem>>[vector<16xi32>, vector<16xi32>], vector<16xf32>,
        tpu.vector_store_idx %arg9[%add3A_286, %add3A_8], %gather3A_288 : memref<64x128xf32, #tpu.memory_space<vmem>>[vector<16xi32>, vector<16xi32>], vector<16xf32>,
        tpu.vector_store_idx %arg9[%add3A_286, %add3A_11], %gather3A_289 : memref<64x128xf32, #tpu.memory_space<vmem>>[vector<16xi32>, vector<16xi32>], vector<16xf32>,
        tpu.vector_store_idx %arg9[%add3A_286, %add3A_14], %gather3A_290 : memref<64x128xf32, #tpu.memory_space<vmem>>[vector<16xi32>, vector<16xi32>], vector<16xf32>,
        tpu.vector_store_idx %arg9[%add3A_286, %add3A_17], %gather3A_291 : memref<64x128xf32, #tpu.memory_space<vmem>>[vector<16xi32>, vector<16xi32>], vector<16xf32>,
        tpu.vector_store_idx %arg9[%add3A_286, %add3A_20], %gather3A_292 : memref<64x128xf32, #tpu.memory_space<vmem>>[vector<16xi32>, vector<16xi32>], vector<16xf32>,
        tpu.vector_store_idx %arg9[%add3A_286, %add3A_23], %gather3A_293 : memref<64x128xf32, #tpu.memory_space<vmem>>[vector<16xi32>, vector<16xi32>], vector<16xf32>,
        tpu.vector_store_idx %arg9[%add3A_286, %add3A_26], %gather3A_294 : memref<64x128xf32, #tpu.memory_space<vmem>>[vector<16xi32>, vector<16xi32>], vector<16xf32>,
        %add3A_295 = arith.constant 11 : i32
        %add3A_296 = vector.broadcast %add3A_295 : i32 to vector<16xi32>
        %add3A_297 = arith.addi %iota3A, %add3A_296 : vector<16xi32>
        %and3A_298 = arith.constant 15 : i32
        %and3A_299 = vector.broadcast %and3A_298 : i32 to vector<16xi32>
        %and3A_300 = arith.andi %add3A_297, %and3A_299 : vector<16xi32>
        %add3A_301 = vector.broadcast %mul3A_120 : i32 to vector<16xi32>
        %add3A_302 = arith.addi %and3A_300, %add3A_301 : vector<16xi32>
        %gather3A_303 = tpu.vector_load_idx %arg7[%add3A_5, %add3A_302] : memref<128x64xf32, #tpu.memory_space<vmem>>[vector<16xi32>, vector<16xi32>], vector<16xf32>,
        %gather3A_304 = tpu.vector_load_idx %arg7[%add3A_8, %add3A_302] : memref<128x64xf32, #tpu.memory_space<vmem>>[vector<16xi32>, vector<16xi32>], vector<16xf32>,
        %gather3A_305 = tpu.vector_load_idx %arg7[%add3A_11, %add3A_302] : memref<128x64xf32, #tpu.memory_space<vmem>>[vector<16xi32>, vector<16xi32>], vector<16xf32>,
        %gather3A_306 = tpu.vector_load_idx %arg7[%add3A_14, %add3A_302] : memref<128x64xf32, #tpu.memory_space<vmem>>[vector<16xi32>, vector<16xi32>], vector<16xf32>,
        %gather3A_307 = tpu.vector_load_idx %arg7[%add3A_17, %add3A_302] : memref<128x64xf32, #tpu.memory_space<vmem>>[vector<16xi32>, vector<16xi32>], vector<16xf32>,
        %gather3A_308 = tpu.vector_load_idx %arg7[%add3A_20, %add3A_302] : memref<128x64xf32, #tpu.memory_space<vmem>>[vector<16xi32>, vector<16xi32>], vector<16xf32>,
        %gather3A_309 = tpu.vector_load_idx %arg7[%add3A_23, %add3A_302] : memref<128x64xf32, #tpu.memory_space<vmem>>[vector<16xi32>, vector<16xi32>], vector<16xf32>,
        %gather3A_310 = tpu.vector_load_idx %arg7[%add3A_26, %add3A_302] : memref<128x64xf32, #tpu.memory_space<vmem>>[vector<16xi32>, vector<16xi32>], vector<16xf32>,
        tpu.vector_store_idx %arg9[%add3A_302, %add3A_5], %gather3A_303 : memref<64x128xf32, #tpu.memory_space<vmem>>[vector<16xi32>, vector<16xi32>], vector<16xf32>,
        tpu.vector_store_idx %arg9[%add3A_302, %add3A_8], %gather3A_304 : memref<64x128xf32, #tpu.memory_space<vmem>>[vector<16xi32>, vector<16xi32>], vector<16xf32>,
        tpu.vector_store_idx %arg9[%add3A_302, %add3A_11], %gather3A_305 : memref<64x128xf32, #tpu.memory_space<vmem>>[vector<16xi32>, vector<16xi32>], vector<16xf32>,
        tpu.vector_store_idx %arg9[%add3A_302, %add3A_14], %gather3A_306 : memref<64x128xf32, #tpu.memory_space<vmem>>[vector<16xi32>, vector<16xi32>], vector<16xf32>,
        tpu.vector_store_idx %arg9[%add3A_302, %add3A_17], %gather3A_307 : memref<64x128xf32, #tpu.memory_space<vmem>>[vector<16xi32>, vector<16xi32>], vector<16xf32>,
        tpu.vector_store_idx %arg9[%add3A_302, %add3A_20], %gather3A_308 : memref<64x128xf32, #tpu.memory_space<vmem>>[vector<16xi32>, vector<16xi32>], vector<16xf32>,
        tpu.vector_store_idx %arg9[%add3A_302, %add3A_23], %gather3A_309 : memref<64x128xf32, #tpu.memory_space<vmem>>[vector<16xi32>, vector<16xi32>], vector<16xf32>,
        tpu.vector_store_idx %arg9[%add3A_302, %add3A_26], %gather3A_310 : memref<64x128xf32, #tpu.memory_space<vmem>>[vector<16xi32>, vector<16xi32>], vector<16xf32>,
        %add3A_311 = arith.constant 12 : i32
        %add3A_312 = vector.broadcast %add3A_311 : i32 to vector<16xi32>
        %add3A_313 = arith.addi %iota3A, %add3A_312 : vector<16xi32>
        %and3A_314 = arith.constant 15 : i32
        %and3A_315 = vector.broadcast %and3A_314 : i32 to vector<16xi32>
        %and3A_316 = arith.andi %add3A_313, %and3A_315 : vector<16xi32>
        %add3A_317 = vector.broadcast %mul3A_120 : i32 to vector<16xi32>
        %add3A_318 = arith.addi %and3A_316, %add3A_317 : vector<16xi32>
        %gather3A_319 = tpu.vector_load_idx %arg7[%add3A_5, %add3A_318] : memref<128x64xf32, #tpu.memory_space<vmem>>[vector<16xi32>, vector<16xi32>], vector<16xf32>,
        %gather3A_320 = tpu.vector_load_idx %arg7[%add3A_8, %add3A_318] : memref<128x64xf32, #tpu.memory_space<vmem>>[vector<16xi32>, vector<16xi32>], vector<16xf32>,
        %gather3A_321 = tpu.vector_load_idx %arg7[%add3A_11, %add3A_318] : memref<128x64xf32, #tpu.memory_space<vmem>>[vector<16xi32>, vector<16xi32>], vector<16xf32>,
        %gather3A_322 = tpu.vector_load_idx %arg7[%add3A_14, %add3A_318] : memref<128x64xf32, #tpu.memory_space<vmem>>[vector<16xi32>, vector<16xi32>], vector<16xf32>,
        %gather3A_323 = tpu.vector_load_idx %arg7[%add3A_17, %add3A_318] : memref<128x64xf32, #tpu.memory_space<vmem>>[vector<16xi32>, vector<16xi32>], vector<16xf32>,
        %gather3A_324 = tpu.vector_load_idx %arg7[%add3A_20, %add3A_318] : memref<128x64xf32, #tpu.memory_space<vmem>>[vector<16xi32>, vector<16xi32>], vector<16xf32>,
        %gather3A_325 = tpu.vector_load_idx %arg7[%add3A_23, %add3A_318] : memref<128x64xf32, #tpu.memory_space<vmem>>[vector<16xi32>, vector<16xi32>], vector<16xf32>,
        %gather3A_326 = tpu.vector_load_idx %arg7[%add3A_26, %add3A_318] : memref<128x64xf32, #tpu.memory_space<vmem>>[vector<16xi32>, vector<16xi32>], vector<16xf32>,
        tpu.vector_store_idx %arg9[%add3A_318, %add3A_5], %gather3A_319 : memref<64x128xf32, #tpu.memory_space<vmem>>[vector<16xi32>, vector<16xi32>], vector<16xf32>,
        tpu.vector_store_idx %arg9[%add3A_318, %add3A_8], %gather3A_320 : memref<64x128xf32, #tpu.memory_space<vmem>>[vector<16xi32>, vector<16xi32>], vector<16xf32>,
        tpu.vector_store_idx %arg9[%add3A_318, %add3A_11], %gather3A_321 : memref<64x128xf32, #tpu.memory_space<vmem>>[vector<16xi32>, vector<16xi32>], vector<16xf32>,
        tpu.vector_store_idx %arg9[%add3A_318, %add3A_14], %gather3A_322 : memref<64x128xf32, #tpu.memory_space<vmem>>[vector<16xi32>, vector<16xi32>], vector<16xf32>,
        tpu.vector_store_idx %arg9[%add3A_318, %add3A_17], %gather3A_323 : memref<64x128xf32, #tpu.memory_space<vmem>>[vector<16xi32>, vector<16xi32>], vector<16xf32>,
        tpu.vector_store_idx %arg9[%add3A_318, %add3A_20], %gather3A_324 : memref<64x128xf32, #tpu.memory_space<vmem>>[vector<16xi32>, vector<16xi32>], vector<16xf32>,
        tpu.vector_store_idx %arg9[%add3A_318, %add3A_23], %gather3A_325 : memref<64x128xf32, #tpu.memory_space<vmem>>[vector<16xi32>, vector<16xi32>], vector<16xf32>,
        tpu.vector_store_idx %arg9[%add3A_318, %add3A_26], %gather3A_326 : memref<64x128xf32, #tpu.memory_space<vmem>>[vector<16xi32>, vector<16xi32>], vector<16xf32>,
        %add3A_327 = arith.constant 13 : i32
        %add3A_328 = vector.broadcast %add3A_327 : i32 to vector<16xi32>
        %add3A_329 = arith.addi %iota3A, %add3A_328 : vector<16xi32>
        %and3A_330 = arith.constant 15 : i32
        %and3A_331 = vector.broadcast %and3A_330 : i32 to vector<16xi32>
        %and3A_332 = arith.andi %add3A_329, %and3A_331 : vector<16xi32>
        %add3A_333 = vector.broadcast %mul3A_120 : i32 to vector<16xi32>
        %add3A_334 = arith.addi %and3A_332, %add3A_333 : vector<16xi32>
        %gather3A_335 = tpu.vector_load_idx %arg7[%add3A_5, %add3A_334] : memref<128x64xf32, #tpu.memory_space<vmem>>[vector<16xi32>, vector<16xi32>], vector<16xf32>,
        %gather3A_336 = tpu.vector_load_idx %arg7[%add3A_8, %add3A_334] : memref<128x64xf32, #tpu.memory_space<vmem>>[vector<16xi32>, vector<16xi32>], vector<16xf32>,
        %gather3A_337 = tpu.vector_load_idx %arg7[%add3A_11, %add3A_334] : memref<128x64xf32, #tpu.memory_space<vmem>>[vector<16xi32>, vector<16xi32>], vector<16xf32>,
        %gather3A_338 = tpu.vector_load_idx %arg7[%add3A_14, %add3A_334] : memref<128x64xf32, #tpu.memory_space<vmem>>[vector<16xi32>, vector<16xi32>], vector<16xf32>,
        %gather3A_339 = tpu.vector_load_idx %arg7[%add3A_17, %add3A_334] : memref<128x64xf32, #tpu.memory_space<vmem>>[vector<16xi32>, vector<16xi32>], vector<16xf32>,
        %gather3A_340 = tpu.vector_load_idx %arg7[%add3A_20, %add3A_334] : memref<128x64xf32, #tpu.memory_space<vmem>>[vector<16xi32>, vector<16xi32>], vector<16xf32>,
        %gather3A_341 = tpu.vector_load_idx %arg7[%add3A_23, %add3A_334] : memref<128x64xf32, #tpu.memory_space<vmem>>[vector<16xi32>, vector<16xi32>], vector<16xf32>,
        %gather3A_342 = tpu.vector_load_idx %arg7[%add3A_26, %add3A_334] : memref<128x64xf32, #tpu.memory_space<vmem>>[vector<16xi32>, vector<16xi32>], vector<16xf32>,
        tpu.vector_store_idx %arg9[%add3A_334, %add3A_5], %gather3A_335 : memref<64x128xf32, #tpu.memory_space<vmem>>[vector<16xi32>, vector<16xi32>], vector<16xf32>,
        tpu.vector_store_idx %arg9[%add3A_334, %add3A_8], %gather3A_336 : memref<64x128xf32, #tpu.memory_space<vmem>>[vector<16xi32>, vector<16xi32>], vector<16xf32>,
        tpu.vector_store_idx %arg9[%add3A_334, %add3A_11], %gather3A_337 : memref<64x128xf32, #tpu.memory_space<vmem>>[vector<16xi32>, vector<16xi32>], vector<16xf32>,
        tpu.vector_store_idx %arg9[%add3A_334, %add3A_14], %gather3A_338 : memref<64x128xf32, #tpu.memory_space<vmem>>[vector<16xi32>, vector<16xi32>], vector<16xf32>,
        tpu.vector_store_idx %arg9[%add3A_334, %add3A_17], %gather3A_339 : memref<64x128xf32, #tpu.memory_space<vmem>>[vector<16xi32>, vector<16xi32>], vector<16xf32>,
        tpu.vector_store_idx %arg9[%add3A_334, %add3A_20], %gather3A_340 : memref<64x128xf32, #tpu.memory_space<vmem>>[vector<16xi32>, vector<16xi32>], vector<16xf32>,
        tpu.vector_store_idx %arg9[%add3A_334, %add3A_23], %gather3A_341 : memref<64x128xf32, #tpu.memory_space<vmem>>[vector<16xi32>, vector<16xi32>], vector<16xf32>,
        tpu.vector_store_idx %arg9[%add3A_334, %add3A_26], %gather3A_342 : memref<64x128xf32, #tpu.memory_space<vmem>>[vector<16xi32>, vector<16xi32>], vector<16xf32>,
        %add3A_343 = arith.constant 14 : i32
        %add3A_344 = vector.broadcast %add3A_343 : i32 to vector<16xi32>
        %add3A_345 = arith.addi %iota3A, %add3A_344 : vector<16xi32>
        %and3A_346 = arith.constant 15 : i32
        %and3A_347 = vector.broadcast %and3A_346 : i32 to vector<16xi32>
        %and3A_348 = arith.andi %add3A_345, %and3A_347 : vector<16xi32>
        %add3A_349 = vector.broadcast %mul3A_120 : i32 to vector<16xi32>
        %add3A_350 = arith.addi %and3A_348, %add3A_349 : vector<16xi32>
        %gather3A_351 = tpu.vector_load_idx %arg7[%add3A_5, %add3A_350] : memref<128x64xf32, #tpu.memory_space<vmem>>[vector<16xi32>, vector<16xi32>], vector<16xf32>,
        %gather3A_352 = tpu.vector_load_idx %arg7[%add3A_8, %add3A_350] : memref<128x64xf32, #tpu.memory_space<vmem>>[vector<16xi32>, vector<16xi32>], vector<16xf32>,
        %gather3A_353 = tpu.vector_load_idx %arg7[%add3A_11, %add3A_350] : memref<128x64xf32, #tpu.memory_space<vmem>>[vector<16xi32>, vector<16xi32>], vector<16xf32>,
        %gather3A_354 = tpu.vector_load_idx %arg7[%add3A_14, %add3A_350] : memref<128x64xf32, #tpu.memory_space<vmem>>[vector<16xi32>, vector<16xi32>], vector<16xf32>,
        %gather3A_355 = tpu.vector_load_idx %arg7[%add3A_17, %add3A_350] : memref<128x64xf32, #tpu.memory_space<vmem>>[vector<16xi32>, vector<16xi32>], vector<16xf32>,
        %gather3A_356 = tpu.vector_load_idx %arg7[%add3A_20, %add3A_350] : memref<128x64xf32, #tpu.memory_space<vmem>>[vector<16xi32>, vector<16xi32>], vector<16xf32>,
        %gather3A_357 = tpu.vector_load_idx %arg7[%add3A_23, %add3A_350] : memref<128x64xf32, #tpu.memory_space<vmem>>[vector<16xi32>, vector<16xi32>], vector<16xf32>,
        %gather3A_358 = tpu.vector_load_idx %arg7[%add3A_26, %add3A_350] : memref<128x64xf32, #tpu.memory_space<vmem>>[vector<16xi32>, vector<16xi32>], vector<16xf32>,
        tpu.vector_store_idx %arg9[%add3A_350, %add3A_5], %gather3A_351 : memref<64x128xf32, #tpu.memory_space<vmem>>[vector<16xi32>, vector<16xi32>], vector<16xf32>,
        tpu.vector_store_idx %arg9[%add3A_350, %add3A_8], %gather3A_352 : memref<64x128xf32, #tpu.memory_space<vmem>>[vector<16xi32>, vector<16xi32>], vector<16xf32>,
        tpu.vector_store_idx %arg9[%add3A_350, %add3A_11], %gather3A_353 : memref<64x128xf32, #tpu.memory_space<vmem>>[vector<16xi32>, vector<16xi32>], vector<16xf32>,
        tpu.vector_store_idx %arg9[%add3A_350, %add3A_14], %gather3A_354 : memref<64x128xf32, #tpu.memory_space<vmem>>[vector<16xi32>, vector<16xi32>], vector<16xf32>,
        tpu.vector_store_idx %arg9[%add3A_350, %add3A_17], %gather3A_355 : memref<64x128xf32, #tpu.memory_space<vmem>>[vector<16xi32>, vector<16xi32>], vector<16xf32>,
        tpu.vector_store_idx %arg9[%add3A_350, %add3A_20], %gather3A_356 : memref<64x128xf32, #tpu.memory_space<vmem>>[vector<16xi32>, vector<16xi32>], vector<16xf32>,
        tpu.vector_store_idx %arg9[%add3A_350, %add3A_23], %gather3A_357 : memref<64x128xf32, #tpu.memory_space<vmem>>[vector<16xi32>, vector<16xi32>], vector<16xf32>,
        tpu.vector_store_idx %arg9[%add3A_350, %add3A_26], %gather3A_358 : memref<64x128xf32, #tpu.memory_space<vmem>>[vector<16xi32>, vector<16xi32>], vector<16xf32>,
        %add3A_359 = arith.constant 15 : i32
        %add3A_360 = vector.broadcast %add3A_359 : i32 to vector<16xi32>
        %add3A_361 = arith.addi %iota3A, %add3A_360 : vector<16xi32>
        %and3A_362 = arith.constant 15 : i32
        %and3A_363 = vector.broadcast %and3A_362 : i32 to vector<16xi32>
        %and3A_364 = arith.andi %add3A_361, %and3A_363 : vector<16xi32>
        %add3A_365 = vector.broadcast %mul3A_120 : i32 to vector<16xi32>
        %add3A_366 = arith.addi %and3A_364, %add3A_365 : vector<16xi32>
        %gather3A_367 = tpu.vector_load_idx %arg7[%add3A_5, %add3A_366] : memref<128x64xf32, #tpu.memory_space<vmem>>[vector<16xi32>, vector<16xi32>], vector<16xf32>,
        %gather3A_368 = tpu.vector_load_idx %arg7[%add3A_8, %add3A_366] : memref<128x64xf32, #tpu.memory_space<vmem>>[vector<16xi32>, vector<16xi32>], vector<16xf32>,
        %gather3A_369 = tpu.vector_load_idx %arg7[%add3A_11, %add3A_366] : memref<128x64xf32, #tpu.memory_space<vmem>>[vector<16xi32>, vector<16xi32>], vector<16xf32>,
        %gather3A_370 = tpu.vector_load_idx %arg7[%add3A_14, %add3A_366] : memref<128x64xf32, #tpu.memory_space<vmem>>[vector<16xi32>, vector<16xi32>], vector<16xf32>,
        %gather3A_371 = tpu.vector_load_idx %arg7[%add3A_17, %add3A_366] : memref<128x64xf32, #tpu.memory_space<vmem>>[vector<16xi32>, vector<16xi32>], vector<16xf32>,
        %gather3A_372 = tpu.vector_load_idx %arg7[%add3A_20, %add3A_366] : memref<128x64xf32, #tpu.memory_space<vmem>>[vector<16xi32>, vector<16xi32>], vector<16xf32>,
        %gather3A_373 = tpu.vector_load_idx %arg7[%add3A_23, %add3A_366] : memref<128x64xf32, #tpu.memory_space<vmem>>[vector<16xi32>, vector<16xi32>], vector<16xf32>,
        %gather3A_374 = tpu.vector_load_idx %arg7[%add3A_26, %add3A_366] : memref<128x64xf32, #tpu.memory_space<vmem>>[vector<16xi32>, vector<16xi32>], vector<16xf32>,
        tpu.vector_store_idx %arg9[%add3A_366, %add3A_5], %gather3A_367 : memref<64x128xf32, #tpu.memory_space<vmem>>[vector<16xi32>, vector<16xi32>], vector<16xf32>,
        tpu.vector_store_idx %arg9[%add3A_366, %add3A_8], %gather3A_368 : memref<64x128xf32, #tpu.memory_space<vmem>>[vector<16xi32>, vector<16xi32>], vector<16xf32>,
        tpu.vector_store_idx %arg9[%add3A_366, %add3A_11], %gather3A_369 : memref<64x128xf32, #tpu.memory_space<vmem>>[vector<16xi32>, vector<16xi32>], vector<16xf32>,
        tpu.vector_store_idx %arg9[%add3A_366, %add3A_14], %gather3A_370 : memref<64x128xf32, #tpu.memory_space<vmem>>[vector<16xi32>, vector<16xi32>], vector<16xf32>,
        tpu.vector_store_idx %arg9[%add3A_366, %add3A_17], %gather3A_371 : memref<64x128xf32, #tpu.memory_space<vmem>>[vector<16xi32>, vector<16xi32>], vector<16xf32>,
        tpu.vector_store_idx %arg9[%add3A_366, %add3A_20], %gather3A_372 : memref<64x128xf32, #tpu.memory_space<vmem>>[vector<16xi32>, vector<16xi32>], vector<16xf32>,
        tpu.vector_store_idx %arg9[%add3A_366, %add3A_23], %gather3A_373 : memref<64x128xf32, #tpu.memory_space<vmem>>[vector<16xi32>, vector<16xi32>], vector<16xf32>,
        tpu.vector_store_idx %arg9[%add3A_366, %add3A_26], %gather3A_374 : memref<64x128xf32, #tpu.memory_space<vmem>>[vector<16xi32>, vector<16xi32>], vector<16xf32>,
      }
      %scan3A_106 = arith.constant 4 : i32
      %dma_start3A_107 = arith.constant 0 : i32
      %dma_start3A_108 = tpu.memref_slice %arg4[%add3A_89, %dma_start3A_107, %mul3A_2] : memref<200x64x4096xf32, #tpu.memory_space<hbm>> -> memref<1x64x128xf32, #tpu.memory_space<hbm>>
      %dma_start3A_109 = tpu.memref_squeeze %dma_start3A_108 : memref<1x64x128xf32, #tpu.memory_space<hbm>> -> memref<64x128xf32, #tpu.memory_space<hbm>>
      %dma_start3A_110 = arith.constant 0 : i32
      %dma_start3A_111 = tpu.memref_slice %arg4[%add3A_89, %dma_start3A_110, %mul3A_2] : memref<200x64x4096xf32, #tpu.memory_space<hbm>> -> memref<1x64x128xf32, #tpu.memory_space<hbm>>
      %dma_start3A_112 = tpu.memref_squeeze %dma_start3A_111 : memref<1x64x128xf32, #tpu.memory_space<hbm>> -> memref<64x128xf32, #tpu.memory_space<hbm>>
      tpu.enqueue_dma source(%arg9 : memref<64x128xf32, #tpu.memory_space<vmem>>) target(%dma_start3A_112 : memref<64x128xf32, #tpu.memory_space<hbm>>) target_semaphore(%arg13 : memref<!tpu.dma_semaphore, #tpu.memory_space<semaphore_mem>>)
      %lt3A_113 = arith.constant 99 : i32
      %lt3A_114 = arith.cmpi slt, %scan3A_57, %lt3A_113 : i32
      %convert_element_type3A_115 = arith.extui %lt3A_114 : i1 to i32
      %cond3A_116 = arith.constant 0 : i32
      %cond3A_117 = arith.cmpi ne, %convert_element_type3A_115, %cond3A_116 : i32
      scf.if %cond3A_117 {
        %add3A_118 = arith.constant 2 : i32
        %add3A_119 = arith.addi %add3A_89, %add3A_118 : i32
        %dma_start3A_120 = arith.constant 0 : i32
        %dma_start3A_121 = tpu.memref_slice %arg5[%add3A_119, %dma_start3A_120] : memref<200x128xi32, #tpu.memory_space<vmem>> -> memref<1x128xi32, #tpu.memory_space<vmem>>
        %dma_start3A_122 = tpu.memref_squeeze %dma_start3A_121 : memref<1x128xi32, #tpu.memory_space<vmem>> -> memref<128xi32, #tpu.memory_space<vmem>>
        %dma_start3A_123 = arith.constant 0 : i32
        %dma_start3A_124 = arith.constant 0 : i32
        %dma_start3A_125 = tpu.memref_slice %arg3[%dma_start3A_123, %dma_start3A_124] : memref<1000000x64xf32, #tpu.memory_space<hbm>> -> memref<1000000x64xf32, #tpu.memory_space<hbm>>
        tpu.enqueue_indirect_dma source(%dma_start3A_125 : memref<1000000x64xf32, #tpu.memory_space<hbm>>) target(%arg7 : memref<128x64xf32, #tpu.memory_space<vmem>>) offsets(%dma_start3A_122 : memref<128xi32, #tpu.memory_space<vmem>>) semaphore(%arg11 : memref<!tpu.dma_semaphore, #tpu.memory_space<semaphore_mem>>)
      } else {
      }
    }
    %scan3A_43 = arith.constant 100 : i32
    %dma_wait3A = arith.constant 0 : i32
    %dma_wait3A_44 = arith.constant 0 : i32
    %dma_wait3A_45 = tpu.memref_slice %arg4[%dma_wait3A, %dma_wait3A_44, %mul3A_2] : memref<200x64x4096xf32, #tpu.memory_space<hbm>> -> memref<1x64x128xf32, #tpu.memory_space<hbm>>
    %dma_wait3A_46 = tpu.memref_squeeze %dma_wait3A_45 : memref<1x64x128xf32, #tpu.memory_space<hbm>> -> memref<64x128xf32, #tpu.memory_space<hbm>>
    %dma_wait3A_47 = arith.constant 0 : i32
    %dma_wait3A_48 = tpu.memref_slice %arg4[%dma_wait3A, %dma_wait3A_47, %mul3A_2] : memref<200x64x4096xf32, #tpu.memory_space<hbm>> -> memref<1x64x128xf32, #tpu.memory_space<hbm>>
    %dma_wait3A_49 = tpu.memref_squeeze %dma_wait3A_48 : memref<1x64x128xf32, #tpu.memory_space<hbm>> -> memref<64x128xf32, #tpu.memory_space<hbm>>
    tpu.wait_dma2 semaphore(%arg12 : memref<!tpu.dma_semaphore, #tpu.memory_space<semaphore_mem>>) src(%arg8 : memref<64x128xf32, #tpu.memory_space<vmem>>) dst(%dma_wait3A_49 : memref<64x128xf32, #tpu.memory_space<hbm>>)
    %dma_wait3A_50 = arith.constant 0 : i32
    %dma_wait3A_51 = arith.constant 0 : i32
    %dma_wait3A_52 = tpu.memref_slice %arg4[%dma_wait3A_50, %dma_wait3A_51, %mul3A_2] : memref<200x64x4096xf32, #tpu.memory_space<hbm>> -> memref<1x64x128xf32, #tpu.memory_space<hbm>>
    %dma_wait3A_53 = tpu.memref_squeeze %dma_wait3A_52 : memref<1x64x128xf32, #tpu.memory_space<hbm>> -> memref<64x128xf32, #tpu.memory_space<hbm>>
    %dma_wait3A_54 = arith.constant 0 : i32
    %dma_wait3A_55 = tpu.memref_slice %arg4[%dma_wait3A_50, %dma_wait3A_54, %mul3A_2] : memref<200x64x4096xf32, #tpu.memory_space<hbm>> -> memref<1x64x128xf32, #tpu.memory_space<hbm>>
    %dma_wait3A_56 = tpu.memref_squeeze %dma_wait3A_55 : memref<1x64x128xf32, #tpu.memory_space<hbm>> -> memref<64x128xf32, #tpu.memory_space<hbm>>
    tpu.wait_dma2 semaphore(%arg13 : memref<!tpu.dma_semaphore, #tpu.memory_space<semaphore_mem>>) src(%arg9 : memref<64x128xf32, #tpu.memory_space<vmem>>) dst(%dma_wait3A_56 : memref<64x128xf32, #tpu.memory_space<hbm>>)
    return
  }
}

</mosaic_0001>

<sc_bundles>
// kernel: _embed_sc.3.cloned.1.call-start
scs
__scs_entry_jumppad:
0x0: {  	(pc) =	sbr.rel $0x88, $3  }
0x1: {  	(tag) =	ssettag $0x0;
	lr =	simm.s32 $0x1  }
0x2: {  	[smem:$0x3F9F] =	sst lr;
	_ =	strace $0xD0000000  }
0x3: {  	_ = 	snop  }
0x4: {  	_ = 	snop  }
0x5: {  	_ = 	snop  }
0x6: {  	_ = 	snop  }
0x7: {  	_ = 	snop  }
__scs_overlays_trampoline_lowered:
0x8: {  	[smem:$0x3FAE] =	sst s0  }
0x9: {  	[smem:$0x3FAF] =	sst s1  }
0xa: {  	[smem:$0x3FB0] =	sst s2  }
0xb: {  	[smem:$0x3FB1] =	sst s3  }
0xc: {  	[smem:$0x3FB2] =	sst s4  }
0xd: {  	[smem:$0x3FB3] =	sst s5  }
0xe: {  	[smem:$0x3FB4] =	sst s6  }
0xf: {  	[smem:$0x3FB5] =	sst s7  }
0x10: {  	[smem:$0x3FB6] =	sst s8  }
0x11: {  	[smem:$0x3FB7] =	sst s9;
	s0 =	simm.s32 @!p0 $0x0  }
0x12: {  	s1 =	sld [smem:$0x3F9D];
	s0 =	simm.s32 @p0 $0x1  }
0x13: {  	[smem:$0x3FB8] =	sst s0;
	s0 =	simm.s32 @!p1 $0x0  }
0x14: {  	s2 =	sld [smem:$0x3F9C];
	s0 =	simm.s32 @p1 $0x1  }
0x15: {  	[smem:$0x3FB9] =	sst s0;
	s0 =	simm.s32 @!p2 $0x0  }
0x16: {  	s3 =	sld [smem:$0x3FDB];
	s0 =	simm.s32 @p2 $0x1  }
0x17: {  	s4 =	simm.s32 $0x1BF5;
	[smem:$0x3FBB] =	sst s0  }
0x18: {  	s0 =	sld [smem:$0x3F9E];
	_ =	swait.ge [sflag:s4], $0x0  }
0x19: {  	s7 =	sld [smem:$0x3F9F]  }
0x1a: {  	s8 =	sadd.s32 $0xFFFFE003, lr  }
0x1b: {  	s9 =	sadd.s32 $0xFFFFFEF7, lr;
	s5 =	simm.s32 $0xFFFFFFFF;
	p2 =	slt.u32 s8, $0xFFFFF086  }
0x1c: {  	p1 =	slt.u32 s9, $0xF7A;
	s5 =	simm.s32 @!p2 $0x0  }
0x1d: {  	s5 =	simm.s32 @p1 $0x1;
	p0 =	seq.s32 s7, s2  }
0x1e: {  	s7 =	smul.u32 @!p0 $0xF7A, s2;
	p2 =	seq.s32 @!p0 s5, $0x0  }
0x1f: {  	s9 =	smul.u32 $0xF7A, s1;
	s8 =	simm.s32 @!p0 $0x1BF5;
	p2 =	por !p2, p0  }
0x20: {  	[sflag:s8] =	ssyncset.s32 @!p0 $0xFFFFF086;
	s6 =	sadd.s32 @!p0 s3, s7;
	s7 =	simm.s32 @!p0 $0x108  }
0x21: {  	s3 =	sadd.s32 s3, s9;
	s6 =	sadd.s32 @!p0 $0x88, s6;
	s7 =	simm.s32 @p2 $0x1082  }
0x22: {  	[simem:s7], [sflag:s8] =	dma.local @!p0 [hbm:s6], $0xF7A  }
0x23: {  	s9 =	sor.u32 $0xD0000000, s2;
	s6 =	simm.s32 $0x108;
	_ =	swait.ge @!p0 [sflag:s8], $0x0  }
0x24: {  	s3 =	sadd.s32 $0x88, s3;
	s6 =	simm.s32 @!p1 $0x1082;
	[sflag:s4] =	ssyncset.s32 $0xFFFFF086  }
0x25: {  	[simem:s6], [sflag:s4] =	dma.local [hbm:s3], $0xF7A  }
0x26: {  	[smem:$0x3F9F] =	sst s1;
	(tag) =	ssettag s2;
	_ =	strace s9  }
0x27: {  	s1 =	sld [smem:$0x3FAF]  }
0x28: {  	s2 =	sld [smem:$0x3FB0]  }
0x29: {  	s4 =	sld [smem:$0x3FB2]  }
0x2a: {  	p0 =	seq.s32 s5, $0x0;
	s5 =	sld [smem:$0x3FB3]  }
0x2b: {  	s6 =	sld [smem:$0x3FB4]  }
0x2c: {  	s7 =	sld [smem:$0x3FB5]  }
0x2d: {  	s3 =	simm.s32 $0x108;
	s8 =	sld [smem:$0x3FB6]  }
0x2e: {  	s3 =	simm.s32 @!p0 $0x1082;
	s9 =	sld [smem:$0x3FB7]  }
0x2f: {  	lr =	sadd.s32 s0, s3;
	s0 =	sld [smem:$0x3FAE]  }
0x30: {  	s3 =	sld [smem:$0x3FB1]  }
0x31: {  	[smem:$0x3FBA] =	sst s10  }
0x32: {  	s10 =	sld [smem:$0x3FB8];
	_ =	sdelay $0x3  }
0x33: {  	p0 =	seq.s32 s10, $0x1;
	s10 =	sld [smem:$0x3FBA];
	_ =	sdelay $0x3  }
0x34: {  	[smem:$0x3FBA] =	sst s10  }
0x35: {  	s10 =	sld [smem:$0x3FB9];
	_ =	sdelay $0x3  }
0x36: {  	p1 =	seq.s32 s10, $0x1;
	s10 =	sld [smem:$0x3FBA];
	_ =	sdelay $0x3  }
0x37: {  	[smem:$0x3FBA] =	sst s10  }
0x38: {  	s10 =	sld [smem:$0x3FBB]  }
0x39: {  	_ = 	snop;
	(pc) =	sbr.ind lr, $3  }
0x3a: {  	_ = 	snop  }
0x3b: {  	_ = 	snop  }
0x3c: {  	p2 =	seq.s32 s10, $0x1;
	s10 =	sld [smem:$0x3FBA]  }
0x3d: {  	_ =	shalt  }
0x3e: {  	_ =	shalt  }
0x3f: {  	_ =	shalt  }
0x40: {  	_ =	shalt  }
0x41: {  	_ =	shalt  }
0x42: {  	_ =	shalt  }
0x43: {  	_ =	shalt  }
0x44: {  	_ =	shalt  }
0x45: {  	_ =	shalt  }
0x46: {  	_ =	shalt  }
0x47: {  	_ =	shalt  }
0x48: {  	_ =	shalt  }
0x49: {  	_ =	shalt  }
0x4a: {  	_ =	shalt  }
0x4b: {  	_ =	shalt  }
0x4c: {  	_ =	shalt  }
0x4d: {  	_ =	shalt  }
0x4e: {  	_ =	shalt  }
0x4f: {  	_ =	shalt  }
0x50: {  	_ =	shalt  }
0x51: {  	_ =	shalt  }
0x52: {  	_ =	shalt  }
0x53: {  	_ =	shalt  }
0x54: {  	_ =	shalt  }
0x55: {  	_ =	shalt  }
0x56: {  	_ =	shalt  }
0x57: {  	_ =	shalt  }
0x58: {  	_ =	shalt  }
0x59: {  	_ =	shalt  }
0x5a: {  	_ =	shalt  }
0x5b: {  	_ =	shalt  }
0x5c: {  	_ =	shalt  }
0x5d: {  	_ =	shalt  }
0x5e: {  	_ =	shalt  }
0x5f: {  	_ =	shalt  }
0x60: {  	_ =	shalt  }
0x61: {  	_ =	shalt  }
0x62: {  	_ =	shalt  }
0x63: {  	_ =	shalt  }
0x64: {  	_ =	shalt  }
0x65: {  	_ =	shalt  }
0x66: {  	_ =	shalt  }
0x67: {  	_ =	shalt  }
0x68: {  	_ =	shalt  }
0x69: {  	_ =	shalt  }
0x6a: {  	_ =	shalt  }
0x6b: {  	_ =	shalt  }
0x6c: {  	_ =	shalt  }
0x6d: {  	_ =	shalt  }
0x6e: {  	_ =	shalt  }
0x6f: {  	_ =	shalt  }
0x70: {  	_ =	shalt  }
0x71: {  	_ =	shalt  }
0x72: {  	_ =	shalt  }
0x73: {  	_ =	shalt  }
0x74: {  	_ =	shalt  }
0x75: {  	_ =	shalt  }
0x76: {  	_ =	shalt  }
0x77: {  	_ =	shalt  }
0x78: {  	_ =	shalt  }
0x79: {  	_ =	shalt  }
0x7a: {  	_ =	shalt  }
0x7b: {  	_ =	shalt  }
0x7c: {  	_ =	shalt  }
0x7d: {  	_ =	shalt  }
0x7e: {  	_ =	shalt  }
0x7f: {  	_ =	shalt  }
0x80: {  	_ =	shalt  }
0x81: {  	_ =	shalt  }
0x82: {  	_ =	shalt  }
0x83: {  	_ =	shalt  }
0x84: {  	_ =	shalt  }
0x85: {  	_ =	shalt  }
0x86: {  	_ =	shalt  }
0x87: {  	_ =	shalt  }
.Lfunc_end0:
.L_simem_size_0:
called_computation_lowered:
.L_overlay_start_0:
0x88: {  	s2 =	sld [smem:$0x3FD9]  }
0x89: {  	s3 =	sld [smem:$0x3FFE];
	_ =	sdelay $0x1  }
0x8a: {  	s1 =	srdreg.scid  }
0x8b: {  	s0 =	sand.u32 $0x1, s1  }
0x8c: {  	s17 =	sshll.u32 s0, $0xA;
	s2 =	sadd.s32 s3, s2  }
0x8d: {  	s2 =	sadd.s32 s2, s17  }
0x8e: {  	[smem:$0x3FC6] =	sst s2  }
0x8f: {  	_ = 	snop  }
0x90: {  	s2 =	sld [smem:$0x3FD0];
	(tm) =	ssettm $0x1  }
0x91: {  	s18 =	sld [smem:$0x3FFB];
	_ =	sdelay $0x3  }
0x92: {  	_ =	strace s18  }
0x93: {  	s3 =	sld [smem:$0x3FFC];
	_ =	sdelay $0x3  }
0x94: {  	_ =	strace s3  }
0x95: {  	s3 =	sld [smem:$0x3FFD];
	_ =	sdelay $0x3  }
0x96: {  	_ =	strace s3  }
0x97: {  	_ =	strace $0x8FFFFFFF  }
0x98: {  	s19 =	sld [smem:$0x3FDB];
	_ =	sdelay $0x1  }
0x99: {  	s4 =	simm.s32 $_scs_section_size  }
0x9a: {  	s5 =	simm.s32 $_size__tile_overlayer_lowered;
	s6 =	simm.s32 $_tile_overlayer_lowered  }
0x9b: {  	s22 =	simm.s32 $0x1BFF;
	s21 =	sshll.u32 s6, $0x1;
	s3 =	sadd.s32 s4, s19  }
0x9c: {  	s7 =	simm.s32 $0x0;
	s20 =	sshll.u32 s5, $0x1;
	s5 =	sadd.s32 s21, s3  }
0x9d: {  	[timem:s7], [sflag:s22] =	dma.local [hbm:s5], s20  }
0x9e: {  	_ =	swait.ge [sflag:s22], s20  }
0x9f: {  	s4 =	ssub.s32 $0x0, s20;
	[sflag:s22] =	ssyncset.done $0x0  }
0xa0: {  	[sflag:s22] =	ssyncadd.s32 s4;
	_ =	sdelay $0x1  }
0xa1: {  	s23 =	simm.s32 $0x1B8B  }
0xa2: {  	_ =	swait.ge [sflag:s23], $0x1  }
0xa3: {  	[sflag:s23] =	ssyncset.done $0x0  }
0xa4: {  	s25 =	simm.s32 $0x1B8E;
	s24 =	sld [smem:$0x3FFE];
	[sflag:s23] =	ssyncadd.s32 $0xFFFFFFFF  }
0xa5: {  	s26 =	simm.s32 $execute0_lowered;
	[smem:$0x3FD2] =	sst s25  }
0xa6: {  	s5 =	sshll.u32 s26, $0x1;
	_ =	strace $0x80000046;
	[dreg:$0x1] =	wrdreg $0xFFFFFFFF  }
0xa7: {  	s28 =	simm.s32 $_size_execute0_lowered;
	s3 =	sadd.s32 s3, s5;
	[dreg:$0x0] =	wrdreg $0x0  }
0xa8: {  	s5 =	sshll.u32 s28, $0x1;
	[dreg:$0x2] =	wrdreg s3  }
0xa9: {  	[dreg:$0x3] =	wrdreg s5  }
0xaa: {  	[dreg:$0x4] =	wrdreg $0xC0  }
0xab: {  	_ =	task [dreg:s7], $0x5FFFF  }
0xac: {  	[dreg:$0x1] =	wrdreg $0xFFFFFFFF  }
0xad: {  	[dreg:$0x0] =	wrdreg $0x60  }
0xae: {  	[dreg:$0x2] =	wrdreg s2  }
0xaf: {  	[dreg:$0x3] =	wrdreg s24  }
0xb0: {  	[dreg:$0x4] =	wrdreg $0x9  }
0xb1: {  	_ =	task.clear_ibuf [dreg:s7], $0x5FFFF;
	_ =	strace $0x90000046  }
0xb2: {  	s29 =	simm.s32 $0x9;
	_ =	strace $0x80000048  }
0xb3: {  	_ =	swait.ge [sflag:s29], $0x1  }
0xb4: {  	[sflag:s29] =	ssyncadd.s32 $0xFFFFFFFF  }
0xb5: {  	_ =	strace $0x90000048  }
0xb6: {  	_ =	sfence  }
0xb7: {  	s30 =	sld [smem:$0x0];
	_ =	sdelay $0x2  }
0xb8: {  	s31 =	sshll.u32 s1, $0xD;
	s1 =	sshrl.u32 s1, $0x2  }
0xb9: {  	s3 =	sand.u32 $0x4000, s31;
	s1 =	sadd.s32 s1, s30  }
0xba: {  	s0 =	sor.u32 s3, s0;
	s1 =	sshll.u32 s1, $0x11  }
0xbb: {  	s0 =	sor.u32 s1, s0  }
0xbc: {  	s0 =	sadd.s32 $0x8F2B, s0  }
0xbd: {  	[sflag:s0] =	ssyncadd.remote.s32 $0x1  }
0xbe: {  	_ =	sfence.sel $0xFFFF  }
0xbf: {  	[dreg:$0x0] =	wrdreg $0xFFFFFFFF;
	(pc) =	sbr.abs _section_cstart, $3  }
0xc0: {  	[dreg:$0x1] =	wrdreg $0xFFFFFFFF  }
0xc1: {  	_ =	task.clear_ibuf [dreg:s7], $0x2FFFF;
	_ =	strace $0x9FFFFFFF  }
0xc2: {  	(tm) =	ssettm $0x7FFFFFFF  }
0xc3: {  	_ =	shalt  }
tec
execute0_lowered:
.L_overlay_start_1:
0x0: {  	(tag) =	ssettag $0x1  }
0x1: {  	v0 =	vimm.s32 $0xC3824100;
	vm15 =	vcmask $0xF00;
	vm10 =	vcmask $0x1310  }
0x2: {  	vm9 =	vcmask $0x1714;
	v1 =	vimm.s32 $0x7C7;
	vm14 =	vcmask $0x300  }
0x3: {  	vm8 =	vcmask $0x1B18;
	vm13 =	vcmask $0x704;
	vm12 =	vcmask $0xB08  }
0x4: {  	vm7 =	vcmask $0x1F1C;
	vm11 =	vcmask $0xF0C;
	vm6 =	vcmask $0x2320  }
0x5: {  	vm5 =	vcmask $0x2724;
	vm4 =	vcmask $0x2B28;
	vm3 =	vcmask $0x2F2C  }
0x6: {  	vm2 =	vcmask $0x3330;
	vm1 =	vcmask $0x3734;
	v2 =	vimm.s32 $0xBC7  }
0x7: {  	vm0 =	vcmask $0x3B38;
	v3 =	vimm.s32 $0xFEDCBA9;
	v4 =	vimm.s32 $0x87654321  }
0x8: {  	v9 =	vimm.s32 $0x76543210;
	v10 =	vimm.s32 $0x1BC4;
	v11 =	vimm.s32 $0x1FC4  }
0x9: {  	v12 =	vimm.s32 $0x7C5;
	v13 =	vimm.s32 $0x13C5;
	v15 =	vimm.s32 $0x17C5  }
0xa: {  	v16 =	vimm.s32 $0x1BC5;
	v17 =	vimm.s32 $0x1FC5;
	v19 =	vimm.s32 $0x7C6  }
0xb: {  	v20 =	vimm.s32 $0xFC6;
	v21 =	vimm.s32 $0x13C6;
	v30 =	vimm.s32 $0x1FC6  }
0xc: {  	v32 =	vimm.s32 $0x43210FED;
	v40 =	vimm.s32 $0xCBA98765;
	v0 =	vunpack.c.0.s8.s32 v0  }
0xd: {  	v1 =	vsel vm14, $0x400, v1;
	v2 =	vsel vm14, $0x800, v2;
	v3 =	vunpack.c.l.s4.s8 v3  }
0xe: {  	v4 =	vunpack.c.l.s4.s8 v4;
	v9 =	vunpack.c.l.s4.s8 v9;
	v10 =	vsel vm14, $0x1805, v10  }
0xf: {  	v11 =	vsel vm14, $0x1C05, v11;
	v12 =	vsel vm14, $0x406, v12;
	v13 =	vsel vm14, $0x1006, v13  }
0x10: {  	v15 =	vsel vm14, $0x1406, v15;
	v16 =	vsel vm14, $0x1806, v16;
	v0 =	vand.u32 $0xFF, v0  }
0x11: {  	v17 =	vsel vm14, $0x1C06, v17;
	v38 =	vsel vm14, $0x407, v19;
	v0 =	vnsel vm15, $0x3C7, v0  }
0x12: {  	v19 =	vimm.s32 $0xBC6;
	v1 =	vsel vm13, $0x441, v1;
	v0 =	vsel vm10, $0x104, v0  }
0x13: {  	v20 =	vsel vm14, $0xC07, v20;
	v1 =	vsel vm12, $0x482, v1;
	v0 =	vsel vm9, $0x145, v0  }
0x14: {  	v21 =	vsel vm14, $0x1007, v21;
	v1 =	vsel vm11, $0x4C3, v1;
	v0 =	vsel vm8, $0x186, v0  }
0x15: {  	v30 =	vsel vm14, $0x1C07, v30;
	v1 =	vsel vm10, $0x504, v1;
	v0 =	vsel vm7, $0x1C7, v0  }
0x16: {  	v32 =	vunpack.c.l.s4.s8 v32;
	v1 =	vsel vm9, $0x545, v1;
	v0 =	vsel vm6, $0x200, v0  }
0x17: {  	v40 =	vunpack.c.l.s4.s8 v40;
	v1 =	vsel vm8, $0x586, v1;
	v0 =	vsel vm5, $0x241, v0  }
0x18: {  	v19 =	vsel vm14, $0x807, v19;
	v1 =	vsel vm7, $0x5C7, v1;
	v0 =	vsel vm4, $0x282, v0  }
0x19: {  	v10 =	vsel vm13, $0x1846, v10;
	v1 =	vsel vm6, $0x600, v1;
	v0 =	vsel vm3, $0x2C3, v0  }
0x1a: {  	v11 =	vsel vm13, $0x1C46, v11;
	v1 =	vsel vm5, $0x641, v1;
	v0 =	vsel vm2, $0x304, v0  }
0x1b: {  	v12 =	vsel vm13, $0x447, v12;
	v1 =	vsel vm4, $0x682, v1;
	v0 =	vsel vm1, $0x345, v0  }
0x1c: {  	v33 =	vsel vm0, $0x386, v0;
	v0 =	vsel vm3, $0x6C3, v1;
	v1 =	vsel vm13, $0x841, v2  }
0x1d: {  	v2 =	vimm.s32 $0xFC7;
	v0 =	vsel vm2, $0x704, v0;
	v1 =	vsel vm12, $0x882, v1  }
0x1e: {  	v2 =	vsel vm14, $0xC00, v2;
	v0 =	vsel vm1, $0x745, v0;
	v1 =	vsel vm11, $0x8C3, v1  }
0x1f: {  	v34 =	vsel vm0, $0x786, v0;
	v0 =	vsel vm10, $0x904, v1;
	v1 =	vsel vm13, $0xC41, v2  }
0x20: {  	v2 =	vimm.s32 $0x13C7;
	v0 =	vsel vm9, $0x945, v0;
	v1 =	vsel vm12, $0xC82, v1  }
0x21: {  	v2 =	vsel vm14, $0x1000, v2;
	v0 =	vsel vm8, $0x986, v0;
	v1 =	vsel vm11, $0xCC3, v1  }
0x22: {  	v2 =	vsel vm13, $0x1041, v2;
	v0 =	vsel vm7, $0x9C7, v0;
	v1 =	vsel vm10, $0xD04, v1  }
0x23: {  	v2 =	vsel vm12, $0x1082, v2;
	v0 =	vsel vm6, $0xA00, v0;
	v1 =	vsel vm9, $0xD45, v1  }
0x24: {  	v2 =	vsel vm11, $0x10C3, v2;
	v0 =	vsel vm5, $0xA41, v0;
	v1 =	vsel vm8, $0xD86, v1  }
0x25: {  	v2 =	vsel vm10, $0x1104, v2;
	v0 =	vsel vm4, $0xA82, v0;
	v1 =	vsel vm7, $0xDC7, v1  }
0x26: {  	v2 =	vsel vm9, $0x1145, v2;
	v0 =	vsel vm3, $0xAC3, v0;
	v1 =	vsel vm6, $0xE00, v1  }
0x27: {  	v2 =	vsel vm8, $0x1186, v2;
	v0 =	vsel vm2, $0xB04, v0;
	v1 =	vsel vm5, $0xE41, v1  }
0x28: {  	v2 =	vsel vm7, $0x11C7, v2;
	v0 =	vsel vm1, $0xB45, v0;
	v1 =	vsel vm4, $0xE82, v1  }
0x29: {  	v35 =	vsel vm0, $0xB86, v0;
	v0 =	vsel vm3, $0xEC3, v1;
	v1 =	vsel vm6, $0x1200, v2  }
0x2a: {  	v2 =	vimm.s32 $0x17C7;
	v0 =	vsel vm2, $0xF04, v0;
	v1 =	vsel vm5, $0x1241, v1  }
0x2b: {  	v2 =	vsel vm14, $0x1400, v2;
	v0 =	vsel vm1, $0xF45, v0;
	v1 =	vsel vm4, $0x1282, v1  }
0x2c: {  	v36 =	vsel vm0, $0xF86, v0;
	v0 =	vsel vm3, $0x12C3, v1;
	v1 =	vsel vm13, $0x1441, v2  }
0x2d: {  	v2 =	vimm.s32 $0x1BC7;
	v0 =	vsel vm2, $0x1304, v0;
	v1 =	vsel vm12, $0x1482, v1  }
0x2e: {  	v2 =	vsel vm14, $0x1800, v2;
	v0 =	vsel vm1, $0x1345, v0;
	v1 =	vsel vm11, $0x14C3, v1  }
0x2f: {  	v37 =	vsel vm0, $0x1386, v0;
	v0 =	vsel vm10, $0x1504, v1;
	v1 =	vsel vm13, $0x1841, v2  }
0x30: {  	v2 =	vimm.s32 $0x1FC7;
	v0 =	vsel vm9, $0x1545, v0;
	v1 =	vsel vm12, $0x1882, v1  }
0x31: {  	v2 =	vsel vm14, $0x1C00, v2;
	v0 =	vsel vm8, $0x1586, v0;
	v1 =	vsel vm11, $0x18C3, v1  }
0x32: {  	v2 =	vsel vm13, $0x1C41, v2;
	v0 =	vsel vm7, $0x15C7, v0;
	v1 =	vsel vm10, $0x1904, v1  }
0x33: {  	v2 =	vsel vm12, $0x1C82, v2;
	v0 =	vsel vm6, $0x1600, v0;
	v1 =	vsel vm9, $0x1945, v1  }
0x34: {  	v2 =	vsel vm11, $0x1CC3, v2;
	v0 =	vsel vm5, $0x1641, v0;
	v1 =	vsel vm8, $0x1986, v1  }
0x35: {  	v2 =	vsel vm10, $0x1D04, v2;
	v0 =	vsel vm4, $0x1682, v0;
	v1 =	vsel vm7, $0x19C7, v1  }
0x36: {  	v2 =	vsel vm9, $0x1D45, v2;
	v0 =	vsel vm3, $0x16C3, v0;
	v1 =	vsel vm6, $0x1A00, v1  }
0x37: {  	v2 =	vsel vm8, $0x1D86, v2;
	v0 =	vsel vm2, $0x1704, v0;
	v1 =	vsel vm5, $0x1A41, v1  }
0x38: {  	v2 =	vsel vm7, $0x1DC7, v2;
	v0 =	vsel vm1, $0x1745, v0;
	v1 =	vsel vm4, $0x1A82, v1  }
0x39: {  	v18 =	vsel vm0, $0x1786, v0;
	v0 =	vsel vm3, $0x1AC3, v1;
	v1 =	vsel vm6, $0x1E00, v2  }
0x3a: {  	v2 =	vimm.s32 $0xC4834201;
	v0 =	vsel vm2, $0x1B04, v0;
	v1 =	vsel vm5, $0x1E41, v1  }
0x3b: {  	v2 =	vunpack.c.0.s8.s32 v2;
	v0 =	vsel vm1, $0x1B45, v0;
	v1 =	vsel vm4, $0x1E82, v1  }
0x3c: {  	v39 =	vsel vm0, $0x1B86, v0;
	v0 =	vsel vm3, $0x1EC3, v1;
	v1 =	vimm.s32 $0x7C0  }
0x3d: {  	v13 =	vsel vm13, $0x1047, v13;
	v2 =	vand.u32 $0xFF, v2;
	v1 =	vsel vm14, $0x401, v1  }
0x3e: {  	v3 =	vunpack.c.0.s8.s32 v3;
	v2 =	vnsel vm15, $0x3C0, v2;
	v1 =	vsel vm13, $0x442, v1  }
0x3f: {  	v4 =	vunpack.c.0.s8.s32 v4;
	v2 =	vsel vm10, $0x105, v2;
	v1 =	vsel vm12, $0x483, v1  }
0x40: {  	v15 =	vsel vm13, $0x1447, v15;
	v2 =	vsel vm9, $0x146, v2;
	v1 =	vsel vm11, $0x4C4, v1  }
0x41: {  	[tilespmem:$0x1FAC0] =	vst v3;
	v3 =	vcombine.low v4, v3;
	v2 =	vsel vm8, $0x187, v2;
	v1 =	vsel vm10, $0x505, v1  }
0x42: {  	v16 =	vsel vm13, $0x1847, v16;
	v2 =	vsel vm7, $0x1C0, v2;
	v1 =	vsel vm9, $0x546, v1  }
0x43: {  	v48 =	vand.u32 $0xF, v3;
	v2 =	vsel vm6, $0x201, v2;
	v1 =	vsel vm8, $0x587, v1  }
0x44: {  	v0 =	vsel vm2, $0x1F04, v0;
	v2 =	vsel vm5, $0x242, v2;
	v1 =	vsel vm7, $0x5C0, v1  }
0x45: {  	v0 =	vsel vm1, $0x1F45, v0;
	v2 =	vsel vm4, $0x283, v2;
	v1 =	vsel vm6, $0x601, v1  }
0x46: {  	v23 =	vsel vm0, $0x1F86, v0;
	v0 =	vsel vm3, $0x2C4, v2;
	v1 =	vsel vm5, $0x642, v1  }
0x47: {  	v3 =	vimm.s32 $0xC5844302;
	v0 =	vsel vm2, $0x305, v0;
	v1 =	vsel vm4, $0x683, v1  }
0x48: {  	v2 =	vimm.s32 $0xBC0;
	v0 =	vsel vm1, $0x346, v0;
	v1 =	vsel vm3, $0x6C4, v1  }
0x49: {  	v28 =	vsel vm0, $0x387, v0;
	v0 =	vsel vm2, $0x705, v1;
	v1 =	vsel vm14, $0x801, v2  }
0x4a: {  	v2 =	vimm.s32 $0xFC0;
	v0 =	vsel vm1, $0x746, v0;
	v1 =	vsel vm13, $0x842, v1  }
0x4b: {  	v47 =	vsel vm0, $0x787, v0;
	v0 =	vsel vm12, $0x883, v1;
	v1 =	vsel vm14, $0xC01, v2  }
0x4c: {  	v2 =	vimm.s32 $0x13C0;
	v0 =	vsel vm11, $0x8C4, v0;
	v1 =	vsel vm13, $0xC42, v1  }
0x4d: {  	v2 =	vsel vm14, $0x1001, v2;
	v0 =	vsel vm10, $0x905, v0;
	v1 =	vsel vm12, $0xC83, v1  }
0x4e: {  	v2 =	vsel vm13, $0x1042, v2;
	v0 =	vsel vm9, $0x946, v0;
	v1 =	vsel vm11, $0xCC4, v1  }
0x4f: {  	v2 =	vsel vm12, $0x1083, v2;
	v0 =	vsel vm8, $0x987, v0;
	v1 =	vsel vm10, $0xD05, v1  }
0x50: {  	v2 =	vsel vm11, $0x10C4, v2;
	v0 =	vsel vm7, $0x9C0, v0;
	v1 =	vsel vm9, $0xD46, v1  }
0x51: {  	v2 =	vsel vm10, $0x1105, v2;
	v0 =	vsel vm6, $0xA01, v0;
	v1 =	vsel vm8, $0xD87, v1  }
0x52: {  	v2 =	vsel vm9, $0x1146, v2;
	v0 =	vsel vm5, $0xA42, v0;
	v1 =	vsel vm7, $0xDC0, v1  }
0x53: {  	v2 =	vsel vm8, $0x1187, v2;
	v0 =	vsel vm4, $0xA83, v0;
	v1 =	vsel vm6, $0xE01, v1  }
0x54: {  	v2 =	vsel vm7, $0x11C0, v2;
	v0 =	vsel vm3, $0xAC4, v0;
	v1 =	vsel vm5, $0xE42, v1  }
0x55: {  	v2 =	vsel vm6, $0x1201, v2;
	v0 =	vsel vm2, $0xB05, v0;
	v1 =	vsel vm4, $0xE83, v1  }
0x56: {  	v2 =	vsel vm5, $0x1242, v2;
	v0 =	vsel vm1, $0xB46, v0;
	v1 =	vsel vm3, $0xEC4, v1  }
0x57: {  	v49 =	vsel vm0, $0xB87, v0;
	v0 =	vsel vm2, $0xF05, v1;
	v1 =	vsel vm4, $0x1283, v2  }
0x58: {  	v2 =	vimm.s32 $0x17C0;
	v0 =	vsel vm1, $0xF46, v0;
	v1 =	vsel vm3, $0x12C4, v1  }
0x59: {  	v50 =	vsel vm0, $0xF87, v0;
	v0 =	vsel vm2, $0x1305, v1;
	v1 =	vsel vm14, $0x1401, v2  }
0x5a: {  	v2 =	vimm.s32 $0x1BC0;
	v0 =	vsel vm1, $0x1346, v0;
	v1 =	vsel vm13, $0x1442, v1  }
0x5b: {  	v51 =	vsel vm0, $0x1387, v0;
	v0 =	vsel vm12, $0x1483, v1;
	v1 =	vsel vm14, $0x1801, v2  }
0x5c: {  	v3 =	vunpack.c.0.s8.s32 v3;
	v2 =	vimm.s32 $0x1FC0;
	v1 =	vsel vm13, $0x1842, v1  }
0x5d: {  	v0 =	vsel vm11, $0x14C4, v0;
	v2 =	vsel vm14, $0x1C01, v2;
	v1 =	vsel vm12, $0x1883, v1  }
0x5e: {  	v0 =	vsel vm10, $0x1505, v0;
	v2 =	vsel vm13, $0x1C42, v2;
	v1 =	vsel vm11, $0x18C4, v1  }
0x5f: {  	v0 =	vsel vm9, $0x1546, v0;
	v2 =	vsel vm12, $0x1C83, v2;
	v1 =	vsel vm10, $0x1905, v1  }
0x60: {  	v0 =	vsel vm8, $0x1587, v0;
	v2 =	vsel vm11, $0x1CC4, v2;
	v1 =	vsel vm9, $0x1946, v1  }
0x61: {  	v0 =	vsel vm7, $0x15C0, v0;
	v2 =	vsel vm10, $0x1D05, v2;
	v1 =	vsel vm8, $0x1987, v1  }
0x62: {  	v0 =	vsel vm6, $0x1601, v0;
	v2 =	vsel vm9, $0x1D46, v2;
	v1 =	vsel vm7, $0x19C0, v1  }
0x63: {  	v0 =	vsel vm5, $0x1642, v0;
	v2 =	vsel vm8, $0x1D87, v2;
	v1 =	vsel vm6, $0x1A01, v1  }
0x64: {  	v0 =	vsel vm4, $0x1683, v0;
	v2 =	vsel vm7, $0x1DC0, v2;
	v1 =	vsel vm5, $0x1A42, v1  }
0x65: {  	v0 =	vsel vm3, $0x16C4, v0;
	v2 =	vsel vm6, $0x1E01, v2;
	v1 =	vsel vm4, $0x1A83, v1  }
0x66: {  	v0 =	vsel vm2, $0x1705, v0;
	v2 =	vsel vm5, $0x1E42, v2;
	v1 =	vsel vm3, $0x1AC4, v1  }
0x67: {  	v0 =	vsel vm1, $0x1746, v0;
	v2 =	vsel vm4, $0x1E83, v2;
	v1 =	vsel vm2, $0x1B05, v1  }
0x68: {  	v2 =	vsel vm3, $0x1EC4, v2;
	v52 =	vsel vm0, $0x1787, v0;
	v1 =	vsel vm1, $0x1B46, v1  }
0x69: {  	v0 =	vsel vm2, $0x1F05, v2;
	v2 =	vand.u32 $0xFF, v3;
	v3 =	vimm.s32 $0x7C1  }
0x6a: {  	v53 =	vsel vm0, $0x1B87, v1;
	v1 =	vimm.s32 $0x10FEDCBA;
	v2 =	vnsel vm15, $0x3C1, v2  }
0x6b: {  	v3 =	vsel vm14, $0x402, v3;
	v1 =	vunpack.c.l.s4.s8 v1;
	v2 =	vsel vm10, $0x106, v2  }
0x6c: {  	[tilespmem:$0x1FAD0] =	vst v4;
	v4 =	vimm.s32 $0x98765432;
	v3 =	vsel vm13, $0x443, v3;
	v2 =	vsel vm9, $0x147, v2  }
0x6d: {  	v3 =	vsel vm12, $0x484, v3;
	v54 =	vunpack.c.0.s8.s32 v1;
	v1 =	vsel vm8, $0x180, v2  }
0x6e: {  	v4 =	vunpack.c.l.s4.s8 v4;
	v2 =	vsel vm11, $0x4C5, v3;
	v1 =	vsel vm7, $0x1C1, v1  }
0x6f: {  	v0 =	vsel vm1, $0x1F46, v0;
	v2 =	vsel vm10, $0x506, v2;
	v1 =	vsel vm6, $0x202, v1  }
0x70: {  	v31 =	vsel vm0, $0x1F87, v0;
	v2 =	vsel vm9, $0x547, v2;
	v1 =	vsel vm5, $0x243, v1  }
0x71: {  	v3 =	vunpack.c.0.s8.s32 v4;
	v2 =	vsel vm8, $0x580, v2;
	v0 =	vsel vm4, $0x284, v1  }
0x72: {  	v17 =	vsel vm13, $0x1C47, v17;
	v1 =	vsel vm7, $0x5C1, v2;
	v0 =	vsel vm3, $0x2C5, v0  }
0x73: {  	[tilespmem:$0x1FAE0] =	vst v3;
	v3 =	vcombine.low v3, v54;
	v1 =	vsel vm6, $0x602, v1;
	v0 =	vsel vm2, $0x306, v0  }
0x74: {  	v2 =	vimm.s32 $0xBC1;
	v1 =	vsel vm5, $0x643, v1;
	v0 =	vsel vm1, $0x347, v0  }
0x75: {  	v2 =	vsel vm14, $0x802, v2;
	v1 =	vsel vm4, $0x684, v1;
	v0 =	vsel vm0, $0x380, v0  }
0x76: {  	v24 =	vand.u32 $0xF, v3;
	[tilespmem:$0x1FAF0] =	vst v0;
	v0 =	vsel vm3, $0x6C5, v1;
	v1 =	vsel vm13, $0x843, v2  }
0x77: {  	v2 =	vimm.s32 $0xFC1;
	v0 =	vsel vm2, $0x706, v0;
	v1 =	vsel vm12, $0x884, v1  }
0x78: {  	v2 =	vsel vm14, $0xC02, v2;
	v0 =	vsel vm1, $0x747, v0;
	v1 =	vsel vm11, $0x8C5, v1  }
0x79: {  	v25 =	vsel vm0, $0x780, v0;
	v0 =	vsel vm10, $0x906, v1;
	v1 =	vsel vm13, $0xC43, v2  }
0x7a: {  	v2 =	vimm.s32 $0x13C1;
	v0 =	vsel vm9, $0x947, v0;
	v1 =	vsel vm12, $0xC84, v1  }
0x7b: {  	v2 =	vsel vm14, $0x1002, v2;
	v0 =	vsel vm8, $0x980, v0;
	v1 =	vsel vm11, $0xCC5, v1  }
0x7c: {  	v2 =	vsel vm13, $0x1043, v2;
	v0 =	vsel vm7, $0x9C1, v0;
	v1 =	vsel vm10, $0xD06, v1  }
0x7d: {  	v2 =	vsel vm12, $0x1084, v2;
	v0 =	vsel vm6, $0xA02, v0;
	v1 =	vsel vm9, $0xD47, v1  }
0x7e: {  	v2 =	vsel vm11, $0x10C5, v2;
	v0 =	vsel vm5, $0xA43, v0;
	v1 =	vsel vm8, $0xD80, v1  }
0x7f: {  	v2 =	vsel vm10, $0x1106, v2;
	v0 =	vsel vm4, $0xA84, v0;
	v1 =	vsel vm7, $0xDC1, v1  }
0x80: {  	v2 =	vsel vm9, $0x1147, v2;
	v0 =	vsel vm3, $0xAC5, v0;
	v1 =	vsel vm6, $0xE02, v1  }
0x81: {  	v2 =	vsel vm8, $0x1180, v2;
	v0 =	vsel vm2, $0xB06, v0;
	v1 =	vsel vm5, $0xE43, v1  }
0x82: {  	v2 =	vsel vm7, $0x11C1, v2;
	v0 =	vsel vm1, $0xB47, v0;
	v1 =	vsel vm4, $0xE84, v1  }
0x83: {  	v26 =	vsel vm0, $0xB80, v0;
	v0 =	vsel vm3, $0xEC5, v1;
	v1 =	vsel vm6, $0x1202, v2  }
0x84: {  	v2 =	vimm.s32 $0x17C1;
	v0 =	vsel vm2, $0xF06, v0;
	v1 =	vsel vm5, $0x1243, v1  }
0x85: {  	v2 =	vsel vm14, $0x1402, v2;
	v0 =	vsel vm1, $0xF47, v0;
	v1 =	vsel vm4, $0x1284, v1  }
0x86: {  	v27 =	vsel vm0, $0xF80, v0;
	v0 =	vsel vm3, $0x12C5, v1;
	v1 =	vsel vm13, $0x1443, v2  }
0x87: {  	v2 =	vimm.s32 $0x1BC1;
	v0 =	vsel vm2, $0x1306, v0;
	v1 =	vsel vm12, $0x1484, v1  }
0x88: {  	v2 =	vsel vm14, $0x1802, v2;
	v0 =	vsel vm1, $0x1347, v0;
	v1 =	vsel vm11, $0x14C5, v1  }
0x89: {  	v55 =	vsel vm0, $0x1380, v0;
	v0 =	vsel vm10, $0x1506, v1;
	v1 =	vsel vm13, $0x1843, v2  }
0x8a: {  	v3 =	vimm.s32 $0xC6854403;
	v2 =	vimm.s32 $0x1FC1;
	v1 =	vsel vm12, $0x1884, v1  }
0x8b: {  	v3 =	vunpack.c.0.s8.s32 v3;
	v2 =	vsel vm14, $0x1C02, v2;
	v1 =	vsel vm11, $0x18C5, v1  }
0x8c: {  	v0 =	vsel vm9, $0x1547, v0;
	v2 =	vsel vm13, $0x1C43, v2;
	v1 =	vsel vm10, $0x1906, v1  }
0x8d: {  	v0 =	vsel vm8, $0x1580, v0;
	v2 =	vsel vm12, $0x1C84, v2;
	v1 =	vsel vm9, $0x1947, v1  }
0x8e: {  	v0 =	vsel vm7, $0x15C1, v0;
	v2 =	vsel vm11, $0x1CC5, v2;
	v1 =	vsel vm8, $0x1980, v1  }
0x8f: {  	v0 =	vsel vm6, $0x1602, v0;
	v2 =	vsel vm10, $0x1D06, v2;
	v1 =	vsel vm7, $0x19C1, v1  }
0x90: {  	v0 =	vsel vm5, $0x1643, v0;
	v2 =	vsel vm9, $0x1D47, v2;
	v1 =	vsel vm6, $0x1A02, v1  }
0x91: {  	v0 =	vsel vm4, $0x1684, v0;
	v2 =	vsel vm8, $0x1D80, v2;
	v1 =	vsel vm5, $0x1A43, v1  }
0x92: {  	v0 =	vsel vm3, $0x16C5, v0;
	v2 =	vsel vm7, $0x1DC1, v2;
	v1 =	vsel vm4, $0x1A84, v1  }
0x93: {  	v0 =	vsel vm2, $0x1706, v0;
	v2 =	vsel vm6, $0x1E02, v2;
	v1 =	vsel vm3, $0x1AC5, v1  }
0x94: {  	v0 =	vsel vm1, $0x1747, v0;
	v2 =	vsel vm5, $0x1E43, v2;
	v1 =	vsel vm2, $0x1B06, v1  }
0x95: {  	v56 =	vsel vm0, $0x1780, v0;
	v0 =	vsel vm1, $0x1B47, v1;
	v1 =	vsel vm4, $0x1E84, v2  }
0x96: {  	v57 =	vsel vm0, $0x1B80, v0;
	v0 =	vsel vm3, $0x1EC5, v1;
	v1 =	vand.u32 $0xFF, v3  }
0x97: {  	v38 =	vsel vm13, $0x440, v38;
	v20 =	vsel vm13, $0xC40, v20;
	v1 =	vnsel vm15, $0x3C2, v1  }
0x98: {  	v4 =	vimm.s32 $0xA9876543;
	v2 =	vimm.s32 $0x7C2;
	v1 =	vsel vm10, $0x107, v1  }
0x99: {  	v4 =	vunpack.c.l.s4.s8 v4;
	v2 =	vsel vm14, $0x403, v2;
	v1 =	vsel vm9, $0x140, v1  }
0x9a: {  	v3 =	vimm.s32 $0x210FEDCB;
	v2 =	vsel vm13, $0x444, v2;
	v1 =	vsel vm8, $0x181, v1  }
0x9b: {  	v0 =	vsel vm2, $0x1F06, v0;
	v2 =	vsel vm12, $0x485, v2;
	v1 =	vsel vm7, $0x1C2, v1  }
0x9c: {  	v3 =	vunpack.c.l.s4.s8 v3;
	v2 =	vsel vm11, $0x4C6, v2;
	v1 =	vsel vm6, $0x203, v1  }
0x9d: {  	v0 =	vsel vm1, $0x1F47, v0;
	v2 =	vsel vm10, $0x507, v2;
	v1 =	vsel vm5, $0x244, v1  }
0x9e: {  	v42 =	vunpack.c.0.s8.s32 v3;
	v2 =	vsel vm9, $0x540, v2;
	v1 =	vsel vm4, $0x285, v1  }
0x9f: {  	v0 =	vsel vm0, $0x1F80, v0;
	v2 =	vsel vm8, $0x581, v2;
	v1 =	vsel vm3, $0x2C6, v1  }
0xa0: {  	v3 =	vunpack.c.0.s8.s32 v4;
	[tilespmem:$0x1FB10] =	vst v0;
	v2 =	vsel vm7, $0x5C2, v2;
	v0 =	vsel vm2, $0x307, v1  }
0xa1: {  	v21 =	vsel vm13, $0x1040, v21;
	v1 =	vsel vm6, $0x603, v2;
	v0 =	vsel vm1, $0x340, v0  }
0xa2: {  	v4 =	vimm.s32 $0xBA987654;
	[tilespmem:$0x1FB00] =	vst v3;
	v1 =	vsel vm5, $0x644, v1;
	v0 =	vsel vm0, $0x381, v0  }
0xa3: {  	v3 =	vcombine.low v3, v42;
	[tilespmem:$0x1FB20] =	vst v0;
	v0 =	vsel vm4, $0x685, v1;
	v1 =	vimm.s32 $0xBC2  }
0xa4: {  	v2 =	vimm.s32 $0xFC2;
	v0 =	vsel vm3, $0x6C6, v0;
	v1 =	vsel vm14, $0x803, v1  }
0xa5: {  	v2 =	vsel vm14, $0xC03, v2;
	v0 =	vsel vm2, $0x707, v0;
	v1 =	vsel vm13, $0x844, v1  }
0xa6: {  	v2 =	vsel vm13, $0xC44, v2;
	v0 =	vsel vm1, $0x740, v0;
	v1 =	vsel vm12, $0x885, v1  }
0xa7: {  	v59 =	vsel vm0, $0x781, v0;
	v0 =	vsel vm11, $0x8C6, v1;
	v1 =	vsel vm12, $0xC85, v2  }
0xa8: {  	v2 =	vimm.s32 $0x13C2;
	v0 =	vsel vm10, $0x907, v0;
	v1 =	vsel vm11, $0xCC6, v1  }
0xa9: {  	v2 =	vsel vm14, $0x1003, v2;
	v0 =	vsel vm9, $0x940, v0;
	v1 =	vsel vm10, $0xD07, v1  }
0xaa: {  	v2 =	vsel vm13, $0x1044, v2;
	v0 =	vsel vm8, $0x981, v0;
	v1 =	vsel vm9, $0xD40, v1  }
0xab: {  	v2 =	vsel vm12, $0x1085, v2;
	v0 =	vsel vm7, $0x9C2, v0;
	v1 =	vsel vm8, $0xD81, v1  }
0xac: {  	v2 =	vsel vm11, $0x10C6, v2;
	v0 =	vsel vm6, $0xA03, v0;
	v1 =	vsel vm7, $0xDC2, v1  }
0xad: {  	v2 =	vsel vm10, $0x1107, v2;
	v0 =	vsel vm5, $0xA44, v0;
	v1 =	vsel vm6, $0xE03, v1  }
0xae: {  	v2 =	vsel vm9, $0x1140, v2;
	v0 =	vsel vm4, $0xA85, v0;
	v1 =	vsel vm5, $0xE44, v1  }
0xaf: {  	v2 =	vsel vm8, $0x1181, v2;
	v0 =	vsel vm3, $0xAC6, v0;
	v1 =	vsel vm4, $0xE85, v1  }
0xb0: {  	v2 =	vsel vm7, $0x11C2, v2;
	v0 =	vsel vm2, $0xB07, v0;
	v1 =	vsel vm3, $0xEC6, v1  }
0xb1: {  	v2 =	vsel vm6, $0x1203, v2;
	v0 =	vsel vm1, $0xB40, v0;
	v1 =	vsel vm2, $0xF07, v1  }
0xb2: {  	v60 =	vsel vm0, $0xB81, v0;
	v0 =	vsel vm1, $0xF40, v1;
	v1 =	vsel vm5, $0x1244, v2  }
0xb3: {  	v43 =	vsel vm0, $0xF81, v0;
	v0 =	vsel vm4, $0x1285, v1;
	v1 =	vimm.s32 $0x17C2  }
0xb4: {  	v2 =	vimm.s32 $0x1BC2;
	v0 =	vsel vm3, $0x12C6, v0;
	v1 =	vsel vm14, $0x1403, v1  }
0xb5: {  	v2 =	vsel vm14, $0x1803, v2;
	v0 =	vsel vm2, $0x1307, v0;
	v1 =	vsel vm13, $0x1444, v1  }
0xb6: {  	v2 =	vsel vm13, $0x1844, v2;
	v0 =	vsel vm1, $0x1340, v0;
	v1 =	vsel vm12, $0x1485, v1  }
0xb7: {  	v44 =	vsel vm0, $0x1381, v0;
	v0 =	vsel vm11, $0x14C6, v1;
	v1 =	vsel vm12, $0x1885, v2  }
0xb8: {  	v2 =	vimm.s32 $0x1FC2;
	v0 =	vsel vm10, $0x1507, v0;
	v1 =	vsel vm11, $0x18C6, v1  }
0xb9: {  	v2 =	vsel vm14, $0x1C03, v2;
	v0 =	vsel vm9, $0x1540, v0;
	v1 =	vsel vm10, $0x1907, v1  }
0xba: {  	v2 =	vsel vm13, $0x1C44, v2;
	v0 =	vsel vm8, $0x1581, v0;
	v1 =	vsel vm9, $0x1940, v1  }
0xbb: {  	v2 =	vsel vm12, $0x1C85, v2;
	v0 =	vsel vm7, $0x15C2, v0;
	v1 =	vsel vm8, $0x1981, v1  }
0xbc: {  	v2 =	vsel vm11, $0x1CC6, v2;
	v0 =	vsel vm6, $0x1603, v0;
	v1 =	vsel vm7, $0x19C2, v1  }
0xbd: {  	v2 =	vsel vm10, $0x1D07, v2;
	v0 =	vsel vm5, $0x1644, v0;
	v1 =	vsel vm6, $0x1A03, v1  }
0xbe: {  	v2 =	vsel vm9, $0x1D40, v2;
	v0 =	vsel vm4, $0x1685, v0;
	v1 =	vsel vm5, $0x1A44, v1  }
0xbf: {  	v2 =	vsel vm8, $0x1D81, v2;
	v0 =	vsel vm3, $0x16C6, v0;
	v1 =	vsel vm4, $0x1A85, v1  }
0xc0: {  	v2 =	vsel vm7, $0x1DC2, v2;
	v0 =	vsel vm2, $0x1707, v0;
	v1 =	vsel vm3, $0x1AC6, v1  }
0xc1: {  	v2 =	vsel vm6, $0x1E03, v2;
	v0 =	vsel vm1, $0x1740, v0;
	v1 =	vsel vm2, $0x1B07, v1  }
0xc2: {  	v45 =	vsel vm0, $0x1781, v0;
	v0 =	vsel vm1, $0x1B40, v1;
	v1 =	vsel vm5, $0x1E44, v2  }
0xc3: {  	v46 =	vsel vm0, $0x1B81, v0;
	v0 =	vsel vm4, $0x1E85, v1;
	v1 =	vimm.s32 $0xC7864504  }
0xc4: {  	v30 =	vsel vm13, $0x1C40, v30;
	v4 =	vunpack.c.l.s4.s8 v4;
	v1 =	vunpack.c.0.s8.s32 v1  }
0xc5: {  	v58 =	vand.u32 $0xF, v3;
	v3 =	vimm.s32 $0x7C3;
	v2 =	vimm.s32 $0x3210FEDC  }
0xc6: {  	v3 =	vsel vm14, $0x404, v3;
	v2 =	vunpack.c.l.s4.s8 v2;
	v1 =	vand.u32 $0xFF, v1  }
0xc7: {  	v3 =	vsel vm13, $0x445, v3;
	v0 =	vsel vm3, $0x1EC6, v0;
	v1 =	vnsel vm15, $0x3C3, v1  }
0xc8: {  	v0 =	vsel vm2, $0x1F07, v0;
	v5 =	vunpack.c.0.s8.s32 v2;
	v1 =	vsel vm10, $0x100, v1  }
0xc9: {  	v2 =	vsel vm12, $0x486, v3;
	v3 =	vunpack.c.0.s8.s32 v4;
	v1 =	vsel vm9, $0x141, v1  }
0xca: {  	v2 =	vsel vm11, $0x4C7, v2;
	v0 =	vsel vm1, $0x1F40, v0;
	v1 =	vsel vm8, $0x182, v1  }
0xcb: {  	v2 =	vsel vm10, $0x500, v2;
	v0 =	vsel vm0, $0x1F81, v0;
	v1 =	vsel vm7, $0x1C3, v1  }
0xcc: {  	v9 =	vunpack.c.0.s8.s32 v9;
	v2 =	vsel vm9, $0x541, v2;
	[tilespmem:$0x1FB50] =	vst v0;
	v0 =	vsel vm6, $0x204, v1  }
0xcd: {  	[tilespmem:$0x1FB40] =	vst v3;
	v3 =	vcombine.low v3, v5;
	v1 =	vsel vm8, $0x582, v2;
	v0 =	vsel vm5, $0x245, v0  }
0xce: {  	v19 =	vsel vm13, $0x840, v19;
	v1 =	vsel vm7, $0x5C3, v1;
	v0 =	vsel vm4, $0x286, v0  }
0xcf: {  	v2 =	vand.u32 $0xF, v3;
	v1 =	vsel vm6, $0x604, v1;
	v0 =	vsel vm3, $0x2C7, v0  }
0xd0: {  	[tilespmem:$0x1FB60] =	vst v2;
	v2 =	vimm.s32 $0xBC3;
	v1 =	vsel vm5, $0x645, v1;
	v0 =	vsel vm2, $0x300, v0  }
0xd1: {  	v2 =	vsel vm14, $0x804, v2;
	v1 =	vsel vm4, $0x686, v1;
	v0 =	vsel vm1, $0x341, v0  }
0xd2: {  	v2 =	vsel vm13, $0x845, v2;
	v1 =	vsel vm3, $0x6C7, v1;
	v0 =	vsel vm0, $0x382, v0  }
0xd3: {  	v32 =	vunpack.c.0.s8.s32 v32;
	v2 =	vsel vm12, $0x886, v2;
	[tilespmem:$0x1FB70] =	vst v0;
	v0 =	vsel vm2, $0x700, v1  }
0xd4: {  	v41 =	vunpack.c.0.s8.s32 v40;
	v1 =	vsel vm11, $0x8C7, v2;
	v0 =	vsel vm1, $0x741, v0  }
0xd5: {  	v10 =	vsel vm12, $0x1887, v10;
	v1 =	vsel vm10, $0x900, v1;
	v0 =	vsel vm0, $0x782, v0  }
0xd6: {  	v11 =	vsel vm12, $0x1C87, v11;
	v2 =	vimm.s32 $0xFC3;
	[tilespmem:$0x1FB80] =	vst v0;
	v0 =	vsel vm9, $0x941, v1  }
0xd7: {  	v12 =	vsel vm12, $0x480, v12;
	v1 =	vsel vm14, $0xC04, v2;
	v0 =	vsel vm8, $0x982, v0  }
0xd8: {  	v13 =	vsel vm12, $0x1080, v13;
	v1 =	vsel vm13, $0xC45, v1;
	v0 =	vsel vm7, $0x9C3, v0  }
0xd9: {  	v2 =	vimm.s32 $0x13C3;
	v1 =	vsel vm12, $0xC86, v1;
	v0 =	vsel vm6, $0xA04, v0  }
0xda: {  	v2 =	vsel vm14, $0x1004, v2;
	v1 =	vsel vm11, $0xCC7, v1;
	v0 =	vsel vm5, $0xA45, v0  }
0xdb: {  	v2 =	vsel vm13, $0x1045, v2;
	v1 =	vsel vm10, $0xD00, v1;
	v0 =	vsel vm4, $0xA86, v0  }
0xdc: {  	v2 =	vsel vm12, $0x1086, v2;
	v1 =	vsel vm9, $0xD41, v1;
	v0 =	vsel vm3, $0xAC7, v0  }
0xdd: {  	v2 =	vsel vm11, $0x10C7, v2;
	v1 =	vsel vm8, $0xD82, v1;
	v0 =	vsel vm2, $0xB00, v0  }
0xde: {  	v2 =	vsel vm10, $0x1100, v2;
	v1 =	vsel vm7, $0xDC3, v1;
	v0 =	vsel vm1, $0xB41, v0  }
0xdf: {  	v2 =	vsel vm9, $0x1141, v2;
	v1 =	vsel vm6, $0xE04, v1;
	v0 =	vsel vm0, $0xB82, v0  }
0xe0: {  	v15 =	vsel vm12, $0x1480, v15;
	v2 =	vsel vm8, $0x1182, v2;
	[tilespmem:$0x1FB90] =	vst v0;
	v0 =	vsel vm5, $0xE45, v1  }
0xe1: {  	v16 =	vsel vm12, $0x1880, v16;
	v1 =	vsel vm7, $0x11C3, v2;
	v0 =	vsel vm4, $0xE86, v0  }
0xe2: {  	v17 =	vsel vm12, $0x1C80, v17;
	v1 =	vsel vm6, $0x1204, v1;
	v0 =	vsel vm3, $0xEC7, v0  }
0xe3: {  	v2 =	vimm.s32 $0x17C3;
	v1 =	vsel vm5, $0x1245, v1;
	v0 =	vsel vm2, $0xF00, v0  }
0xe4: {  	v2 =	vsel vm14, $0x1404, v2;
	v1 =	vsel vm4, $0x1286, v1;
	v0 =	vsel vm1, $0xF41, v0  }
0xe5: {  	v2 =	vsel vm13, $0x1445, v2;
	v1 =	vsel vm3, $0x12C7, v1;
	v0 =	vsel vm0, $0xF82, v0  }
0xe6: {  	v38 =	vsel vm12, $0x481, v38;
	v2 =	vsel vm12, $0x1486, v2;
	[tilespmem:$0x1FBA0] =	vst v0;
	v0 =	vsel vm2, $0x1300, v1  }
0xe7: {  	v20 =	vsel vm12, $0xC81, v20;
	v1 =	vsel vm11, $0x14C7, v2;
	v0 =	vsel vm1, $0x1341, v0  }
0xe8: {  	v2 =	vimm.s32 $0x1BC3;
	v1 =	vsel vm10, $0x1500, v1;
	v0 =	vsel vm0, $0x1382, v0  }
0xe9: {  	v21 =	vsel vm12, $0x1081, v21;
	[tilespmem:$0x1FBB0] =	vst v0;
	v0 =	vsel vm9, $0x1541, v1;
	v1 =	vsel vm14, $0x1804, v2  }
0xea: {  	v30 =	vsel vm12, $0x1C81, v30;
	v3 =	vimm.s32 $0xC0874605;
	v1 =	vsel vm13, $0x1845, v1  }
0xeb: {  	v2 =	vimm.s32 $0x1FC3;
	v0 =	vsel vm8, $0x1582, v0;
	v1 =	vsel vm12, $0x1886, v1  }
0xec: {  	v2 =	vsel vm14, $0x1C04, v2;
	v0 =	vsel vm7, $0x15C3, v0;
	v1 =	vsel vm11, $0x18C7, v1  }
0xed: {  	v2 =	vsel vm13, $0x1C45, v2;
	v0 =	vsel vm6, $0x1604, v0;
	v1 =	vsel vm10, $0x1900, v1  }
0xee: {  	v2 =	vsel vm12, $0x1C86, v2;
	v0 =	vsel vm5, $0x1645, v0;
	v1 =	vsel vm9, $0x1941, v1  }
0xef: {  	v2 =	vsel vm11, $0x1CC7, v2;
	v0 =	vsel vm4, $0x1686, v0;
	v1 =	vsel vm8, $0x1982, v1  }
0xf0: {  	v2 =	vsel vm10, $0x1D00, v2;
	v0 =	vsel vm3, $0x16C7, v0;
	v1 =	vsel vm7, $0x19C3, v1  }
0xf1: {  	v2 =	vsel vm9, $0x1D41, v2;
	v0 =	vsel vm2, $0x1700, v0;
	v1 =	vsel vm6, $0x1A04, v1  }
0xf2: {  	v2 =	vsel vm8, $0x1D82, v2;
	v0 =	vsel vm1, $0x1741, v0;
	v1 =	vsel vm5, $0x1A45, v1  }
0xf3: {  	v2 =	vsel vm7, $0x1DC3, v2;
	v0 =	vsel vm0, $0x1782, v0;
	v1 =	vsel vm4, $0x1A86, v1  }
0xf4: {  	v3 =	vunpack.c.0.s8.s32 v3;
	v2 =	vsel vm6, $0x1E04, v2;
	[tilespmem:$0x1FBC0] =	vst v0;
	v0 =	vsel vm3, $0x1AC7, v1  }
0xf5: {  	v19 =	vsel vm12, $0x881, v19;
	v1 =	vsel vm5, $0x1E45, v2;
	v0 =	vsel vm2, $0x1B00, v0  }
0xf6: {  	v2 =	vand.u32 $0xFF, v3;
	v1 =	vsel vm4, $0x1E86, v1;
	v0 =	vsel vm1, $0x1B41, v0  }
0xf7: {  	v2 =	vnsel vm15, $0x3C4, v2;
	v1 =	vsel vm3, $0x1EC7, v1;
	v0 =	vsel vm0, $0x1B82, v0  }
0xf8: {  	v63 =	vsel vm11, $0x1CC2, v30;
	[tilespmem:$0x1FBD0] =	vst v0;
	v0 =	vsel vm2, $0x1F00, v1;
	v1 =	vsel vm10, $0x101, v2  }
0xf9: {  	[tilespmem:$0x1FBF0] =	vst v32;
	v32 =	vcombine.low v41, v32;
	v2 =	vsel vm1, $0x1F41, v0;
	v0 =	vsel vm9, $0x142, v1  }
0xfa: {  	[tilespmem:$0x1FC00] =	vst v41;
	v41 =	vsel vm11, $0x10C2, v21;
	v1 =	vimm.s32 $0x7C4;
	v3 =	vsel vm8, $0x183, v0  }
0xfb: {  	v0 =	vsel vm14, $0x405, v1;
	v1 =	vimm.s32 $0xBC4;
	v2 =	vsel vm0, $0x1F82, v2  }
0xfc: {  	[tilespmem:$0x1FB30] =	vst v5;
	v4 =	vsel vm13, $0x446, v0;
	v5 =	vsel vm14, $0x805, v1;
	v0 =	vimm.s32 $0xFC4  }
0xfd: {  	v1 =	vimm.s32 $0x17C4;
	v3 =	vsel vm7, $0x1C4, v3;
	v6 =	vsel vm14, $0xC05, v0  }
0xfe: {  	v0 =	vimm.s32 $0x13C4;
	v8 =	vsel vm14, $0x1405, v1;
	v1 =	vimm.s32 $0xC1804706  }
0xff: {  	v4 =	vsel vm12, $0x487, v4;
	v5 =	vsel vm13, $0x846, v5;
	v3 =	vsel vm6, $0x205, v3  }
0x100: {  	v7 =	vsel vm14, $0x1005, v0;
	v0 =	vimm.s32 $0xFEDCBA98;
	v1 =	vunpack.c.0.s8.s32 v1  }
0x101: {  	v6 =	vsel vm13, $0xC46, v6;
	v4 =	vsel vm11, $0x4C0, v4;
	v3 =	vsel vm5, $0x246, v3  }
0x102: {  	v8 =	vsel vm13, $0x1446, v8;
	v4 =	vsel vm10, $0x501, v4;
	v3 =	vsel vm4, $0x287, v3  }
0x103: {  	[tilespmem:$0x1FC10] =	vst v2;
	v5 =	vsel vm12, $0x887, v5;
	v4 =	vsel vm9, $0x542, v4;
	v2 =	vsel vm3, $0x2C0, v3  }
0x104: {  	v0 =	vunpack.c.l.s4.s8 v0;
	v3 =	vsel vm8, $0x583, v4;
	v2 =	vsel vm2, $0x301, v2  }
0x105: {  	v4 =	vand.u32 $0xF, v32;
	v3 =	vsel vm7, $0x5C4, v3;
	v2 =	vsel vm1, $0x342, v2  }
0x106: {  	v7 =	vsel vm13, $0x1046, v7;
	[tilespmem:$0x1FC20] =	vst v4;
	v3 =	vsel vm6, $0x605, v3;
	v2 =	vsel vm0, $0x383, v2  }
0x107: {  	v6 =	vsel vm12, $0xC87, v6;
	v4 =	vsel vm11, $0x8C0, v5;
	[tilespmem:$0x1FC30] =	vst v2;
	v2 =	vsel vm5, $0x646, v3  }
0x108: {  	v8 =	vsel vm12, $0x1487, v8;
	v3 =	vsel vm10, $0x901, v4;
	v2 =	vsel vm4, $0x687, v2  }
0x109: {  	v1 =	vand.u32 $0xFF, v1;
	v3 =	vsel vm9, $0x942, v3;
	v2 =	vsel vm3, $0x6C0, v2  }
0x10a: {  	v4 =	vsel vm11, $0xCC0, v6;
	v3 =	vsel vm8, $0x983, v3;
	v2 =	vsel vm2, $0x701, v2  }
0x10b: {  	v4 =	vsel vm10, $0xD01, v4;
	v3 =	vsel vm7, $0x9C4, v3;
	v2 =	vsel vm1, $0x742, v2  }
0x10c: {  	v4 =	vsel vm9, $0xD42, v4;
	v3 =	vsel vm6, $0xA05, v3;
	v2 =	vsel vm0, $0x783, v2  }
0x10d: {  	v7 =	vsel vm12, $0x1087, v7;
	v4 =	vsel vm8, $0xD83, v4;
	[tilespmem:$0x1FC40] =	vst v2;
	v2 =	vsel vm5, $0xA46, v3  }
0x10e: {  	v0 =	vunpack.c.0.s8.s32 v0;
	v3 =	vsel vm7, $0xDC4, v4;
	v2 =	vsel vm4, $0xA87, v2  }
0x10f: {  	v1 =	vnsel vm15, $0x3C5, v1;
	v3 =	vsel vm6, $0xE05, v3;
	v2 =	vsel vm3, $0xAC0, v2  }
0x110: {  	v4 =	vsel vm11, $0x10C0, v7;
	v3 =	vsel vm5, $0xE46, v3;
	v2 =	vsel vm2, $0xB01, v2  }
0x111: {  	v4 =	vsel vm10, $0x1101, v4;
	v3 =	vsel vm4, $0xE87, v3;
	v2 =	vsel vm1, $0xB42, v2  }
0x112: {  	v4 =	vsel vm9, $0x1142, v4;
	v3 =	vsel vm3, $0xEC0, v3;
	v2 =	vsel vm0, $0xB83, v2  }
0x113: {  	v1 =	vsel vm10, $0x102, v1;
	v4 =	vsel vm8, $0x1183, v4;
	[tilespmem:$0x1FC50] =	vst v2;
	v2 =	vsel vm2, $0xF01, v3  }
0x114: {  	v5 =	vsel vm11, $0x10C1, v13;
	v3 =	vsel vm7, $0x11C4, v4;
	v2 =	vsel vm1, $0xF42, v2  }
0x115: {  	v0 =	vand.u32 $0xF, v0;
	v3 =	vsel vm6, $0x1205, v3;
	v2 =	vsel vm0, $0xF83, v2  }
0x116: {  	v1 =	vsel vm9, $0x143, v1;
	v4 =	vsel vm11, $0x14C0, v8;
	[tilespmem:$0x1FC60] =	vst v2;
	v2 =	vsel vm5, $0x1246, v3  }
0x117: {  	v5 =	vsel vm10, $0x1102, v5;
	v3 =	vsel vm10, $0x1501, v4;
	v2 =	vsel vm4, $0x1287, v2  }
0x118: {  	v0 =	vcombine.low v0, v9;
	v3 =	vsel vm9, $0x1542, v3;
	v2 =	vsel vm3, $0x12C0, v2  }
0x119: {  	v4 =	vsel vm11, $0x18C0, v10;
	v3 =	vsel vm8, $0x1583, v3;
	v2 =	vsel vm2, $0x1301, v2  }
0x11a: {  	v4 =	vsel vm10, $0x1901, v4;
	v3 =	vsel vm7, $0x15C4, v3;
	v2 =	vsel vm1, $0x1342, v2  }
0x11b: {  	v4 =	vsel vm9, $0x1942, v4;
	v3 =	vsel vm6, $0x1605, v3;
	v2 =	vsel vm0, $0x1383, v2  }
0x11c: {  	v1 =	vsel vm8, $0x184, v1;
	v4 =	vsel vm8, $0x1983, v4;
	[tilespmem:$0x1FC70] =	vst v2;
	v2 =	vsel vm5, $0x1646, v3  }
0x11d: {  	v6 =	vsel vm11, $0x14C1, v15;
	v3 =	vsel vm7, $0x19C4, v4;
	v2 =	vsel vm4, $0x1687, v2  }
0x11e: {  	v15 =	vsel vm10, $0x1D03, v63;
	v3 =	vsel vm6, $0x1A05, v3;
	v2 =	vsel vm3, $0x16C0, v2  }
0x11f: {  	v4 =	vsel vm11, $0x1CC0, v11;
	v3 =	vsel vm5, $0x1A46, v3;
	v2 =	vsel vm2, $0x1701, v2  }
0x120: {  	v4 =	vsel vm10, $0x1D01, v4;
	v3 =	vsel vm4, $0x1A87, v3;
	v2 =	vsel vm1, $0x1742, v2  }
0x121: {  	v4 =	vsel vm9, $0x1D42, v4;
	v3 =	vsel vm3, $0x1AC0, v3;
	v2 =	vsel vm0, $0x1783, v2  }
0x122: {  	v1 =	vsel vm7, $0x1C5, v1;
	v4 =	vsel vm8, $0x1D83, v4;
	[tilespmem:$0x1FC80] =	vst v2;
	v2 =	vsel vm2, $0x1B01, v3  }
0x123: {  	v6 =	vsel vm10, $0x1502, v6;
	v3 =	vsel vm7, $0x1DC4, v4;
	v2 =	vsel vm1, $0x1B42, v2  }
0x124: {  	[tilespmem:$0x1FBE0] =	vst v0;
	v0 =	vimm.s32 $0xBC5;
	v3 =	vsel vm6, $0x1E05, v3;
	v2 =	vsel vm0, $0x1B83, v2  }
0x125: {  	v1 =	vsel vm6, $0x206, v1;
	v9 =	vsel vm14, $0x806, v0;
	[tilespmem:$0x1FC90] =	vst v2;
	v2 =	vsel vm5, $0x1E46, v3  }
0x126: {  	v0 =	vimm.s32 $0xFC5;
	v1 =	vsel vm5, $0x247, v1;
	v2 =	vsel vm4, $0x1E87, v2  }
0x127: {  	v14 =	vsel vm14, $0xC06, v0;
	v3 =	vsel vm11, $0x4C1, v12;
	v2 =	vsel vm3, $0x1EC0, v2  }
0x128: {  	v0 =	vimm.s32 $0xC2814007;
	v3 =	vsel vm10, $0x502, v3;
	v2 =	vsel vm2, $0x1F01, v2  }
0x129: {  	v9 =	vsel vm13, $0x847, v9;
	v3 =	vsel vm9, $0x543, v3;
	v2 =	vsel vm1, $0x1F42, v2  }
0x12a: {  	v1 =	vsel vm4, $0x280, v1;
	v3 =	vsel vm8, $0x584, v3;
	v2 =	vsel vm0, $0x1F83, v2  }
0x12b: {  	v0 =	vunpack.c.0.s8.s32 v0;
	v14 =	vsel vm13, $0xC47, v14;
	[tilespmem:$0x1FCA0] =	vst v2;
	v2 =	vsel vm7, $0x5C5, v3  }
0x12c: {  	v9 =	vsel vm12, $0x880, v9;
	v1 =	vsel vm3, $0x2C1, v1;
	v2 =	vsel vm6, $0x606, v2  }
0x12d: {  	v14 =	vsel vm12, $0xC80, v14;
	v1 =	vsel vm2, $0x302, v1;
	v2 =	vsel vm5, $0x647, v2  }
0x12e: {  	v7 =	vsel vm11, $0x18C1, v16;
	v1 =	vsel vm1, $0x343, v1;
	v2 =	vsel vm4, $0x680, v2  }
0x12f: {  	v16 =	vimm.s32 $0x543210FE;
	v1 =	vsel vm0, $0x384, v1;
	v2 =	vsel vm3, $0x6C1, v2  }
0x130: {  	v0 =	vand.u32 $0xFF, v0;
	[tilespmem:$0x1FCD0] =	vst v1;
	v3 =	vsel vm11, $0x8C1, v9;
	v1 =	vsel vm2, $0x702, v2  }
0x131: {  	v4 =	vsel vm11, $0xCC1, v14;
	v3 =	vsel vm10, $0x902, v3;
	v1 =	vsel vm1, $0x743, v1  }
0x132: {  	v4 =	vsel vm10, $0xD02, v4;
	v2 =	vsel vm9, $0x943, v3;
	v1 =	vsel vm0, $0x784, v1  }
0x133: {  	v16 =	vunpack.c.l.s4.s8 v16;
	v3 =	vsel vm9, $0xD43, v4;
	[tilespmem:$0x1FCE0] =	vst v1;
	v1 =	vsel vm8, $0x984, v2  }
0x134: {  	v7 =	vsel vm10, $0x1902, v7;
	v2 =	vsel vm8, $0xD84, v3;
	v1 =	vsel vm7, $0x9C5, v1  }
0x135: {  	v0 =	vnsel vm15, $0x3C6, v0;
	v2 =	vsel vm7, $0xDC5, v2;
	v1 =	vsel vm6, $0xA06, v1  }
0x136: {  	v3 =	vsel vm9, $0x1143, v5;
	v2 =	vsel vm6, $0xE06, v2;
	v1 =	vsel vm5, $0xA47, v1  }
0x137: {  	v3 =	vsel vm8, $0x1184, v3;
	v2 =	vsel vm5, $0xE47, v2;
	v1 =	vsel vm4, $0xA80, v1  }
0x138: {  	v3 =	vsel vm7, $0x11C5, v3;
	v2 =	vsel vm4, $0xE80, v2;
	v1 =	vsel vm3, $0xAC1, v1  }
0x139: {  	v3 =	vsel vm6, $0x1206, v3;
	v2 =	vsel vm3, $0xEC1, v2;
	v1 =	vsel vm2, $0xB02, v1  }
0x13a: {  	v3 =	vsel vm5, $0x1247, v3;
	v2 =	vsel vm2, $0xF02, v2;
	v1 =	vsel vm1, $0xB43, v1  }
0x13b: {  	v3 =	vsel vm4, $0x1280, v3;
	v2 =	vsel vm1, $0xF43, v2;
	v1 =	vsel vm0, $0xB84, v1  }
0x13c: {  	v0 =	vsel vm10, $0x103, v0;
	v3 =	vsel vm3, $0x12C1, v3;
	[tilespmem:$0x1FCF0] =	vst v1;
	v1 =	vsel vm0, $0xF84, v2  }
0x13d: {  	v16 =	vunpack.c.0.s8.s32 v16;
	v0 =	vsel vm9, $0x144, v0;
	[tilespmem:$0x1FD00] =	vst v1;
	v1 =	vsel vm2, $0x1302, v3  }
0x13e: {  	v0 =	vsel vm8, $0x185, v0;
	v8 =	vsel vm11, $0x1CC1, v17;
	v1 =	vsel vm1, $0x1343, v1  }
0x13f: {  	v17 =	vimm.s32 $0xDCBA9876;
	v2 =	vsel vm9, $0x1543, v6;
	v1 =	vsel vm0, $0x1384, v1  }
0x140: {  	v0 =	vsel vm7, $0x1C6, v0;
	v3 =	vsel vm9, $0x1943, v7;
	[tilespmem:$0x1FD10] =	vst v1;
	v1 =	vsel vm8, $0x1584, v2  }
0x141: {  	v8 =	vsel vm10, $0x1D02, v8;
	v2 =	vsel vm8, $0x1984, v3;
	v1 =	vsel vm7, $0x15C5, v1  }
0x142: {  	v17 =	vunpack.c.l.s4.s8 v17;
	v2 =	vsel vm7, $0x19C5, v2;
	v1 =	vsel vm6, $0x1606, v1  }
0x143: {  	v3 =	vsel vm9, $0x1D43, v8;
	v2 =	vsel vm6, $0x1A06, v2;
	v1 =	vsel vm5, $0x1647, v1  }
0x144: {  	v3 =	vsel vm8, $0x1D84, v3;
	v2 =	vsel vm5, $0x1A47, v2;
	v1 =	vsel vm4, $0x1680, v1  }
0x145: {  	v3 =	vsel vm7, $0x1DC5, v3;
	v2 =	vsel vm4, $0x1A80, v2;
	v1 =	vsel vm3, $0x16C1, v1  }
0x146: {  	v3 =	vsel vm6, $0x1E06, v3;
	v2 =	vsel vm3, $0x1AC1, v2;
	v1 =	vsel vm2, $0x1702, v1  }
0x147: {  	v3 =	vsel vm5, $0x1E47, v3;
	v2 =	vsel vm2, $0x1B02, v2;
	v1 =	vsel vm1, $0x1743, v1  }
0x148: {  	v3 =	vsel vm4, $0x1E80, v3;
	v2 =	vsel vm1, $0x1B43, v2;
	v1 =	vsel vm0, $0x1784, v1  }
0x149: {  	v0 =	vsel vm6, $0x207, v0;
	v3 =	vsel vm3, $0x1EC1, v3;
	[tilespmem:$0x1FD20] =	vst v1;
	v1 =	vsel vm0, $0x1B84, v2  }
0x14a: {  	v0 =	vsel vm5, $0x240, v0;
	v9 =	vsel vm11, $0x4C2, v38;
	[tilespmem:$0x1FD30] =	vst v1;
	v1 =	vsel vm2, $0x1F02, v3  }
0x14b: {  	v0 =	vsel vm4, $0x281, v0;
	v9 =	vsel vm10, $0x503, v9;
	v1 =	vsel vm1, $0x1F43, v1  }
0x14c: {  	v0 =	vsel vm3, $0x2C2, v0;
	v2 =	vsel vm9, $0x544, v9;
	v1 =	vsel vm0, $0x1F84, v1  }
0x14d: {  	v10 =	vsel vm11, $0x8C2, v19;
	v0 =	vsel vm2, $0x303, v0;
	[tilespmem:$0x1FD40] =	vst v1;
	v1 =	vsel vm8, $0x585, v2  }
0x14e: {  	[tilespmem:$0x1FCB0] =	vst v16;
	v16 =	vunpack.c.0.s8.s32 v17;
	v0 =	vsel vm1, $0x344, v0;
	v1 =	vsel vm7, $0x5C6, v1  }
0x14f: {  	v10 =	vsel vm10, $0x903, v10;
	v0 =	vsel vm0, $0x385, v0;
	v1 =	vsel vm6, $0x607, v1  }
0x150: {  	v11 =	vsel vm11, $0xCC2, v20;
	v12 =	vsel vm10, $0x1103, v41;
	v1 =	vsel vm5, $0x640, v1  }
0x151: {  	v11 =	vsel vm10, $0xD03, v11;
	v4 =	vsel vm9, $0x1144, v12;
	v1 =	vsel vm4, $0x681, v1  }
0x152: {  	v4 =	vsel vm8, $0x1185, v4;
	v8 =	vimm.s32 $0x6543210F;
	v1 =	vsel vm3, $0x6C2, v1  }
0x153: {  	v8 =	vunpack.c.l.s4.s8 v8;
	v2 =	vsel vm9, $0x944, v10;
	v1 =	vsel vm2, $0x703, v1  }
0x154: {  	v7 =	vsel vm9, $0x1D44, v15;
	v2 =	vsel vm8, $0x985, v2;
	v1 =	vsel vm1, $0x744, v1  }
0x155: {  	[tilespmem:$0x1FD70] =	vst v0;
	v8 =	vunpack.c.0.s8.s32 v8;
	v2 =	vsel vm7, $0x9C6, v2;
	v0 =	vsel vm0, $0x785, v1  }
0x156: {  	v9 =	vsel vm8, $0x1D85, v7;
	v3 =	vsel vm9, $0xD44, v11;
	[tilespmem:$0x1FD80] =	vst v0;
	v0 =	vsel vm6, $0xA07, v2  }
0x157: {  	v7 =	vimm.s32 $0xEDCBA987;
	v3 =	vsel vm8, $0xD85, v3;
	v0 =	vsel vm5, $0xA40, v0  }
0x158: {  	v7 =	vunpack.c.l.s4.s8 v7;
	v1 =	vsel vm7, $0xDC6, v3;
	v0 =	vsel vm4, $0xA81, v0  }
0x159: {  	v2 =	vsel vm7, $0x11C6, v4;
	v1 =	vsel vm6, $0xE07, v1;
	v0 =	vsel vm3, $0xAC2, v0  }
0x15a: {  	v2 =	vsel vm6, $0x1207, v2;
	v1 =	vsel vm5, $0xE40, v1;
	v0 =	vsel vm2, $0xB03, v0  }
0x15b: {  	v2 =	vsel vm5, $0x1240, v2;
	v1 =	vsel vm4, $0xE81, v1;
	v0 =	vsel vm1, $0xB44, v0  }
0x15c: {  	[tilespmem:$0x1FCC0] =	vst v16;
	v2 =	vsel vm4, $0x1281, v2;
	v1 =	vsel vm3, $0xEC2, v1;
	v0 =	vsel vm0, $0xB85, v0  }
0x15d: {  	v7 =	vunpack.c.0.s8.s32 v7;
	v2 =	vsel vm3, $0x12C2, v2;
	[tilespmem:$0x1FD90] =	vst v0;
	v0 =	vsel vm2, $0xF03, v1  }
0x15e: {  	[tilespmem:$0x1FD50] =	vst v8;
	v1 =	vsel vm2, $0x1303, v2;
	v0 =	vsel vm1, $0xF44, v0  }
0x15f: {  	s6 =	rddreg [dreg:$0x0];
	[tilespmem:$0x1FD60] =	vst v7;
	v1 =	vsel vm1, $0x1344, v1;
	v0 =	vsel vm0, $0xF85, v0  }
0x160: {  	s7 =	rddreg [dreg:$0x1];
	s1 =	simm.s32 $0x0;
	[tilespmem:$0x1FDA0] =	vst v0;
	v0 =	vsel vm0, $0x1385, v1  }
0x161: {  	[smem:$0x7FF] =	sst s1;
	[tilespmem:$0x1FDB0] =	vst v0  }
0x162: {  	s0 =	rddreg [dreg:$0x2];
	_ =	strace $0x80000047;
	[tilespmem:$0x1FDF0] =	vst v48  }
0x163: {  	[tilespmem:$0x1FE00] =	vst v47  }
0x164: {  	[tilespmem:$0x1FE10] =	vst v49  }
0x165: {  	[tilespmem:$0x1FE20] =	vst v50  }
0x166: {  	[tilespmem:$0x1FE30] =	vst v51  }
0x167: {  	[tilespmem:$0x1FE40] =	vst v52  }
0x168: {  	[tilespmem:$0x1FE50] =	vst v53  }
0x169: {  	[tilespmem:$0x1FE60] =	vst v54  }
0x16a: {  	[tilespmem:$0x1FE70] =	vst v24  }
0x16b: {  	[tilespmem:$0x1FE80] =	vst v25  }
0x16c: {  	[tilespmem:$0x1FE90] =	vst v26  }
0x16d: {  	[tilespmem:$0x1FEA0] =	vst v27  }
0x16e: {  	[tilespmem:$0x1FEB0] =	vst v55  }
0x16f: {  	[tilespmem:$0x1FEC0] =	vst v56  }
0x170: {  	[tilespmem:$0x1FED0] =	vst v57  }
0x171: {  	v22 =	vimm.s32 $0x17C6;
	[tilespmem:$0x1FEE0] =	vst v42  }
0x172: {  	v22 =	vsel vm14, $0x1407, v22;
	[tilespmem:$0x1FEF0] =	vst v58  }
0x173: {  	v22 =	vsel vm13, $0x1440, v22;
	[tilespmem:$0x1FF00] =	vst v59  }
0x174: {  	v29 =	vimm.s32 $0x1BC6;
	v22 =	vsel vm12, $0x1481, v22;
	[tilespmem:$0x1FF10] =	vst v60  }
0x175: {  	v29 =	vsel vm14, $0x1807, v29;
	v61 =	vsel vm11, $0x14C2, v22;
	[tilespmem:$0x1FF20] =	vst v43  }
0x176: {  	v29 =	vsel vm13, $0x1840, v29;
	v13 =	vsel vm10, $0x1503, v61;
	[tilespmem:$0x1FF30] =	vst v44  }
0x177: {  	v29 =	vsel vm12, $0x1881, v29;
	v5 =	vsel vm9, $0x1544, v13;
	[tilespmem:$0x1FF40] =	vst v45  }
0x178: {  	v62 =	vsel vm11, $0x18C2, v29;
	v5 =	vsel vm8, $0x1585, v5;
	[tilespmem:$0x1FF50] =	vst v46  }
0x179: {  	v14 =	vsel vm10, $0x1903, v62;
	v2 =	vsel vm7, $0x15C6, v5;
	[tilespmem:$0x1FF60] =	vst v23  }
0x17a: {  	v6 =	vsel vm9, $0x1944, v14;
	v0 =	vsel vm6, $0x1607, v2;
	[tilespmem:$0x1FF70] =	vst v31  }
0x17b: {  	v6 =	vsel vm8, $0x1985, v6;
	v0 =	vsel vm5, $0x1640, v0;
	[tilespmem:$0x1FF80] =	vst v28  }
0x17c: {  	s3 =	srdreg.scid;
	v1 =	vsel vm7, $0x19C6, v6;
	[tilespmem:$0x1FF90] =	vst v33;
	v0 =	vsel vm4, $0x1681, v0  }
0x17d: {  	s2 =	stileid.u32;
	s10 =	simm.s32 $0x1000;
	s11 =	simm.s32 $0x5;
	v2 =	vsel vm7, $0x1DC6, v9;
	v1 =	vsel vm6, $0x1A07, v1;
	[tilespmem:$0x1FFA0] =	vst v34;
	v0 =	vsel vm3, $0x16C2, v0  }
0x17e: {  	s12 =	simm.s32 $0x6400;
	s13 =	simm.s32 $0x8400;
	s14 =	simm.s32 $0x1;
	v2 =	vsel vm6, $0x1E07, v2;
	v1 =	vsel vm5, $0x1A40, v1;
	[tilespmem:$0x1FFB0] =	vst v35;
	v0 =	vsel vm2, $0x1703, v0  }
0x17f: {  	s15 =	simm.s32 $0xA400;
	s16 =	simm.s32 $0x2;
	s17 =	simm.s32 $0x4;
	[tilespmem:$0x1FFC0] =	vst v36;
	v2 =	vsel vm5, $0x1E40, v2;
	v1 =	vsel vm4, $0x1A81, v1;
	v0 =	vsel vm1, $0x1744, v0  }
0x180: {  	s18 =	simm.s32 $0xC400;
	s19 =	simm.s32 $0x3;
	s20 =	simm.s32 $0x0;
	[tilespmem:$0x1FFD0] =	vst v37;
	v2 =	vsel vm4, $0x1E81, v2;
	v1 =	vsel vm3, $0x1AC2, v1;
	v0 =	vsel vm0, $0x1785, v0  }
.Ltmp0:
0x181: {  	s3 =	sand.u32 $0x1, s3;
	s4 =	sshll.u32 s2, $0x8;
	v10 =	vlaneseq.u32;
	v2 =	vsel vm3, $0x1EC2, v2;
	[tilespmem:$0x1FDC0] =	vst v0;
	v0 =	vsel vm2, $0x1B03, v1;
	(pc) =	sbr.rel .LBB2_1-.Ltmp0, $4  }
0x182: {  	s8 =	ssub.s32 $0x2, s3;
	s5 =	sshll.u32 s3, $0x7;
	s3 =	sadd.s32 $0xF42A00, s7;
	v3 =	vor.u32 $0x30, v10;
	[tilespmem:$0x1FFE0] =	vst v18;
	v1 =	vsel vm2, $0x1F03, v2;
	v0 =	vsel vm1, $0x1B44, v0  }
0x183: {  	s9 =	sshrl.u32 s8, $0x1;
	s4 =	sor.u32 s5, s4;
	s5 =	sadd.s32 $0x600, s7;
	v4 =	vor.u32 $0x40, v10;
	[tilespmem:$0x1FFF0] =	vst v39;
	v1 =	vsel vm1, $0x1F44, v1;
	v0 =	vsel vm0, $0x1B85, v0  }
0x184: {  	s7 =	sadd.s32 $0x8600, s7;
	s8 =	ssub.s32 s8, s9;
	s31 =	sshrl.u32 s4, $0x3;
	v5 =	vor.u32 $0x50, v10;
	v6 =	vor.u32 $0x60, v10;
	[tilespmem:$0x1FDD0] =	vst v0;
	v0 =	vsel vm0, $0x1F85, v1  }
0x185: {  	s9 =	simm.s32 $0x80;
	s6 =	sadd.s32 s6, s31;
	s8 =	smax.u32 s8, $0x1;
	v9 =	vor.u32 $0x70, v10;
	v2 =	vor.u32 $0x20, v10;
	v1 =	vor.u32 $0x10, v10;
	[tilespmem:$0x1FDE0] =	vst v0  }
.LBB2_12:
0x186: {  	_ =	swait.ge [sflag:s19], $0x2000;
	s20 =	sadd.s32 $0x1, s20  }
0x187: {  	[sflag:s19] =	ssyncset.done $0x0;
	p0 =	sne.s32 s20, s8  }
.Ltmp1:
0x188: {  	[sflag:s19] =	ssyncadd.s32 $0xFFFFE000;
	(pc) =	sbr.rel @!p0 .LBB2_13-.Ltmp1, $4  }
0x189: {  	_ =	swait.ge [sflag:s17], $0x2000  }
0x18a: {  	v23 =	vld [tilespmem:$0x1FF60]  }
0x18b: {  	[sflag:s17] =	ssyncset.done $0x0;
	v28 =	vld [tilespmem:$0x1FF80]  }
0x18c: {  	v31 =	vld [tilespmem:$0x1FF70];
	[sflag:s17] =	ssyncadd.s32 $0xFFFFE000  }
.LBB2_1:
0x18d: {  	[tilespmem:s1], [sflag:$0x5] =	stream.strided.gather [hbm4b:s6+s9], $0x6400, s10, s9, $0x38;
	[tilespmem:$0xE400] =	vst v63  }
0x18e: {  	_ =	swait.ge [sflag:s11], $0x6400  }
0x18f: {  	[sflag:s11] =	ssyncset.done $0x0  }
0x190: {  	[sflag:s11] =	ssyncadd.s32 $0xFFFF9C00  }
0x191: {  	[tilespmem:s12], [sflag:$0x1] =	stream.indirect.gather [hbm4b:s3+s9], $0x40, s1, s9, $0xb8;
	[tilespmem:$0xE400] =	vst v63  }
0x192: {  	s21 =	simm.s32 $0x0  }
0x193: {  	[tilespmem:s13], [sflag:$0x2] =	stream.indirect.gather [hbm4b:s3+s9], $0x40, s9, s9, $0xb8;
	[tilespmem:$0xE400] =	vst v63  }
.LBB2_2:
0x194: {  	_ =	swait.ge [sflag:s14], $0x2000  }
0x195: {  	p0 =	seq.s32 s21, $0x0;
	[sflag:s14] =	ssyncset.done $0x0  }
0x196: {  	s22 =	simm.s32 @!p0 $0x3;
	[sflag:s14] =	ssyncadd.s32 $0xFFFFE000  }
0x197: {  	_ =	swait.ge @!p0 [sflag:s22], $0x2000  }
0x198: {  	[sflag:s22] =	ssyncset.done @!p0 $0x0  }
0x199: {  	[sflag:s22] =	ssyncadd.s32 @!p0 $0xFFFFE000;
	s22 =	simm.s32 $0x0  }
.LBB2_3:
0x19a: {  	_ =	sdelay $0x1  }
0x19b: {  	v11 =	vor.u32 s22, v10  }
0x19c: {  	v12 =	vand.u32 $0x38, v11  }
0x19d: {  	v44 =	vld [tilespmem:$0x1FE00];
	v13 =	vor.u32 v33, v12  }
0x19e: {  	v8 =	vld [tilespmem:$0x1FE10];
	v14 =	vor.u32 v34, v12  }
0x19f: {  	v0 =	vld [tilespmem:$0x1FE20];
	v15 =	vor.u32 v35, v12  }
0x1a0: {  	v63 =	vld [tilespmem:$0x1FE30];
	v16 =	vor.u32 v36, v12  }
0x1a1: {  	v17 =	vor.u32 v37, v12;
	v45 =	vmov v18;
	v20 =	vor.u32 v18, v12;
	v18 =	vld [tilespmem:$0x1FDF0]  }
0x1a2: {  	v13 =	vld.idx.msk [tilespmem:v13+s12+$0x0], $0xffff  }
0x1a3: {  	v11 =	vshll.u32 v11, $0x7;
	v22 =	vor.u32 v39, v12;
	v14 =	vld.idx.msk [tilespmem:v14+s12+$0x0], $0xffff  }
0x1a4: {  	v12 =	vor.u32 v23, v12;
	v23 =	vor.u32 v10, v11;
	v15 =	vld.idx.msk [tilespmem:v15+s12+$0x0], $0xffff  }
0x1a5: {  	v24 =	vor.u32 v1, v11;
	v16 =	vld.idx.msk [tilespmem:v16+s12+$0x0], $0xffff  }
0x1a6: {  	v25 =	vor.u32 v2, v11;
	v17 =	vld.idx.msk [tilespmem:v17+s12+$0x0], $0xffff  }
0x1a7: {  	v26 =	vor.u32 v3, v11;
	v20 =	vld.idx.msk [tilespmem:v20+s12+$0x0], $0xffff  }
0x1a8: {  	v27 =	vor.u32 v4, v11;
	v22 =	vld.idx.msk [tilespmem:v22+s12+$0x0], $0xffff  }
0x1a9: {  	v12 =	vld.idx.msk [tilespmem:v12+s12+$0x0], $0xffff;
	[tilespmem:v23+s15+$0x0] =	vst.idx.msk $0xffff, v13;
	v13 =	vor.u32 v5, v11  }
0x1aa: {  	v62 =	vld [tilespmem:$0x1FE50];
	v23 =	vor.u32 s22, v18;
	[tilespmem:v24+s15+$0x0] =	vst.idx.msk $0xffff, v14;
	v14 =	vor.u32 v6, v11  }
0x1ab: {  	v52 =	vld [tilespmem:$0x1FE40];
	v11 =	vor.u32 v9, v11;
	[tilespmem:v25+s15+$0x0] =	vst.idx.msk $0xffff, v15;
	v15 =	vand.u32 $0x38, v23  }
0x1ac: {  	v7 =	vld [tilespmem:$0x1FE70];
	[tilespmem:v26+s15+$0x0] =	vst.idx.msk $0xffff, v16;
	v16 =	vor.u32 v28, v15  }
0x1ad: {  	v21 =	vld [tilespmem:$0x1FAF0];
	[tilespmem:v27+s15+$0x0] =	vst.idx.msk $0xffff, v17;
	v17 =	vor.u32 v44, v15  }
0x1ae: {  	v50 =	vld [tilespmem:$0x1FE80];
	[tilespmem:v13+s15+$0x0] =	vst.idx.msk $0xffff, v20;
	v13 =	vor.u32 v8, v15  }
0x1af: {  	v51 =	vld [tilespmem:$0x1FE90];
	v20 =	vor.u32 v62, v15;
	[tilespmem:v14+s15+$0x0] =	vst.idx.msk $0xffff, v22  }
0x1b0: {  	v43 =	vld [tilespmem:$0x1FEA0];
	v14 =	vor.u32 v0, v15;
	[tilespmem:v11+s15+$0x0] =	vst.idx.msk $0xffff, v12  }
0x1b1: {  	v11 =	vor.u32 v63, v15;
	v12 =	vld.idx.msk [tilespmem:v16+s12+$0x0], $0xffff  }
0x1b2: {  	v22 =	vshll.u32 v23, $0x7;
	v16 =	vor.u32 v52, v15;
	v17 =	vld.idx.msk [tilespmem:v17+s12+$0x0], $0xffff  }
0x1b3: {  	v23 =	vor.u32 v10, v22;
	v15 =	vor.u32 v31, v15;
	v13 =	vld.idx.msk [tilespmem:v13+s12+$0x0], $0xffff  }
0x1b4: {  	v57 =	vor.u32 v1, v22;
	v20 =	vld.idx.msk [tilespmem:v20+s12+$0x0], $0xffff  }
0x1b5: {  	v58 =	vor.u32 v2, v22;
	v14 =	vld.idx.msk [tilespmem:v14+s12+$0x0], $0xffff  }
0x1b6: {  	v59 =	vor.u32 v3, v22;
	v11 =	vld.idx.msk [tilespmem:v11+s12+$0x0], $0xffff  }
0x1b7: {  	v27 =	vor.u32 v4, v22;
	v16 =	vld.idx.msk [tilespmem:v16+s12+$0x0], $0xffff  }
0x1b8: {  	v15 =	vld.idx.msk [tilespmem:v15+s12+$0x0], $0xffff;
	[tilespmem:v23+s15+$0x0] =	vst.idx.msk $0xffff, v12;
	v12 =	vor.u32 v5, v22  }
0x1b9: {  	v19 =	vld [tilespmem:$0x1FED0];
	v23 =	vor.u32 s22, v7;
	[tilespmem:v57+s15+$0x0] =	vst.idx.msk $0xffff, v17;
	v17 =	vor.u32 v6, v22  }
0x1ba: {  	v46 =	vld [tilespmem:$0x1FB10];
	[tilespmem:v58+s15+$0x0] =	vst.idx.msk $0xffff, v13;
	v13 =	vor.u32 v9, v22;
	v22 =	vand.u32 $0x38, v23  }
0x1bb: {  	v47 =	vld [tilespmem:$0x1FB20];
	[tilespmem:v59+s15+$0x0] =	vst.idx.msk $0xffff, v14;
	v14 =	vor.u32 v21, v22  }
0x1bc: {  	v38 =	vmov v37;
	v37 =	vld [tilespmem:$0x1FEB0];
	[tilespmem:v27+s15+$0x0] =	vst.idx.msk $0xffff, v11;
	v11 =	vor.u32 v50, v22  }
0x1bd: {  	v42 =	vmov v35;
	v35 =	vld [tilespmem:$0x1FEC0];
	[tilespmem:v12+s15+$0x0] =	vst.idx.msk $0xffff, v16;
	v12 =	vor.u32 v51, v22  }
0x1be: {  	v41 =	vld [tilespmem:$0x1FF10];
	v16 =	vor.u32 v43, v22;
	[tilespmem:v17+s15+$0x0] =	vst.idx.msk $0xffff, v20  }
0x1bf: {  	v7 =	vld [tilespmem:$0x1FEF0];
	v17 =	vor.u32 v19, v22;
	[tilespmem:v13+s15+$0x0] =	vst.idx.msk $0xffff, v15  }
0x1c0: {  	v20 =	vor.u32 v46, v22;
	v14 =	vld.idx.msk [tilespmem:v14+s12+$0x0], $0xffff  }
0x1c1: {  	v13 =	vor.u32 v37, v22;
	v11 =	vld.idx.msk [tilespmem:v11+s12+$0x0], $0xffff  }
0x1c2: {  	v15 =	vor.u32 v35, v22;
	v22 =	vshll.u32 v23, $0x7;
	v12 =	vld.idx.msk [tilespmem:v12+s12+$0x0], $0xffff  }
0x1c3: {  	v23 =	vor.u32 v10, v22;
	v16 =	vld.idx.msk [tilespmem:v16+s12+$0x0], $0xffff  }
0x1c4: {  	v17 =	vld.idx.msk [tilespmem:v17+s12+$0x0], $0xffff  }
0x1c5: {  	v60 =	vor.u32 v1, v22;
	v20 =	vld.idx.msk [tilespmem:v20+s12+$0x0], $0xffff  }
0x1c6: {  	v61 =	vor.u32 v2, v22;
	v13 =	vld.idx.msk [tilespmem:v13+s12+$0x0], $0xffff  }
0x1c7: {  	v32 =	vor.u32 v3, v22;
	v15 =	vld.idx.msk [tilespmem:v15+s12+$0x0], $0xffff  }
0x1c8: {  	v27 =	vor.u32 v4, v22;
	[tilespmem:v23+s15+$0x0] =	vst.idx.msk $0xffff, v14;
	v23 =	vor.u32 s22, v7;
	v7 =	vld [tilespmem:$0x1FF00]  }
0x1c9: {  	v56 =	vld [tilespmem:$0x1FF20];
	v14 =	vor.u32 v5, v22  }
0x1ca: {  	v54 =	vld [tilespmem:$0x1FF30];
	[tilespmem:v60+s15+$0x0] =	vst.idx.msk $0xffff, v11;
	v11 =	vor.u32 v6, v22  }
0x1cb: {  	v59 =	vld [tilespmem:$0x1FF50];
	[tilespmem:v61+s15+$0x0] =	vst.idx.msk $0xffff, v12;
	v12 =	vor.u32 v9, v22;
	v22 =	vand.u32 $0x38, v23  }
0x1cc: {  	v53 =	vld [tilespmem:$0x1FF40];
	[tilespmem:v32+s15+$0x0] =	vst.idx.msk $0xffff, v16;
	v16 =	vor.u32 v47, v22  }
0x1cd: {  	v29 =	vld [tilespmem:$0x1FB50];
	[tilespmem:v27+s15+$0x0] =	vst.idx.msk $0xffff, v13;
	v13 =	vor.u32 v7, v22  }
0x1ce: {  	[tilespmem:v14+s15+$0x0] =	vst.idx.msk $0xffff, v15;
	v14 =	vor.u32 v41, v22  }
0x1cf: {  	v30 =	vld [tilespmem:$0x1FC10];
	[tilespmem:v11+s15+$0x0] =	vst.idx.msk $0xffff, v17;
	v11 =	vor.u32 v56, v22  }
0x1d0: {  	v18 =	vld [tilespmem:$0x1FB60];
	v17 =	vor.u32 v59, v22;
	[tilespmem:v12+s15+$0x0] =	vst.idx.msk $0xffff, v20  }
0x1d1: {  	v12 =	vor.u32 v54, v22;
	v15 =	vld.idx.msk [tilespmem:v16+s12+$0x0], $0xffff  }
0x1d2: {  	v20 =	vor.u32 v29, v22;
	v16 =	vor.u32 v53, v22;
	v22 =	vshll.u32 v23, $0x7;
	v13 =	vld.idx.msk [tilespmem:v13+s12+$0x0], $0xffff  }
0x1d3: {  	v23 =	vor.u32 v10, v22;
	v14 =	vld.idx.msk [tilespmem:v14+s12+$0x0], $0xffff  }
0x1d4: {  	v48 =	vmov v39;
	v39 =	vor.u32 v1, v22;
	v11 =	vld.idx.msk [tilespmem:v11+s12+$0x0], $0xffff  }
0x1d5: {  	v40 =	vor.u32 v2, v22;
	v17 =	vld.idx.msk [tilespmem:v17+s12+$0x0], $0xffff  }
0x1d6: {  	v49 =	vor.u32 v3, v22;
	v12 =	vld.idx.msk [tilespmem:v12+s12+$0x0], $0xffff  }
0x1d7: {  	v20 =	vld.idx.msk [tilespmem:v20+s12+$0x0], $0xffff  }
0x1d8: {  	v16 =	vld.idx.msk [tilespmem:v16+s12+$0x0], $0xffff;
	[tilespmem:v23+s15+$0x0] =	vst.idx.msk $0xffff, v15  }
0x1d9: {  	v58 =	vld [tilespmem:$0x1FB80];
	v27 =	vor.u32 v4, v22;
	[tilespmem:v39+s15+$0x0] =	vst.idx.msk $0xffff, v13  }
0x1da: {  	v57 =	vld [tilespmem:$0x1FB90];
	v15 =	vor.u32 v5, v22;
	[tilespmem:v40+s15+$0x0] =	vst.idx.msk $0xffff, v14  }
0x1db: {  	[tilespmem:v49+s15+$0x0] =	vst.idx.msk $0xffff, v11;
	v49 =	vld [tilespmem:$0x1FB70]  }
0x1dc: {  	v60 =	vld [tilespmem:$0x1FBA0];
	v23 =	vor.u32 s22, v18;
	v13 =	vor.u32 v6, v22  }
0x1dd: {  	v39 =	vld [tilespmem:$0x1FBD0];
	v14 =	vor.u32 v9, v22;
	v22 =	vand.u32 $0x38, v23  }
0x1de: {  	v32 =	vld [tilespmem:$0x1FBB0];
	[tilespmem:v27+s15+$0x0] =	vst.idx.msk $0xffff, v12;
	v12 =	vor.u32 v58, v22  }
0x1df: {  	v40 =	vld [tilespmem:$0x1FBC0];
	[tilespmem:v15+s15+$0x0] =	vst.idx.msk $0xffff, v16;
	v15 =	vor.u32 v57, v22  }
0x1e0: {  	v11 =	vor.u32 v49, v22  }
0x1e1: {  	[tilespmem:v13+s15+$0x0] =	vst.idx.msk $0xffff, v17;
	v13 =	vor.u32 v60, v22  }
0x1e2: {  	v17 =	vor.u32 v39, v22;
	[tilespmem:v14+s15+$0x0] =	vst.idx.msk $0xffff, v20  }
0x1e3: {  	v14 =	vor.u32 v32, v22;
	v12 =	vld.idx.msk [tilespmem:v12+s12+$0x0], $0xffff  }
0x1e4: {  	v16 =	vor.u32 v40, v22;
	v20 =	vor.u32 v30, v22;
	v22 =	vshll.u32 v23, $0x7;
	v15 =	vld.idx.msk [tilespmem:v15+s12+$0x0], $0xffff  }
0x1e5: {  	v23 =	vor.u32 v10, v22;
	v11 =	vld.idx.msk [tilespmem:v11+s12+$0x0], $0xffff  }
0x1e6: {  	v24 =	vor.u32 v1, v22;
	v13 =	vld.idx.msk [tilespmem:v13+s12+$0x0], $0xffff  }
0x1e7: {  	v55 =	vor.u32 v2, v22;
	v17 =	vld.idx.msk [tilespmem:v17+s12+$0x0], $0xffff  }
0x1e8: {  	v61 =	vor.u32 v3, v22;
	v14 =	vld.idx.msk [tilespmem:v14+s12+$0x0], $0xffff  }
0x1e9: {  	v27 =	vor.u32 v4, v22;
	v16 =	vld.idx.msk [tilespmem:v16+s12+$0x0], $0xffff  }
0x1ea: {  	v20 =	vld.idx.msk [tilespmem:v20+s12+$0x0], $0xffff;
	[tilespmem:v23+s15+$0x0] =	vst.idx.msk $0xffff, v11;
	v11 =	vor.u32 v5, v22  }
0x1eb: {  	[tilespmem:v24+s15+$0x0] =	vst.idx.msk $0xffff, v12  }
0x1ec: {  	[tilespmem:v55+s15+$0x0] =	vst.idx.msk $0xffff, v15  }
0x1ed: {  	v18 =	vld [tilespmem:$0x1FC20];
	[tilespmem:v61+s15+$0x0] =	vst.idx.msk $0xffff, v13  }
0x1ee: {  	[tilespmem:v27+s15+$0x0] =	vst.idx.msk $0xffff, v14  }
0x1ef: {  	[tilespmem:v11+s15+$0x0] =	vst.idx.msk $0xffff, v16;
	v11 =	vld [tilespmem:$0x1FC50];
	_ =	sdelay $0x2  }
0x1f0: {  	v23 =	vor.u32 s22, v18;
	v12 =	vor.u32 v6, v22  }
0x1f1: {  	v15 =	vor.u32 v9, v22;
	v22 =	vand.u32 $0x38, v23  }
0x1f2: {  	v11 =	vor.u32 v11, v22  }
0x1f3: {  	v13 =	vld [tilespmem:$0x1FC30]  }
0x1f4: {  	v14 =	vld [tilespmem:$0x1FC40]  }
0x1f5: {  	v16 =	vld [tilespmem:$0x1FC80];
	[tilespmem:v12+s15+$0x0] =	vst.idx.msk $0xffff, v17  }
0x1f6: {  	v12 =	vld [tilespmem:$0x1FC60];
	[tilespmem:v15+s15+$0x0] =	vst.idx.msk $0xffff, v20  }
0x1f7: {  	v20 =	vld.idx.msk [tilespmem:v11+s12+$0x0], $0xffff  }
0x1f8: {  	v11 =	vld [tilespmem:$0x1FCA0]  }
0x1f9: {  	v17 =	vld [tilespmem:$0x1FC90];
	v13 =	vor.u32 v13, v22  }
0x1fa: {  	v15 =	vld [tilespmem:$0x1FC70];
	v14 =	vor.u32 v14, v22  }
0x1fb: {  	v16 =	vor.u32 v16, v22  }
0x1fc: {  	v18 =	vld [tilespmem:$0x1FCB0];
	v12 =	vor.u32 v12, v22  }
0x1fd: {  	v55 =	vld [tilespmem:$0x1FCC0];
	v11 =	vor.u32 v11, v22  }
0x1fe: {  	v13 =	vld.idx.msk [tilespmem:v13+s12+$0x0], $0xffff  }
0x1ff: {  	v17 =	vor.u32 v17, v22;
	v15 =	vor.u32 v15, v22;
	v14 =	vld.idx.msk [tilespmem:v14+s12+$0x0], $0xffff;
	v22 =	vshll.u32 v23, $0x7  }
0x200: {  	v16 =	vld.idx.msk [tilespmem:v16+s12+$0x0], $0xffff;
	v23 =	vor.u32 v10, v22  }
0x201: {  	v12 =	vld.idx.msk [tilespmem:v12+s12+$0x0], $0xffff;
	v24 =	vor.u32 v1, v22  }
0x202: {  	v25 =	vor.u32 v2, v22;
	v28 =	vld.idx.msk [tilespmem:v11+s12+$0x0], $0xffff  }
0x203: {  	v27 =	vcombine.low v55, v18;
	v26 =	vor.u32 v3, v22;
	v11 =	vld [tilespmem:$0x1FCD0]  }
0x204: {  	v17 =	vld.idx.msk [tilespmem:v17+s12+$0x0], $0xffff  }
0x205: {  	v61 =	vand.u32 $0xF, v27;
	v15 =	vld.idx.msk [tilespmem:v15+s12+$0x0], $0xffff;
	[tilespmem:v23+s15+$0x0] =	vst.idx.msk $0xffff, v13  }
0x206: {  	v31 =	vor.u32 v4, v22;
	v13 =	vor.u32 v5, v22;
	v23 =	vor.u32 s22, v61;
	[tilespmem:v24+s15+$0x0] =	vst.idx.msk $0xffff, v14  }
0x207: {  	v14 =	vor.u32 v6, v22;
	[tilespmem:v25+s15+$0x0] =	vst.idx.msk $0xffff, v20;
	v20 =	vor.u32 v9, v22;
	v22 =	vand.u32 $0x38, v23  }
0x208: {  	[tilespmem:v26+s15+$0x0] =	vst.idx.msk $0xffff, v12;
	v12 =	vor.u32 v11, v22;
	v11 =	vld [tilespmem:$0x1FCE0];
	_ =	sdelay $0x4  }
0x209: {  	[tilespmem:v31+s15+$0x0] =	vst.idx.msk $0xffff, v15;
	v15 =	vor.u32 v11, v22;
	v11 =	vld [tilespmem:$0x1FCF0];
	_ =	sdelay $0x4  }
0x20a: {  	[tilespmem:v13+s15+$0x0] =	vst.idx.msk $0xffff, v16;
	v13 =	vor.u32 v11, v22;
	v11 =	vld [tilespmem:$0x1FD00];
	_ =	sdelay $0x4  }
0x20b: {  	[tilespmem:v14+s15+$0x0] =	vst.idx.msk $0xffff, v17;
	v14 =	vor.u32 v11, v22;
	v11 =	vld [tilespmem:$0x1FD10];
	_ =	sdelay $0x4  }
0x20c: {  	v16 =	vor.u32 v11, v22;
	v11 =	vld [tilespmem:$0x1FD20];
	_ =	sdelay $0x4  }
0x20d: {  	v17 =	vor.u32 v11, v22;
	v11 =	vld [tilespmem:$0x1FD30];
	_ =	sdelay $0x4  }
0x20e: {  	[tilespmem:v20+s15+$0x0] =	vst.idx.msk $0xffff, v28;
	v20 =	vor.u32 v11, v22;
	v11 =	vld [tilespmem:$0x1FD40]  }
0x20f: {  	v18 =	vld [tilespmem:$0x1FD60]  }
0x210: {  	v12 =	vld.idx.msk [tilespmem:v12+s12+$0x0], $0xffff  }
0x211: {  	v15 =	vld.idx.msk [tilespmem:v15+s12+$0x0], $0xffff  }
0x212: {  	v13 =	vld.idx.msk [tilespmem:v13+s12+$0x0], $0xffff  }
0x213: {  	v23 =	vshll.u32 v23, $0x7;
	v14 =	vld.idx.msk [tilespmem:v14+s12+$0x0], $0xffff;
	v22 =	vor.u32 v11, v22  }
0x214: {  	v24 =	vor.u32 v10, v23;
	v11 =	vld [tilespmem:$0x1FD50]  }
0x215: {  	v16 =	vld.idx.msk [tilespmem:v16+s12+$0x0], $0xffff  }
0x216: {  	v25 =	vor.u32 v1, v23;
	v17 =	vld.idx.msk [tilespmem:v17+s12+$0x0], $0xffff  }
0x217: {  	v26 =	vor.u32 v2, v23;
	v20 =	vld.idx.msk [tilespmem:v20+s12+$0x0], $0xffff  }
0x218: {  	v27 =	vor.u32 v3, v23;
	v22 =	vld.idx.msk [tilespmem:v22+s12+$0x0], $0xffff  }
0x219: {  	v31 =	vor.u32 v4, v23;
	v28 =	vcombine.low v18, v11;
	[tilespmem:v24+s15+$0x0] =	vst.idx.msk $0xffff, v12;
	v12 =	vld [tilespmem:$0x1FD70]  }
0x21a: {  	v24 =	vor.u32 v5, v23  }
0x21b: {  	[tilespmem:v25+s15+$0x0] =	vst.idx.msk $0xffff, v15;
	v15 =	vor.u32 v6, v23;
	v11 =	vand.u32 $0xF, v28  }
0x21c: {  	[tilespmem:v26+s15+$0x0] =	vst.idx.msk $0xffff, v13;
	v25 =	vor.u32 s22, v11  }
0x21d: {  	v13 =	vor.u32 v9, v23;
	[tilespmem:v27+s15+$0x0] =	vst.idx.msk $0xffff, v14;
	v23 =	vand.u32 $0x38, v25  }
0x21e: {  	[tilespmem:v31+s15+$0x0] =	vst.idx.msk $0xffff, v16;
	v14 =	vor.u32 v12, v23;
	v12 =	vld [tilespmem:$0x1FD80]  }
0x21f: {  	[tilespmem:v24+s15+$0x0] =	vst.idx.msk $0xffff, v17;
	v17 =	vld [tilespmem:$0x1FD90]  }
0x220: {  	[tilespmem:v15+s15+$0x0] =	vst.idx.msk $0xffff, v20;
	v15 =	vld [tilespmem:$0x1FDA0]  }
0x221: {  	v20 =	vld [tilespmem:$0x1FDC0]  }
0x222: {  	[tilespmem:v13+s15+$0x0] =	vst.idx.msk $0xffff, v22;
	v13 =	vld [tilespmem:$0x1FDB0]  }
0x223: {  	v22 =	vld [tilespmem:$0x1FDD0];
	v16 =	vor.u32 v12, v23  }
0x224: {  	v24 =	vld [tilespmem:$0x1FDE0];
	v17 =	vor.u32 v17, v23  }
0x225: {  	v15 =	vor.u32 v15, v23  }
0x226: {  	v20 =	vor.u32 v20, v23  }
0x227: {  	v14 =	vld.idx.msk [tilespmem:v14+s12+$0x0], $0xffff;
	v13 =	vor.u32 v13, v23  }
0x228: {  	v22 =	vor.u32 v22, v23;
	v16 =	vld.idx.msk [tilespmem:v16+s12+$0x0], $0xffff  }
0x229: {  	v23 =	vor.u32 v24, v23;
	v24 =	vshll.u32 v25, $0x7;
	v17 =	vld.idx.msk [tilespmem:v17+s12+$0x0], $0xffff  }
0x22a: {  	v25 =	vor.u32 v10, v24;
	v15 =	vld.idx.msk [tilespmem:v15+s12+$0x0], $0xffff  }
0x22b: {  	v20 =	vld.idx.msk [tilespmem:v20+s12+$0x0], $0xffff  }
0x22c: {  	v13 =	vld.idx.msk [tilespmem:v13+s12+$0x0], $0xffff  }
0x22d: {  	v22 =	vld.idx.msk [tilespmem:v22+s12+$0x0], $0xffff  }
0x22e: {  	v26 =	vor.u32 v1, v24;
	v23 =	vld.idx.msk [tilespmem:v23+s12+$0x0], $0xffff  }
0x22f: {  	v27 =	vor.u32 v2, v24;
	[tilespmem:v25+s15+$0x0] =	vst.idx.msk $0xffff, v14;
	v25 =	vld [tilespmem:$0x1FBE0]  }
0x230: {  	v28 =	vor.u32 v3, v24  }
0x231: {  	v31 =	vor.u32 v4, v24  }
0x232: {  	v14 =	vor.u32 v5, v24  }
0x233: {  	[tilespmem:v26+s15+$0x0] =	vst.idx.msk $0xffff, v16;
	v16 =	vor.u32 v6, v24  }
0x234: {  	[tilespmem:v27+s15+$0x0] =	vst.idx.msk $0xffff, v17;
	v17 =	vor.u32 v9, v24;
	v25 =	vor.u32 s22, v25  }
0x235: {  	[tilespmem:v28+s15+$0x0] =	vst.idx.msk $0xffff, v15;
	v24 =	vand.u32 $0x38, v25  }
0x236: {  	[tilespmem:v31+s15+$0x0] =	vst.idx.msk $0xffff, v13;
	v13 =	vor.u32 v34, v24  }
0x237: {  	[tilespmem:v14+s15+$0x0] =	vst.idx.msk $0xffff, v20;
	v15 =	vor.u32 v33, v24  }
0x238: {  	v14 =	vor.u32 v42, v24;
	[tilespmem:v16+s15+$0x0] =	vst.idx.msk $0xffff, v22  }
0x239: {  	v16 =	vor.u32 v36, v24;
	[tilespmem:v17+s15+$0x0] =	vst.idx.msk $0xffff, v23;
	v23 =	vld [tilespmem:$0x1FF60]  }
0x23a: {  	v20 =	vor.u32 v45, v24;
	v17 =	vor.u32 v38, v24;
	v38 =	vld [tilespmem:$0x1FAD0]  }
0x23b: {  	v22 =	vld.idx.msk [tilespmem:v13+s12+$0x0], $0xffff;
	v13 =	vor.u32 v48, v24  }
0x23c: {  	v15 =	vld.idx.msk [tilespmem:v15+s12+$0x0], $0xffff  }
0x23d: {  	v14 =	vld.idx.msk [tilespmem:v14+s12+$0x0], $0xffff;
	v48 =	vshll.u32 v25, $0x7  }
0x23e: {  	v16 =	vld.idx.msk [tilespmem:v16+s12+$0x0], $0xffff;
	v23 =	vor.u32 v23, v24;
	v25 =	vor.u32 v10, v48  }
0x23f: {  	v20 =	vld.idx.msk [tilespmem:v20+s12+$0x0], $0xffff;
	v36 =	vor.u32 v1, v48  }
0x240: {  	v27 =	vor.u32 v2, v48;
	v28 =	vld.idx.msk [tilespmem:v13+s12+$0x0], $0xffff  }
0x241: {  	v31 =	vor.u32 v3, v48;
	v13 =	vld [tilespmem:$0x1FAC0]  }
0x242: {  	v17 =	vld.idx.msk [tilespmem:v17+s12+$0x0], $0xffff  }
0x243: {  	v23 =	vld.idx.msk [tilespmem:v23+s12+$0x0], $0xffff;
	[tilespmem:v25+s15+$0x0] =	vst.idx.msk $0xffff, v15  }
0x244: {  	v42 =	vor.u32 v4, v48;
	[tilespmem:v36+s15+$0x0] =	vst.idx.msk $0xffff, v22  }
0x245: {  	v15 =	vor.u32 v5, v48;
	[tilespmem:v27+s15+$0x0] =	vst.idx.msk $0xffff, v14  }
0x246: {  	v22 =	vor.u32 v6, v48;
	[tilespmem:v31+s15+$0x0] =	vst.idx.msk $0xffff, v16;
	v16 =	vld [tilespmem:$0x1FF80];
	v13 =	vcombine.low v13, v38  }
0x247: {  	v14 =	vor.u32 v9, v48  }
0x248: {  	v13 =	vand.u32 $0xF, v13  }
0x249: {  	[tilespmem:v42+s15+$0x0] =	vst.idx.msk $0xffff, v17;
	v45 =	vor.u32 s22, v13  }
0x24a: {  	[tilespmem:v15+s15+$0x0] =	vst.idx.msk $0xffff, v20;
	v48 =	vand.u32 $0x38, v45  }
0x24b: {  	[tilespmem:v22+s15+$0x0] =	vst.idx.msk $0xffff, v28;
	v16 =	vor.u32 v16, v48  }
0x24c: {  	[tilespmem:v14+s15+$0x0] =	vst.idx.msk $0xffff, v23;
	v14 =	vor.u32 v63, v48;
	_ =	sdelay $0x1  }
0x24d: {  	v20 =	vor.u32 v0, v48;
	v0 =	vld [tilespmem:$0x1FF70]  }
0x24e: {  	v17 =	vor.u32 v44, v48  }
0x24f: {  	v15 =	vor.u32 v8, v48;
	v16 =	vld.idx.msk [tilespmem:v16+s12+$0x0], $0xffff  }
0x250: {  	v27 =	vld.idx.msk [tilespmem:v14+s12+$0x0], $0xffff  }
0x251: {  	v22 =	vor.u32 v52, v48;
	v14 =	vld [tilespmem:$0x1FAE0]  }
0x252: {  	v25 =	vshll.u32 v45, $0x7;
	v23 =	vor.u32 v62, v48;
	v24 =	vor.u32 v0, v48;
	v0 =	vld [tilespmem:$0x1FE60]  }
0x253: {  	v63 =	vor.u32 v10, v25;
	v17 =	vld.idx.msk [tilespmem:v17+s12+$0x0], $0xffff  }
0x254: {  	v28 =	vor.u32 v1, v25;
	v15 =	vld.idx.msk [tilespmem:v15+s12+$0x0], $0xffff  }
0x255: {  	v31 =	vor.u32 v2, v25;
	v20 =	vld.idx.msk [tilespmem:v20+s12+$0x0], $0xffff  }
0x256: {  	v36 =	vor.u32 v3, v25;
	v22 =	vld.idx.msk [tilespmem:v22+s12+$0x0], $0xffff  }
0x257: {  	v38 =	vor.u32 v4, v25;
	v23 =	vld.idx.msk [tilespmem:v23+s12+$0x0], $0xffff;
	v14 =	vcombine.low v0, v14  }
0x258: {  	v24 =	vld.idx.msk [tilespmem:v24+s12+$0x0], $0xffff;
	[tilespmem:v63+s15+$0x0] =	vst.idx.msk $0xffff, v16;
	v16 =	vor.u32 v5, v25  }
0x259: {  	[tilespmem:v28+s15+$0x0] =	vst.idx.msk $0xffff, v17;
	v17 =	vor.u32 v6, v25;
	v8 =	vand.u32 $0xF, v14  }
0x25a: {  	[tilespmem:v31+s15+$0x0] =	vst.idx.msk $0xffff, v15;
	v15 =	vor.u32 v9, v25;
	v42 =	vor.u32 s22, v8  }
0x25b: {  	[tilespmem:v36+s15+$0x0] =	vst.idx.msk $0xffff, v20;
	v44 =	vand.u32 $0x38, v42  }
0x25c: {  	[tilespmem:v38+s15+$0x0] =	vst.idx.msk $0xffff, v27;
	v20 =	vor.u32 v21, v44  }
0x25d: {  	v27 =	vor.u32 v50, v44;
	[tilespmem:v16+s15+$0x0] =	vst.idx.msk $0xffff, v22  }
0x25e: {  	v16 =	vor.u32 v51, v44;
	[tilespmem:v17+s15+$0x0] =	vst.idx.msk $0xffff, v23  }
0x25f: {  	[tilespmem:v15+s15+$0x0] =	vst.idx.msk $0xffff, v24;
	v15 =	vor.u32 v37, v44  }
0x260: {  	v0 =	vld [tilespmem:$0x1FEE0]  }
0x261: {  	v22 =	vor.u32 v35, v44;
	v20 =	vld.idx.msk [tilespmem:v20+s12+$0x0], $0xffff  }
0x262: {  	v17 =	vor.u32 v43, v44;
	v23 =	vld.idx.msk [tilespmem:v27+s12+$0x0], $0xffff  }
0x263: {  	v26 =	vshll.u32 v42, $0x7;
	v45 =	vor.u32 v19, v44;
	v16 =	vld.idx.msk [tilespmem:v16+s12+$0x0], $0xffff  }
0x264: {  	v25 =	vor.u32 v46, v44;
	v27 =	vor.u32 v10, v26;
	v28 =	vld.idx.msk [tilespmem:v15+s12+$0x0], $0xffff  }
0x265: {  	v31 =	vor.u32 v1, v26;
	v15 =	vld [tilespmem:$0x1FB00]  }
0x266: {  	v48 =	vor.u32 v2, v26;
	v22 =	vld.idx.msk [tilespmem:v22+s12+$0x0], $0xffff  }
0x267: {  	v50 =	vor.u32 v3, v26;
	v17 =	vld.idx.msk [tilespmem:v17+s12+$0x0], $0xffff  }
0x268: {  	v51 =	vor.u32 v4, v26;
	v24 =	vld.idx.msk [tilespmem:v45+s12+$0x0], $0xffff  }
0x269: {  	v25 =	vld.idx.msk [tilespmem:v25+s12+$0x0], $0xffff;
	[tilespmem:v27+s15+$0x0] =	vst.idx.msk $0xffff, v20;
	v20 =	vor.u32 v5, v26  }
0x26a: {  	[tilespmem:v31+s15+$0x0] =	vst.idx.msk $0xffff, v23;
	v23 =	vor.u32 v6, v26;
	v15 =	vcombine.low v0, v15  }
0x26b: {  	[tilespmem:v48+s15+$0x0] =	vst.idx.msk $0xffff, v16;
	v16 =	vor.u32 v9, v26  }
0x26c: {  	[tilespmem:v50+s15+$0x0] =	vst.idx.msk $0xffff, v17;
	v21 =	vand.u32 $0xF, v15  }
0x26d: {  	[tilespmem:v51+s15+$0x0] =	vst.idx.msk $0xffff, v28;
	v27 =	vor.u32 s22, v21  }
0x26e: {  	[tilespmem:v20+s15+$0x0] =	vst.idx.msk $0xffff, v22;
	v52 =	vand.u32 $0x38, v27  }
0x26f: {  	[tilespmem:v23+s15+$0x0] =	vst.idx.msk $0xffff, v24;
	v17 =	vor.u32 v47, v52  }
0x270: {  	[tilespmem:v16+s15+$0x0] =	vst.idx.msk $0xffff, v25;
	v16 =	vor.u32 v54, v52;
	_ =	sdelay $0x1  }
0x271: {  	v28 =	vor.u32 v7, v52  }
0x272: {  	v62 =	vld [tilespmem:$0x1FB40];
	v20 =	vor.u32 v41, v52  }
0x273: {  	v22 =	vor.u32 v56, v52;
	v17 =	vld.idx.msk [tilespmem:v17+s12+$0x0], $0xffff  }
0x274: {  	v23 =	vor.u32 v53, v52;
	v31 =	vld.idx.msk [tilespmem:v16+s12+$0x0], $0xffff  }
0x275: {  	v27 =	vshll.u32 v27, $0x7;
	v53 =	vor.u32 v59, v52;
	v16 =	vld [tilespmem:$0x1FB30]  }
0x276: {  	v26 =	vor.u32 v29, v52;
	v24 =	vld.idx.msk [tilespmem:v28+s12+$0x0], $0xffff;
	v28 =	vor.u32 v10, v27  }
0x277: {  	v54 =	vor.u32 v1, v27;
	v20 =	vld.idx.msk [tilespmem:v20+s12+$0x0], $0xffff  }
0x278: {  	v56 =	vor.u32 v2, v27;
	v22 =	vld.idx.msk [tilespmem:v22+s12+$0x0], $0xffff  }
0x279: {  	v59 =	vor.u32 v3, v27;
	v23 =	vld.idx.msk [tilespmem:v23+s12+$0x0], $0xffff  }
0x27a: {  	v63 =	vor.u32 v4, v27;
	v25 =	vld.idx.msk [tilespmem:v53+s12+$0x0], $0xffff;
	v16 =	vcombine.low v16, v62  }
0x27b: {  	v26 =	vld.idx.msk [tilespmem:v26+s12+$0x0], $0xffff;
	[tilespmem:v28+s15+$0x0] =	vst.idx.msk $0xffff, v17;
	v17 =	vor.u32 v5, v27  }
0x27c: {  	[tilespmem:v54+s15+$0x0] =	vst.idx.msk $0xffff, v24;
	v7 =	vand.u32 $0xF, v16  }
0x27d: {  	v37 =	vor.u32 v6, v27;
	[tilespmem:v56+s15+$0x0] =	vst.idx.msk $0xffff, v20;
	v28 =	vor.u32 s22, v7  }
0x27e: {  	v20 =	vor.u32 v9, v27;
	[tilespmem:v59+s15+$0x0] =	vst.idx.msk $0xffff, v22;
	v27 =	vand.u32 $0x38, v28  }
0x27f: {  	[tilespmem:v63+s15+$0x0] =	vst.idx.msk $0xffff, v31;
	v31 =	vor.u32 v58, v27  }
0x280: {  	[tilespmem:v17+s15+$0x0] =	vst.idx.msk $0xffff, v23;
	v17 =	vor.u32 v57, v27  }
0x281: {  	v48 =	vld [tilespmem:$0x1FBF0];
	v22 =	vor.u32 v49, v27  }
0x282: {  	v0 =	vld [tilespmem:$0x1FC30];
	v23 =	vor.u32 v60, v27;
	[tilespmem:v37+s15+$0x0] =	vst.idx.msk $0xffff, v25  }
0x283: {  	v38 =	vor.u32 v40, v27;
	v49 =	vld [tilespmem:$0x1FC00];
	[tilespmem:v20+s15+$0x0] =	vst.idx.msk $0xffff, v26  }
0x284: {  	v40 =	vor.u32 v39, v27;
	v25 =	vld.idx.msk [tilespmem:v31+s12+$0x0], $0xffff  }
0x285: {  	v20 =	vor.u32 v32, v27;
	v31 =	vld.idx.msk [tilespmem:v17+s12+$0x0], $0xffff;
	v17 =	vor.u32 v30, v27;
	v27 =	vshll.u32 v28, $0x7  }
0x286: {  	v22 =	vld.idx.msk [tilespmem:v22+s12+$0x0], $0xffff;
	v28 =	vor.u32 v10, v27  }
0x287: {  	v23 =	vld.idx.msk [tilespmem:v23+s12+$0x0], $0xffff;
	v41 =	vor.u32 v1, v27  }
0x288: {  	v24 =	vld.idx.msk [tilespmem:v38+s12+$0x0], $0xffff;
	v42 =	vor.u32 v2, v27  }
0x289: {  	v26 =	vld.idx.msk [tilespmem:v40+s12+$0x0], $0xffff;
	v36 =	vcombine.low v48, v49;
	v43 =	vor.u32 v3, v27  }
0x28a: {  	v20 =	vld.idx.msk [tilespmem:v20+s12+$0x0], $0xffff  }
0x28b: {  	v14 =	vand.u32 $0xF, v36;
	v50 =	vld.idx.msk [tilespmem:v17+s12+$0x0], $0xffff;
	[tilespmem:v28+s15+$0x0] =	vst.idx.msk $0xffff, v22  }
0x28c: {  	v28 =	vor.u32 s22, v14;
	[tilespmem:v41+s15+$0x0] =	vst.idx.msk $0xffff, v25  }
0x28d: {  	[tilespmem:v42+s15+$0x0] =	vst.idx.msk $0xffff, v31;
	v31 =	vand.u32 $0x38, v28  }
0x28e: {  	v51 =	vor.u32 v4, v27;
	[tilespmem:v43+s15+$0x0] =	vst.idx.msk $0xffff, v23;
	v23 =	vor.u32 v0, v31;
	v0 =	vld [tilespmem:$0x1FC40];
	_ =	sdelay $0x4  }
0x28f: {  	v22 =	vor.u32 v5, v27;
	[tilespmem:v51+s15+$0x0] =	vst.idx.msk $0xffff, v20;
	v20 =	vor.u32 v0, v31;
	v0 =	vld [tilespmem:$0x1FC50];
	_ =	sdelay $0x4  }
0x290: {  	[tilespmem:v22+s15+$0x0] =	vst.idx.msk $0xffff, v24;
	v22 =	vor.u32 v0, v31;
	v0 =	vld [tilespmem:$0x1FC60];
	_ =	sdelay $0x4  }
0x291: {  	v53 =	vor.u32 v0, v31;
	v0 =	vld [tilespmem:$0x1FC70];
	_ =	sdelay $0x4  }
0x292: {  	v54 =	vor.u32 v0, v31;
	v0 =	vld [tilespmem:$0x1FC80];
	_ =	sdelay $0x1  }
0x293: {  	v52 =	vor.u32 v6, v27  }
0x294: {  	v27 =	vor.u32 v9, v27;
	_ =	sdelay $0x1  }
0x295: {  	v56 =	vor.u32 v0, v31;
	v0 =	vld [tilespmem:$0x1FC90];
	_ =	sdelay $0x1  }
0x296: {  	[tilespmem:v52+s15+$0x0] =	vst.idx.msk $0xffff, v26  }
0x297: {  	[tilespmem:v27+s15+$0x0] =	vst.idx.msk $0xffff, v50  }
0x298: {  	v27 =	vld.idx.msk [tilespmem:v20+s12+$0x0], $0xffff  }
0x299: {  	v20 =	vor.u32 v0, v31;
	v0 =	vld [tilespmem:$0x1FCA0];
	_ =	sdelay $0x3  }
0x29a: {  	v23 =	vld.idx.msk [tilespmem:v23+s12+$0x0], $0xffff  }
0x29b: {  	v31 =	vor.u32 v0, v31;
	v0 =	vld [tilespmem:$0x1FCB0]  }
0x29c: {  	v28 =	vshll.u32 v28, $0x7;
	v22 =	vld.idx.msk [tilespmem:v22+s12+$0x0], $0xffff  }
0x29d: {  	v57 =	vor.u32 v10, v28;
	v24 =	vld.idx.msk [tilespmem:v53+s12+$0x0], $0xffff  }
0x29e: {  	v58 =	vor.u32 v1, v28;
	v25 =	vld.idx.msk [tilespmem:v54+s12+$0x0], $0xffff  }
0x29f: {  	v59 =	vor.u32 v2, v28;
	v60 =	vld.idx.msk [tilespmem:v20+s12+$0x0], $0xffff  }
0x2a0: {  	v20 =	vcombine.low v0, v55;
	v0 =	vld [tilespmem:$0x1FCD0]  }
0x2a1: {  	v26 =	vld.idx.msk [tilespmem:v56+s12+$0x0], $0xffff  }
0x2a2: {  	v62 =	vor.u32 v3, v28;
	v31 =	vld.idx.msk [tilespmem:v31+s12+$0x0], $0xffff;
	[tilespmem:v57+s15+$0x0] =	vst.idx.msk $0xffff, v23;
	v15 =	vand.u32 $0xF, v20  }
0x2a3: {  	v63 =	vor.u32 v4, v28;
	v23 =	vor.u32 v5, v28;
	[tilespmem:v58+s15+$0x0] =	vst.idx.msk $0xffff, v27;
	v39 =	vor.u32 s22, v15  }
0x2a4: {  	v27 =	vor.u32 v6, v28;
	[tilespmem:v59+s15+$0x0] =	vst.idx.msk $0xffff, v22;
	v22 =	vor.u32 v9, v28;
	v28 =	vand.u32 $0x38, v39  }
0x2a5: {  	v40 =	vor.u32 v0, v28;
	v0 =	vld [tilespmem:$0x1FCE0];
	_ =	sdelay $0x4  }
0x2a6: {  	v41 =	vor.u32 v0, v28;
	v0 =	vld [tilespmem:$0x1FCF0];
	_ =	sdelay $0x2  }
0x2a7: {  	[tilespmem:v62+s15+$0x0] =	vst.idx.msk $0xffff, v24  }
0x2a8: {  	[tilespmem:v63+s15+$0x0] =	vst.idx.msk $0xffff, v25  }
0x2a9: {  	[tilespmem:v23+s15+$0x0] =	vst.idx.msk $0xffff, v26;
	v23 =	vor.u32 v0, v28;
	v0 =	vld [tilespmem:$0x1FD00];
	_ =	sdelay $0x4  }
0x2aa: {  	v42 =	vor.u32 v0, v28;
	v0 =	vld [tilespmem:$0x1FD10];
	_ =	sdelay $0x3  }
0x2ab: {  	[tilespmem:v27+s15+$0x0] =	vst.idx.msk $0xffff, v60  }
0x2ac: {  	[tilespmem:v22+s15+$0x0] =	vst.idx.msk $0xffff, v31;
	v22 =	vor.u32 v0, v28;
	v0 =	vld [tilespmem:$0x1FD20];
	_ =	sdelay $0x4  }
0x2ad: {  	v27 =	vor.u32 v0, v28;
	v0 =	vld [tilespmem:$0x1FD30];
	_ =	sdelay $0x4  }
0x2ae: {  	v31 =	vor.u32 v0, v28;
	v0 =	vld [tilespmem:$0x1FD40];
	_ =	sdelay $0x4  }
0x2af: {  	v28 =	vor.u32 v0, v28;
	v0 =	vld [tilespmem:$0x1FD50];
	_ =	sdelay $0x3  }
0x2b0: {  	v35 =	vld.idx.msk [tilespmem:v22+s12+$0x0], $0xffff  }
0x2b1: {  	v22 =	vcombine.low v0, v18;
	v0 =	vld [tilespmem:$0x1FD70];
	_ =	sdelay $0x1  }
0x2b2: {  	v16 =	vand.u32 $0xF, v22  }
0x2b3: {  	v50 =	vor.u32 s22, v16  }
0x2b4: {  	v51 =	vand.u32 $0x38, v50  }
0x2b5: {  	v52 =	vor.u32 v0, v51;
	v0 =	vld [tilespmem:$0x1FD90]  }
0x2b6: {  	v24 =	vld.idx.msk [tilespmem:v40+s12+$0x0], $0xffff  }
0x2b7: {  	v33 =	vshll.u32 v39, $0x7;
	v25 =	vld.idx.msk [tilespmem:v41+s12+$0x0], $0xffff  }
0x2b8: {  	v43 =	vor.u32 v10, v33;
	v23 =	vld.idx.msk [tilespmem:v23+s12+$0x0], $0xffff  }
0x2b9: {  	v44 =	vor.u32 v1, v33;
	v26 =	vld.idx.msk [tilespmem:v42+s12+$0x0], $0xffff  }
0x2ba: {  	v45 =	vor.u32 v2, v33;
	v54 =	vor.u32 v0, v51;
	v0 =	vld [tilespmem:$0x1FDA0]  }
0x2bb: {  	v46 =	vor.u32 v3, v33;
	v27 =	vld.idx.msk [tilespmem:v27+s12+$0x0], $0xffff  }
0x2bc: {  	v47 =	vor.u32 v4, v33;
	v31 =	vld.idx.msk [tilespmem:v31+s12+$0x0], $0xffff  }
0x2bd: {  	v48 =	vor.u32 v5, v33;
	v28 =	vld.idx.msk [tilespmem:v28+s12+$0x0], $0xffff;
	[tilespmem:v43+s15+$0x0] =	vst.idx.msk $0xffff, v24  }
0x2be: {  	v49 =	vor.u32 v6, v33;
	[tilespmem:v44+s15+$0x0] =	vst.idx.msk $0xffff, v25  }
0x2bf: {  	[tilespmem:v45+s15+$0x0] =	vst.idx.msk $0xffff, v23;
	v23 =	vor.u32 v9, v33;
	v55 =	vor.u32 v0, v51;
	v0 =	vld [tilespmem:$0x1FDB0]  }
0x2c0: {  	[tilespmem:v46+s15+$0x0] =	vst.idx.msk $0xffff, v26  }
0x2c1: {  	[tilespmem:v47+s15+$0x0] =	vst.idx.msk $0xffff, v35  }
0x2c2: {  	[tilespmem:v48+s15+$0x0] =	vst.idx.msk $0xffff, v27  }
0x2c3: {  	[tilespmem:v49+s15+$0x0] =	vst.idx.msk $0xffff, v31  }
0x2c4: {  	[tilespmem:v23+s15+$0x0] =	vst.idx.msk $0xffff, v28;
	v23 =	vor.u32 v0, v51;
	v0 =	vld [tilespmem:$0x1FDC0];
	_ =	sdelay $0x4  }
0x2c5: {  	v27 =	vor.u32 v0, v51;
	v0 =	vld [tilespmem:$0x1FDD0];
	_ =	sdelay $0x3  }
0x2c6: {  	v53 =	vor.u32 v12, v51  }
0x2c7: {  	v31 =	vor.u32 v0, v51;
	v0 =	vld [tilespmem:$0x1FDE0]  }
0x2c8: {  	v37 =	vld [tilespmem:$0x1FFD0]  }
0x2c9: {  	v36 =	vld [tilespmem:$0x1FFC0]  }
0x2ca: {  	v26 =	vld.idx.msk [tilespmem:v52+s12+$0x0], $0xffff  }
0x2cb: {  	v34 =	vshll.u32 v50, $0x7;
	v28 =	vld.idx.msk [tilespmem:v53+s12+$0x0], $0xffff  }
0x2cc: {  	v56 =	vor.u32 v10, v34;
	v24 =	vld.idx.msk [tilespmem:v54+s12+$0x0], $0xffff;
	v33 =	vor.u32 v0, v51  }
0x2cd: {  	v57 =	vor.u32 v1, v34;
	v25 =	vld.idx.msk [tilespmem:v55+s12+$0x0], $0xffff  }
0x2ce: {  	v58 =	vor.u32 v2, v34;
	v23 =	vld.idx.msk [tilespmem:v23+s12+$0x0], $0xffff  }
0x2cf: {  	v59 =	vor.u32 v3, v34;
	v27 =	vld.idx.msk [tilespmem:v27+s12+$0x0], $0xffff  }
0x2d0: {  	v60 =	vor.u32 v4, v34;
	v31 =	vld.idx.msk [tilespmem:v31+s12+$0x0], $0xffff  }
0x2d1: {  	v62 =	vor.u32 v5, v34;
	v33 =	vld.idx.msk [tilespmem:v33+s12+$0x0], $0xffff;
	[tilespmem:v56+s15+$0x0] =	vst.idx.msk $0xffff, v26  }
0x2d2: {  	v39 =	vld [tilespmem:$0x1FFF0];
	[tilespmem:v57+s15+$0x0] =	vst.idx.msk $0xffff, v28;
	v28 =	vor.u32 v6, v34  }
0x2d3: {  	v18 =	vld [tilespmem:$0x1FFE0];
	[tilespmem:v58+s15+$0x0] =	vst.idx.msk $0xffff, v24  }
0x2d4: {  	p1 =	sne.s32 s22, $0x30;
	v35 =	vld [tilespmem:$0x1FFB0];
	v63 =	vor.u32 v9, v34;
	[tilespmem:v59+s15+$0x0] =	vst.idx.msk $0xffff, v25  }
.Ltmp2:
0x2d5: {  	v34 =	vld [tilespmem:$0x1FFA0];
	[tilespmem:v60+s15+$0x0] =	vst.idx.msk $0xffff, v23;
	(pc) =	sbr.rel @p1 .LBB2_3-.Ltmp2, $4  }
0x2d6: {  	v23 =	vld [tilespmem:$0x1FF60];
	[tilespmem:v62+s15+$0x0] =	vst.idx.msk $0xffff, v27  }
0x2d7: {  	[tilespmem:v28+s15+$0x0] =	vst.idx.msk $0xffff, v31;
	v31 =	vld [tilespmem:$0x1FF70]  }
0x2d8: {  	v28 =	vld [tilespmem:$0x1FF80]  }
0x2d9: {  	s22 =	sadd.s32 $0x10, s22;
	[tilespmem:v63+s15+$0x0] =	vst.idx.msk $0xffff, v33;
	v33 =	vld [tilespmem:$0x1FF90]  }
0x2da: {  	p1 =	sne.s32 s21, $0x63  }
.Ltmp3:
0x2db: {  	s22 =	sshll.u32 s21, $0x13;
	(pc) =	sbr.rel @p1 .LBB2_6-.Ltmp3, $4  }
0x2dc: {  	s22 =	sor.u32 s4, s22  }
0x2dd: {  	s22 =	sshrl.u32 s22, $0x3  }
0x2de: {  	s23 =	sadd.s32 s5, s22  }
0x2df: {  	[hbm4b:s23+s9] =	stream.strided.scatter [tilespmem:s15], [sflag:$0x3], $0x2000, s10, s9, $0x38;
	[tilespmem:$0xE400] =	vst v63  }
.Ltmp4:
0x2e0: {  	(pc) =	sbr.rel .LBB2_7-.Ltmp4, $4  }
0x2e1: {  	_ = 	snop  }
0x2e2: {  	_ =	swait.ge [sflag:s16], $0x2000  }
0x2e3: {  	[sflag:s16] =	ssyncset.done $0x0  }
0x2e4: {  	[sflag:s16] =	ssyncadd.s32 $0xFFFFE000  }
.LBB2_6:
0x2e5: {  	s23 =	sshll.u32 s21, $0x8  }
0x2e6: {  	s23 =	sand.u32 $0x3FFFFF00, s23  }
.Ltmp5:
0x2e7: {  	s23 =	sadd.s32 $0x100, s23;
	(pc) =	sbr.rel @p0 .LBB2_8-.Ltmp5, $4  }
0x2e8: {  	[tilespmem:s12], [sflag:$0x1] =	stream.indirect.gather [hbm4b:s3+s9], $0x40, s23, s9, $0xb8;
	[tilespmem:$0xE400] =	vst v63  }
0x2e9: {  	_ =	swait.ge [sflag:s16], $0x2000  }
0x2ea: {  	[sflag:s16] =	ssyncset.done $0x0  }
0x2eb: {  	[sflag:s16] =	ssyncadd.s32 $0xFFFFE000  }
.LBB2_7:
0x2ec: {  	_ =	swait.ge [sflag:s17], $0x2000  }
0x2ed: {  	[sflag:s17] =	ssyncset.done $0x0  }
0x2ee: {  	[sflag:s17] =	ssyncadd.s32 $0xFFFFE000  }
.LBB2_8:
0x2ef: {  	[tilespmem:$0x1FA40] =	vst v8  }
0x2f0: {  	[tilespmem:$0x1FA50] =	vst v13  }
0x2f1: {  	[tilespmem:$0x1FA60] =	vst v11  }
0x2f2: {  	[tilespmem:$0x1FA70] =	vst v61  }
0x2f3: {  	[tilespmem:$0x1FA80] =	vst v15  }
0x2f4: {  	[tilespmem:$0x1FA90] =	vst v14  }
0x2f5: {  	[tilespmem:$0x1FAA0] =	vst v7  }
0x2f6: {  	s23 =	simm.s32 $0x0;
	[tilespmem:$0x1FAB0] =	vst v16  }
.LBB2_9:
0x2f7: {  	_ = 	snop  }
0x2f8: {  	v16 =	vmov v21;
	v21 =	vld [tilespmem:$0x1FF60]  }
0x2f9: {  	v23 =	vor.u32 s23, v10;
	v44 =	vld [tilespmem:$0x1FDF0]  }
0x2fa: {  	v59 =	vld [tilespmem:$0x1FF80];
	v24 =	vand.u32 $0x38, v23  }
0x2fb: {  	v60 =	vld [tilespmem:$0x1FE00];
	v25 =	vor.u32 v33, v24  }
0x2fc: {  	v11 =	vld [tilespmem:$0x1FE10];
	v26 =	vor.u32 v34, v24  }
0x2fd: {  	v50 =	vld [tilespmem:$0x1FE30];
	v27 =	vor.u32 v35, v24  }
0x2fe: {  	v56 =	vld [tilespmem:$0x1FE40];
	v28 =	vor.u32 v36, v24  }
0x2ff: {  	v40 =	vld [tilespmem:$0x1FE50];
	v31 =	vor.u32 v37, v24  }
0x300: {  	v62 =	vor.u32 v18, v24;
	v25 =	vld.idx.msk [tilespmem:v25+s13+$0x0], $0xffff  }
0x301: {  	v23 =	vshll.u32 v23, $0x7;
	v63 =	vor.u32 v39, v24;
	v26 =	vld.idx.msk [tilespmem:v26+s13+$0x0], $0xffff  }
0x302: {  	v12 =	vor.u32 v10, v23;
	v24 =	vor.u32 v21, v24;
	v27 =	vld.idx.msk [tilespmem:v27+s13+$0x0], $0xffff  }
0x303: {  	v13 =	vor.u32 v1, v23;
	v28 =	vld.idx.msk [tilespmem:v28+s13+$0x0], $0xffff  }
0x304: {  	v14 =	vor.u32 v2, v23;
	v31 =	vld.idx.msk [tilespmem:v31+s13+$0x0], $0xffff  }
0x305: {  	v38 =	vor.u32 v3, v23;
	v33 =	vld.idx.msk [tilespmem:v62+s13+$0x0], $0xffff  }
0x306: {  	v15 =	vor.u32 v4, v23;
	v34 =	vld.idx.msk [tilespmem:v63+s13+$0x0], $0xffff  }
0x307: {  	v42 =	vor.u32 v5, v23;
	v24 =	vld.idx.msk [tilespmem:v24+s13+$0x0], $0xffff;
	[tilespmem:v12+s18+$0x0] =	vst.idx.msk $0xffff, v25  }
0x308: {  	v41 =	vld [tilespmem:$0x1FF70];
	v43 =	vor.u32 v6, v23;
	v35 =	vor.u32 s23, v44;
	[tilespmem:v13+s18+$0x0] =	vst.idx.msk $0xffff, v26  }
0x309: {  	v30 =	vld [tilespmem:$0x1FE70];
	v23 =	vor.u32 v9, v23;
	v45 =	vand.u32 $0x38, v35;
	[tilespmem:v14+s18+$0x0] =	vst.idx.msk $0xffff, v27  }
0x30a: {  	v32 =	vld [tilespmem:$0x1FE90];
	v46 =	vor.u32 v59, v45;
	[tilespmem:v38+s18+$0x0] =	vst.idx.msk $0xffff, v28  }
0x30b: {  	v47 =	vor.u32 v60, v45;
	v12 =	vld [tilespmem:$0x1FE20];
	[tilespmem:v15+s18+$0x0] =	vst.idx.msk $0xffff, v31  }
0x30c: {  	v51 =	vld [tilespmem:$0x1FEB0];
	v52 =	vor.u32 v11, v45;
	[tilespmem:v42+s18+$0x0] =	vst.idx.msk $0xffff, v33  }
0x30d: {  	v7 =	vld [tilespmem:$0x1FED0];
	v55 =	vor.u32 v56, v45;
	[tilespmem:v43+s18+$0x0] =	vst.idx.msk $0xffff, v34  }
0x30e: {  	v57 =	vor.u32 v40, v45;
	v43 =	vld [tilespmem:$0x1FEA0];
	[tilespmem:v23+s18+$0x0] =	vst.idx.msk $0xffff, v24  }
0x30f: {  	v24 =	vld.idx.msk [tilespmem:v46+s13+$0x0], $0xffff  }
0x310: {  	v53 =	vor.u32 v12, v45;
	v31 =	vld.idx.msk [tilespmem:v47+s13+$0x0], $0xffff  }
0x311: {  	v58 =	vshll.u32 v35, $0x7;
	v23 =	vor.u32 v50, v45;
	v25 =	vld.idx.msk [tilespmem:v52+s13+$0x0], $0xffff  }
0x312: {  	v35 =	vor.u32 v10, v58;
	v27 =	vor.u32 v41, v45;
	v28 =	vld.idx.msk [tilespmem:v55+s13+$0x0], $0xffff  }
0x313: {  	v61 =	vor.u32 v1, v58;
	v33 =	vld.idx.msk [tilespmem:v57+s13+$0x0], $0xffff  }
0x314: {  	v62 =	vor.u32 v2, v58;
	v52 =	vld [tilespmem:$0x1FAF0]  }
0x315: {  	v63 =	vor.u32 v3, v58;
	v26 =	vld.idx.msk [tilespmem:v53+s13+$0x0], $0xffff  }
0x316: {  	v13 =	vor.u32 v4, v58;
	v23 =	vld.idx.msk [tilespmem:v23+s13+$0x0], $0xffff  }
0x317: {  	v14 =	vor.u32 v5, v58;
	v27 =	vld.idx.msk [tilespmem:v27+s13+$0x0], $0xffff;
	[tilespmem:v35+s18+$0x0] =	vst.idx.msk $0xffff, v24  }
0x318: {  	v8 =	vld [tilespmem:$0x1FB10];
	v15 =	vor.u32 v6, v58;
	v35 =	vor.u32 s23, v30;
	[tilespmem:v61+s18+$0x0] =	vst.idx.msk $0xffff, v31  }
0x319: {  	v36 =	vor.u32 v9, v58;
	v55 =	vld [tilespmem:$0x1FEC0];
	v37 =	vand.u32 $0x38, v35;
	[tilespmem:v62+s18+$0x0] =	vst.idx.msk $0xffff, v25  }
0x31a: {  	v53 =	vld [tilespmem:$0x1FE80];
	v45 =	vor.u32 v52, v37;
	[tilespmem:v63+s18+$0x0] =	vst.idx.msk $0xffff, v26  }
0x31b: {  	v0 =	vld [tilespmem:$0x1FB20];
	v46 =	vor.u32 v32, v37;
	[tilespmem:v13+s18+$0x0] =	vst.idx.msk $0xffff, v23  }
0x31c: {  	v19 =	vld [tilespmem:$0x1FB50];
	v47 =	vor.u32 v43, v37;
	[tilespmem:v14+s18+$0x0] =	vst.idx.msk $0xffff, v28  }
0x31d: {  	v22 =	vld [tilespmem:$0x1FC10];
	v49 =	vor.u32 v51, v37;
	[tilespmem:v15+s18+$0x0] =	vst.idx.msk $0xffff, v33  }
0x31e: {  	v18 =	vld [tilespmem:$0x1FEF0];
	v54 =	vor.u32 v55, v37;
	[tilespmem:v36+s18+$0x0] =	vst.idx.msk $0xffff, v27  }
0x31f: {  	v23 =	vor.u32 v53, v37;
	v26 =	vld.idx.msk [tilespmem:v45+s13+$0x0], $0xffff  }
0x320: {  	v57 =	vor.u32 v7, v37;
	v24 =	vld.idx.msk [tilespmem:v46+s13+$0x0], $0xffff  }
0x321: {  	v58 =	vor.u32 v8, v37;
	v28 =	vld.idx.msk [tilespmem:v47+s13+$0x0], $0xffff  }
0x322: {  	v61 =	vshll.u32 v35, $0x7;
	v25 =	vld.idx.msk [tilespmem:v49+s13+$0x0], $0xffff  }
0x323: {  	v35 =	vor.u32 v10, v61;
	v27 =	vld.idx.msk [tilespmem:v54+s13+$0x0], $0xffff  }
0x324: {  	v62 =	vor.u32 v1, v61;
	v23 =	vld.idx.msk [tilespmem:v23+s13+$0x0], $0xffff  }
0x325: {  	v63 =	vor.u32 v2, v61;
	v31 =	vld.idx.msk [tilespmem:v57+s13+$0x0], $0xffff  }
0x326: {  	v13 =	vor.u32 v3, v61;
	v33 =	vld.idx.msk [tilespmem:v58+s13+$0x0], $0xffff  }
0x327: {  	v14 =	vor.u32 v4, v61;
	v54 =	vld [tilespmem:$0x1FF00]  }
0x328: {  	v15 =	vor.u32 v5, v61;
	v57 =	vld [tilespmem:$0x1FF10];
	[tilespmem:v35+s18+$0x0] =	vst.idx.msk $0xffff, v26  }
0x329: {  	v38 =	vld [tilespmem:$0x1FBA0];
	v42 =	vor.u32 s23, v18;
	[tilespmem:v62+s18+$0x0] =	vst.idx.msk $0xffff, v23;
	v23 =	vor.u32 v6, v61  }
0x32a: {  	v44 =	vor.u32 v9, v61;
	v45 =	vand.u32 $0x38, v42;
	v58 =	vld [tilespmem:$0x1FF20];
	[tilespmem:v63+s18+$0x0] =	vst.idx.msk $0xffff, v24  }
0x32b: {  	v46 =	vor.u32 v0, v45;
	v61 =	vld [tilespmem:$0x1FF30];
	[tilespmem:v13+s18+$0x0] =	vst.idx.msk $0xffff, v28  }
0x32c: {  	v47 =	vor.u32 v54, v45;
	v62 =	vld [tilespmem:$0x1FF40];
	[tilespmem:v14+s18+$0x0] =	vst.idx.msk $0xffff, v25  }
0x32d: {  	v48 =	vor.u32 v57, v45;
	v63 =	vld [tilespmem:$0x1FF50];
	[tilespmem:v15+s18+$0x0] =	vst.idx.msk $0xffff, v27  }
0x32e: {  	v18 =	vld [tilespmem:$0x1FB60];
	v15 =	vor.u32 v19, v45;
	[tilespmem:v23+s18+$0x0] =	vst.idx.msk $0xffff, v31  }
0x32f: {  	v36 =	vld [tilespmem:$0x1FB90];
	v23 =	vor.u32 v58, v45;
	[tilespmem:v44+s18+$0x0] =	vst.idx.msk $0xffff, v33  }
0x330: {  	v49 =	vor.u32 v61, v45;
	v27 =	vld.idx.msk [tilespmem:v46+s13+$0x0], $0xffff  }
0x331: {  	v42 =	vshll.u32 v42, $0x7;
	v13 =	vor.u32 v62, v45;
	v25 =	vld.idx.msk [tilespmem:v47+s13+$0x0], $0xffff  }
0x332: {  	v35 =	vor.u32 v10, v42;
	v14 =	vor.u32 v63, v45;
	v26 =	vld.idx.msk [tilespmem:v48+s13+$0x0], $0xffff  }
0x333: {  	v44 =	vor.u32 v1, v42;
	v33 =	vld.idx.msk [tilespmem:v15+s13+$0x0], $0xffff  }
0x334: {  	v45 =	vor.u32 v2, v42;
	v23 =	vld.idx.msk [tilespmem:v23+s13+$0x0], $0xffff  }
0x335: {  	v46 =	vor.u32 v3, v42;
	v24 =	vld.idx.msk [tilespmem:v49+s13+$0x0], $0xffff  }
0x336: {  	v47 =	vor.u32 v4, v42;
	v28 =	vld.idx.msk [tilespmem:v13+s13+$0x0], $0xffff  }
0x337: {  	v48 =	vor.u32 v5, v42;
	v31 =	vld.idx.msk [tilespmem:v14+s13+$0x0], $0xffff;
	[tilespmem:v35+s18+$0x0] =	vst.idx.msk $0xffff, v27  }
0x338: {  	v49 =	vor.u32 v6, v42;
	v35 =	vor.u32 s23, v18;
	[tilespmem:v44+s18+$0x0] =	vst.idx.msk $0xffff, v25  }
0x339: {  	v30 =	vor.u32 v9, v42;
	v14 =	vld [tilespmem:$0x1FB70];
	v34 =	vand.u32 $0x38, v35;
	[tilespmem:v45+s18+$0x0] =	vst.idx.msk $0xffff, v26  }
0x33a: {  	v13 =	vld [tilespmem:$0x1FB80];
	v37 =	vor.u32 v36, v34;
	[tilespmem:v46+s18+$0x0] =	vst.idx.msk $0xffff, v23  }
0x33b: {  	v20 =	vld [tilespmem:$0x1FBD0];
	v39 =	vor.u32 v38, v34;
	[tilespmem:v47+s18+$0x0] =	vst.idx.msk $0xffff, v24  }
0x33c: {  	v15 =	vld [tilespmem:$0x1FBB0];
	v42 =	vor.u32 v22, v34;
	[tilespmem:v48+s18+$0x0] =	vst.idx.msk $0xffff, v28  }
0x33d: {  	v44 =	vld [tilespmem:$0x1FBC0];
	[tilespmem:v49+s18+$0x0] =	vst.idx.msk $0xffff, v31  }
0x33e: {  	v18 =	vld [tilespmem:$0x1FC20];
	v23 =	vor.u32 v14, v34;
	[tilespmem:v30+s18+$0x0] =	vst.idx.msk $0xffff, v33  }
0x33f: {  	v24 =	vor.u32 v13, v34;
	v27 =	vld.idx.msk [tilespmem:v37+s13+$0x0], $0xffff  }
0x340: {  	v13 =	vor.u32 v20, v34;
	v25 =	vld.idx.msk [tilespmem:v39+s13+$0x0], $0xffff  }
0x341: {  	v48 =	vor.u32 v15, v34;
	v33 =	vld.idx.msk [tilespmem:v42+s13+$0x0], $0xffff  }
0x342: {  	v45 =	vshll.u32 v35, $0x7;
	v49 =	vor.u32 v44, v34;
	v42 =	vld [tilespmem:$0x1FC40]  }
0x343: {  	v35 =	vor.u32 v10, v45;
	v23 =	vld.idx.msk [tilespmem:v23+s13+$0x0], $0xffff  }
0x344: {  	v46 =	vor.u32 v1, v45;
	v24 =	vld.idx.msk [tilespmem:v24+s13+$0x0], $0xffff  }
0x345: {  	v47 =	vor.u32 v2, v45;
	v31 =	vld.idx.msk [tilespmem:v13+s13+$0x0], $0xffff  }
0x346: {  	v26 =	vld.idx.msk [tilespmem:v48+s13+$0x0], $0xffff;
	v48 =	vor.u32 v3, v45  }
0x347: {  	v30 =	vor.u32 v9, v45;
	v28 =	vld.idx.msk [tilespmem:v49+s13+$0x0], $0xffff;
	v49 =	vor.u32 v4, v45  }
0x348: {  	v13 =	vor.u32 v6, v45;
	[tilespmem:v35+s18+$0x0] =	vst.idx.msk $0xffff, v23;
	v23 =	vor.u32 v5, v45;
	v45 =	vld [tilespmem:$0x1FC30]  }
0x349: {  	v17 =	vld [tilespmem:$0x1FC80];
	[tilespmem:v46+s18+$0x0] =	vst.idx.msk $0xffff, v24  }
0x34a: {  	v29 =	vld [tilespmem:$0x1FC90];
	v35 =	vor.u32 s23, v18;
	[tilespmem:v47+s18+$0x0] =	vst.idx.msk $0xffff, v27  }
0x34b: {  	v34 =	vand.u32 $0x38, v35;
	v47 =	vld [tilespmem:$0x1FC50];
	[tilespmem:v48+s18+$0x0] =	vst.idx.msk $0xffff, v25  }
0x34c: {  	v37 =	vor.u32 v42, v34;
	v48 =	vld [tilespmem:$0x1FC60];
	[tilespmem:v49+s18+$0x0] =	vst.idx.msk $0xffff, v26  }
0x34d: {  	v49 =	vld [tilespmem:$0x1FC70];
	v36 =	vor.u32 v45, v34;
	[tilespmem:v23+s18+$0x0] =	vst.idx.msk $0xffff, v28  }
0x34e: {  	v28 =	vor.u32 v17, v34;
	[tilespmem:v13+s18+$0x0] =	vst.idx.msk $0xffff, v31;
	v13 =	vld [tilespmem:$0x1FCA0]  }
0x34f: {  	v31 =	vor.u32 v29, v34  }
0x350: {  	v18 =	vld [tilespmem:$0x1FA70];
	v23 =	vor.u32 v47, v34;
	[tilespmem:v30+s18+$0x0] =	vst.idx.msk $0xffff, v33  }
0x351: {  	v38 =	vor.u32 v48, v34;
	v26 =	vld.idx.msk [tilespmem:v37+s13+$0x0], $0xffff  }
0x352: {  	v39 =	vor.u32 v49, v34;
	v25 =	vld.idx.msk [tilespmem:v36+s13+$0x0], $0xffff  }
0x353: {  	v28 =	vld.idx.msk [tilespmem:v28+s13+$0x0], $0xffff;
	v46 =	vor.u32 v13, v34;
	v34 =	vshll.u32 v35, $0x7  }
0x354: {  	v31 =	vld.idx.msk [tilespmem:v31+s13+$0x0], $0xffff;
	v35 =	vor.u32 v10, v34  }
0x355: {  	v23 =	vld.idx.msk [tilespmem:v23+s13+$0x0], $0xffff  }
0x356: {  	v24 =	vld.idx.msk [tilespmem:v38+s13+$0x0], $0xffff  }
0x357: {  	v36 =	vor.u32 v1, v34;
	v27 =	vld.idx.msk [tilespmem:v39+s13+$0x0], $0xffff  }
0x358: {  	v37 =	vor.u32 v2, v34;
	v33 =	vld.idx.msk [tilespmem:v46+s13+$0x0], $0xffff  }
0x359: {  	[tilespmem:v35+s18+$0x0] =	vst.idx.msk $0xffff, v25;
	v35 =	vor.u32 s23, v18;
	v18 =	vld [tilespmem:$0x1FCF0];
	_ =	sdelay $0x1  }
0x35a: {  	v30 =	vor.u32 v3, v34  }
0x35b: {  	v46 =	vor.u32 v4, v34;
	v25 =	vor.u32 v5, v34;
	[tilespmem:v36+s18+$0x0] =	vst.idx.msk $0xffff, v26  }
0x35c: {  	v26 =	vor.u32 v6, v34;
	[tilespmem:v37+s18+$0x0] =	vst.idx.msk $0xffff, v23;
	v23 =	vor.u32 v9, v34;
	v34 =	vand.u32 $0x38, v35  }
0x35d: {  	v38 =	vor.u32 v18, v34;
	v18 =	vld [tilespmem:$0x1FD00];
	_ =	sdelay $0x4  }
0x35e: {  	v39 =	vor.u32 v18, v34;
	v18 =	vld [tilespmem:$0x1FD10]  }
0x35f: {  	[tilespmem:v30+s18+$0x0] =	vst.idx.msk $0xffff, v24  }
0x360: {  	[tilespmem:v46+s18+$0x0] =	vst.idx.msk $0xffff, v27  }
0x361: {  	[tilespmem:v25+s18+$0x0] =	vst.idx.msk $0xffff, v28  }
0x362: {  	[tilespmem:v26+s18+$0x0] =	vst.idx.msk $0xffff, v31  }
0x363: {  	[tilespmem:v23+s18+$0x0] =	vst.idx.msk $0xffff, v33;
	v23 =	vor.u32 v18, v34;
	v18 =	vld [tilespmem:$0x1FD20];
	_ =	sdelay $0x2  }
0x364: {  	v30 =	vld [tilespmem:$0x1FCD0]  }
0x365: {  	v46 =	vld [tilespmem:$0x1FCE0]  }
0x366: {  	v28 =	vor.u32 v18, v34;
	v18 =	vld [tilespmem:$0x1FD30];
	_ =	sdelay $0x2  }
0x367: {  	v36 =	vor.u32 v30, v34  }
0x368: {  	v37 =	vor.u32 v46, v34  }
0x369: {  	v31 =	vor.u32 v18, v34;
	v18 =	vld [tilespmem:$0x1FD40];
	_ =	sdelay $0x1  }
0x36a: {  	v25 =	vld.idx.msk [tilespmem:v38+s13+$0x0], $0xffff  }
0x36b: {  	v24 =	vld.idx.msk [tilespmem:v36+s13+$0x0], $0xffff  }
0x36c: {  	v27 =	vld.idx.msk [tilespmem:v37+s13+$0x0], $0xffff  }
0x36d: {  	v26 =	vld.idx.msk [tilespmem:v39+s13+$0x0], $0xffff;
	v33 =	vor.u32 v18, v34;
	v34 =	vshll.u32 v35, $0x7  }
0x36e: {  	v18 =	vld [tilespmem:$0x1FA60];
	v35 =	vor.u32 v10, v34  }
0x36f: {  	v23 =	vld.idx.msk [tilespmem:v23+s13+$0x0], $0xffff  }
0x370: {  	v28 =	vld.idx.msk [tilespmem:v28+s13+$0x0], $0xffff  }
0x371: {  	v31 =	vld.idx.msk [tilespmem:v31+s13+$0x0], $0xffff;
	v36 =	vor.u32 v1, v34  }
0x372: {  	v37 =	vor.u32 v2, v34;
	v33 =	vld.idx.msk [tilespmem:v33+s13+$0x0], $0xffff  }
0x373: {  	[tilespmem:v35+s18+$0x0] =	vst.idx.msk $0xffff, v24;
	v35 =	vor.u32 s23, v18;
	v18 =	vld [tilespmem:$0x1FD70];
	_ =	sdelay $0x1  }
0x374: {  	v38 =	vor.u32 v3, v34  }
0x375: {  	v39 =	vor.u32 v4, v34;
	v24 =	vor.u32 v5, v34;
	[tilespmem:v36+s18+$0x0] =	vst.idx.msk $0xffff, v27  }
0x376: {  	v27 =	vor.u32 v6, v34;
	[tilespmem:v37+s18+$0x0] =	vst.idx.msk $0xffff, v25;
	v25 =	vor.u32 v9, v34;
	v34 =	vand.u32 $0x38, v35  }
0x377: {  	v36 =	vor.u32 v18, v34;
	v18 =	vld [tilespmem:$0x1FD80];
	_ =	sdelay $0x3  }
0x378: {  	[tilespmem:v38+s18+$0x0] =	vst.idx.msk $0xffff, v26  }
0x379: {  	[tilespmem:v39+s18+$0x0] =	vst.idx.msk $0xffff, v23;
	v23 =	vor.u32 v18, v34;
	v18 =	vld [tilespmem:$0x1FD90];
	_ =	sdelay $0x4  }
0x37a: {  	v37 =	vor.u32 v18, v34;
	v18 =	vld [tilespmem:$0x1FDA0];
	_ =	sdelay $0x4  }
0x37b: {  	v38 =	vor.u32 v18, v34;
	v18 =	vld [tilespmem:$0x1FDB0];
	_ =	sdelay $0x4  }
0x37c: {  	v39 =	vor.u32 v18, v34;
	v18 =	vld [tilespmem:$0x1FDC0];
	_ =	sdelay $0x4  }
0x37d: {  	[tilespmem:v24+s18+$0x0] =	vst.idx.msk $0xffff, v28;
	v28 =	vor.u32 v18, v34;
	v18 =	vld [tilespmem:$0x1FDD0];
	_ =	sdelay $0x4  }
0x37e: {  	[tilespmem:v27+s18+$0x0] =	vst.idx.msk $0xffff, v31;
	v31 =	vor.u32 v18, v34;
	v18 =	vld [tilespmem:$0x1FDE0]  }
0x37f: {  	[tilespmem:v25+s18+$0x0] =	vst.idx.msk $0xffff, v33  }
0x380: {  	v26 =	vld.idx.msk [tilespmem:v36+s13+$0x0], $0xffff  }
0x381: {  	v23 =	vld.idx.msk [tilespmem:v23+s13+$0x0], $0xffff  }
0x382: {  	v24 =	vld.idx.msk [tilespmem:v37+s13+$0x0], $0xffff  }
0x383: {  	v27 =	vld.idx.msk [tilespmem:v38+s13+$0x0], $0xffff;
	v33 =	vor.u32 v18, v34;
	v34 =	vshll.u32 v35, $0x7  }
0x384: {  	v18 =	vld [tilespmem:$0x1FBE0];
	v35 =	vor.u32 v10, v34  }
0x385: {  	v25 =	vld.idx.msk [tilespmem:v39+s13+$0x0], $0xffff  }
0x386: {  	v28 =	vld.idx.msk [tilespmem:v28+s13+$0x0], $0xffff  }
0x387: {  	v31 =	vld.idx.msk [tilespmem:v31+s13+$0x0], $0xffff;
	v36 =	vor.u32 v1, v34  }
0x388: {  	v37 =	vor.u32 v2, v34;
	v33 =	vld.idx.msk [tilespmem:v33+s13+$0x0], $0xffff  }
0x389: {  	[tilespmem:v35+s18+$0x0] =	vst.idx.msk $0xffff, v26;
	v35 =	vor.u32 s23, v18;
	v18 =	vld [tilespmem:$0x1FF90];
	_ =	sdelay $0x1  }
0x38a: {  	v38 =	vor.u32 v3, v34  }
0x38b: {  	v39 =	vor.u32 v4, v34;
	v26 =	vor.u32 v5, v34;
	[tilespmem:v36+s18+$0x0] =	vst.idx.msk $0xffff, v23  }
0x38c: {  	v23 =	vor.u32 v6, v34;
	[tilespmem:v37+s18+$0x0] =	vst.idx.msk $0xffff, v24;
	v24 =	vor.u32 v9, v34;
	v34 =	vand.u32 $0x38, v35  }
0x38d: {  	v36 =	vor.u32 v18, v34;
	v18 =	vld [tilespmem:$0x1FFA0];
	_ =	sdelay $0x4  }
0x38e: {  	v37 =	vor.u32 v18, v34;
	v18 =	vld [tilespmem:$0x1FFB0];
	_ =	sdelay $0x4  }
0x38f: {  	[tilespmem:v38+s18+$0x0] =	vst.idx.msk $0xffff, v27;
	v38 =	vor.u32 v18, v34;
	v18 =	vld [tilespmem:$0x1FFC0];
	_ =	sdelay $0x2  }
0x390: {  	[tilespmem:v39+s18+$0x0] =	vst.idx.msk $0xffff, v25  }
0x391: {  	[tilespmem:v26+s18+$0x0] =	vst.idx.msk $0xffff, v28  }
0x392: {  	[tilespmem:v23+s18+$0x0] =	vst.idx.msk $0xffff, v31;
	v23 =	vor.u32 v18, v34;
	v18 =	vld [tilespmem:$0x1FFD0];
	_ =	sdelay $0x4  }
0x393: {  	v39 =	vor.u32 v18, v34;
	v18 =	vld [tilespmem:$0x1FFE0];
	_ =	sdelay $0x3  }
0x394: {  	[tilespmem:v24+s18+$0x0] =	vst.idx.msk $0xffff, v33;
	v33 =	vor.u32 v21, v34  }
0x395: {  	v28 =	vor.u32 v18, v34;
	v18 =	vld [tilespmem:$0x1FFF0];
	_ =	sdelay $0x2  }
0x396: {  	v27 =	vld.idx.msk [tilespmem:v36+s13+$0x0], $0xffff  }
0x397: {  	v33 =	vld.idx.msk [tilespmem:v33+s13+$0x0], $0xffff  }
0x398: {  	v25 =	vld.idx.msk [tilespmem:v37+s13+$0x0], $0xffff;
	v31 =	vor.u32 v18, v34;
	v34 =	vshll.u32 v35, $0x7  }
0x399: {  	v26 =	vld.idx.msk [tilespmem:v38+s13+$0x0], $0xffff;
	v35 =	vor.u32 v10, v34  }
0x39a: {  	v18 =	vld [tilespmem:$0x1FA50];
	v36 =	vor.u32 v1, v34  }
0x39b: {  	v23 =	vld.idx.msk [tilespmem:v23+s13+$0x0], $0xffff;
	v37 =	vor.u32 v2, v34  }
0x39c: {  	v24 =	vld.idx.msk [tilespmem:v39+s13+$0x0], $0xffff;
	v38 =	vor.u32 v3, v34  }
0x39d: {  	v28 =	vld.idx.msk [tilespmem:v28+s13+$0x0], $0xffff;
	v39 =	vor.u32 v4, v34  }
0x39e: {  	v31 =	vld.idx.msk [tilespmem:v31+s13+$0x0], $0xffff;
	[tilespmem:v35+s18+$0x0] =	vst.idx.msk $0xffff, v27;
	v27 =	vor.u32 v5, v34  }
0x39f: {  	v35 =	vor.u32 s23, v18;
	[tilespmem:v36+s18+$0x0] =	vst.idx.msk $0xffff, v25;
	v25 =	vor.u32 v6, v34  }
0x3a0: {  	v36 =	vand.u32 $0x38, v35;
	[tilespmem:v37+s18+$0x0] =	vst.idx.msk $0xffff, v26;
	v26 =	vor.u32 v9, v34  }
0x3a1: {  	[tilespmem:v38+s18+$0x0] =	vst.idx.msk $0xffff, v23;
	v23 =	vor.u32 v59, v36  }
0x3a2: {  	v37 =	vor.u32 v60, v36;
	[tilespmem:v39+s18+$0x0] =	vst.idx.msk $0xffff, v24  }
0x3a3: {  	v38 =	vor.u32 v11, v36;
	[tilespmem:v27+s18+$0x0] =	vst.idx.msk $0xffff, v28  }
0x3a4: {  	v50 =	vor.u32 v50, v36;
	[tilespmem:v25+s18+$0x0] =	vst.idx.msk $0xffff, v31  }
0x3a5: {  	v56 =	vor.u32 v56, v36;
	v11 =	vld [tilespmem:$0x1FA40];
	[tilespmem:v26+s18+$0x0] =	vst.idx.msk $0xffff, v33  }
0x3a6: {  	v39 =	vor.u32 v12, v36;
	v23 =	vld.idx.msk [tilespmem:v23+s13+$0x0], $0xffff  }
0x3a7: {  	v34 =	vshll.u32 v35, $0x7;
	v59 =	vor.u32 v40, v36;
	v24 =	vld.idx.msk [tilespmem:v37+s13+$0x0], $0xffff  }
0x3a8: {  	v60 =	vor.u32 v41, v36;
	v35 =	vor.u32 v10, v34;
	v27 =	vld.idx.msk [tilespmem:v38+s13+$0x0], $0xffff  }
0x3a9: {  	v12 =	vor.u32 v1, v34;
	v26 =	vld.idx.msk [tilespmem:v50+s13+$0x0], $0xffff  }
0x3aa: {  	v28 =	vld.idx.msk [tilespmem:v56+s13+$0x0], $0xffff;
	v50 =	vor.u32 v2, v34  }
0x3ab: {  	v56 =	vor.u32 v3, v34;
	v25 =	vld.idx.msk [tilespmem:v39+s13+$0x0], $0xffff  }
0x3ac: {  	v31 =	vld.idx.msk [tilespmem:v59+s13+$0x0], $0xffff;
	v59 =	vor.u32 v4, v34  }
0x3ad: {  	v33 =	vld.idx.msk [tilespmem:v60+s13+$0x0], $0xffff;
	[tilespmem:v35+s18+$0x0] =	vst.idx.msk $0xffff, v23;
	v23 =	vor.u32 v5, v34  }
0x3ae: {  	v60 =	vor.u32 v6, v34;
	[tilespmem:v12+s18+$0x0] =	vst.idx.msk $0xffff, v24;
	v12 =	vor.u32 s23, v11  }
0x3af: {  	v36 =	vor.u32 v9, v34;
	[tilespmem:v50+s18+$0x0] =	vst.idx.msk $0xffff, v27;
	v37 =	vand.u32 $0x38, v12  }
0x3b0: {  	[tilespmem:v56+s18+$0x0] =	vst.idx.msk $0xffff, v25;
	v40 =	vor.u32 v52, v37  }
0x3b1: {  	v41 =	vor.u32 v53, v37;
	[tilespmem:v59+s18+$0x0] =	vst.idx.msk $0xffff, v26  }
0x3b2: {  	v43 =	vor.u32 v43, v37;
	[tilespmem:v23+s18+$0x0] =	vst.idx.msk $0xffff, v28  }
0x3b3: {  	v50 =	vor.u32 v51, v37;
	[tilespmem:v60+s18+$0x0] =	vst.idx.msk $0xffff, v31  }
0x3b4: {  	v23 =	vor.u32 v32, v37;
	[tilespmem:v36+s18+$0x0] =	vst.idx.msk $0xffff, v33  }
0x3b5: {  	v51 =	vor.u32 v55, v37;
	v25 =	vld.idx.msk [tilespmem:v40+s13+$0x0], $0xffff  }
0x3b6: {  	v52 =	vor.u32 v7, v37;
	v55 =	vshll.u32 v12, $0x7;
	v26 =	vld.idx.msk [tilespmem:v41+s13+$0x0], $0xffff  }
0x3b7: {  	v53 =	vor.u32 v8, v37;
	v35 =	vor.u32 v10, v55;
	v24 =	vld.idx.msk [tilespmem:v43+s13+$0x0], $0xffff  }
0x3b8: {  	v56 =	vor.u32 v1, v55;
	v27 =	vld.idx.msk [tilespmem:v50+s13+$0x0], $0xffff  }
0x3b9: {  	v59 =	vor.u32 v2, v55;
	v23 =	vld.idx.msk [tilespmem:v23+s13+$0x0], $0xffff  }
0x3ba: {  	v60 =	vor.u32 v3, v55;
	v28 =	vld.idx.msk [tilespmem:v51+s13+$0x0], $0xffff  }
0x3bb: {  	v12 =	vor.u32 v4, v55;
	v31 =	vld.idx.msk [tilespmem:v52+s13+$0x0], $0xffff  }
0x3bc: {  	v21 =	vmov v16;
	v33 =	vld.idx.msk [tilespmem:v53+s13+$0x0], $0xffff;
	v41 =	vor.u32 v5, v55;
	[tilespmem:v35+s18+$0x0] =	vst.idx.msk $0xffff, v25  }
0x3bd: {  	v43 =	vor.u32 v6, v55;
	v50 =	vor.u32 s23, v21;
	[tilespmem:v56+s18+$0x0] =	vst.idx.msk $0xffff, v26  }
0x3be: {  	v51 =	vand.u32 $0x38, v50;
	[tilespmem:v59+s18+$0x0] =	vst.idx.msk $0xffff, v23;
	v23 =	vor.u32 v9, v55  }
0x3bf: {  	v52 =	vor.u32 v0, v51;
	[tilespmem:v60+s18+$0x0] =	vst.idx.msk $0xffff, v24  }
0x3c0: {  	v53 =	vor.u32 v54, v51;
	[tilespmem:v12+s18+$0x0] =	vst.idx.msk $0xffff, v27  }
0x3c1: {  	v54 =	vor.u32 v57, v51;
	[tilespmem:v41+s18+$0x0] =	vst.idx.msk $0xffff, v28  }
0x3c2: {  	v7 =	vld [tilespmem:$0x1FAA0];
	v55 =	vor.u32 v58, v51;
	[tilespmem:v43+s18+$0x0] =	vst.idx.msk $0xffff, v31  }
0x3c3: {  	v0 =	vld [tilespmem:$0x1FB80];
	v56 =	vor.u32 v62, v51;
	[tilespmem:v23+s18+$0x0] =	vst.idx.msk $0xffff, v33  }
0x3c4: {  	v57 =	vor.u32 v63, v51;
	v24 =	vld.idx.msk [tilespmem:v52+s13+$0x0], $0xffff  }
0x3c5: {  	v59 =	vshll.u32 v50, $0x7;
	v23 =	vor.u32 v61, v51;
	v27 =	vld.idx.msk [tilespmem:v53+s13+$0x0], $0xffff  }
0x3c6: {  	v58 =	vor.u32 v19, v51;
	v35 =	vor.u32 v10, v59;
	v25 =	vld.idx.msk [tilespmem:v54+s13+$0x0], $0xffff  }
0x3c7: {  	v60 =	vor.u32 v1, v59;
	v26 =	vld.idx.msk [tilespmem:v55+s13+$0x0], $0xffff  }
0x3c8: {  	v61 =	vor.u32 v2, v59;
	v28 =	vld.idx.msk [tilespmem:v56+s13+$0x0], $0xffff  }
0x3c9: {  	v62 =	vor.u32 v3, v59;
	v31 =	vld.idx.msk [tilespmem:v57+s13+$0x0], $0xffff  }
0x3ca: {  	v63 =	vor.u32 v4, v59;
	v23 =	vld.idx.msk [tilespmem:v23+s13+$0x0], $0xffff  }
0x3cb: {  	v33 =	vld.idx.msk [tilespmem:v58+s13+$0x0], $0xffff;
	[tilespmem:v35+s18+$0x0] =	vst.idx.msk $0xffff, v24  }
0x3cc: {  	[tilespmem:v60+s18+$0x0] =	vst.idx.msk $0xffff, v27  }
0x3cd: {  	v41 =	vor.u32 s23, v7;
	[tilespmem:v61+s18+$0x0] =	vst.idx.msk $0xffff, v25  }
0x3ce: {  	v12 =	vor.u32 v5, v59;
	v50 =	vand.u32 $0x38, v41;
	[tilespmem:v62+s18+$0x0] =	vst.idx.msk $0xffff, v26  }
0x3cf: {  	v40 =	vor.u32 v6, v59;
	[tilespmem:v63+s18+$0x0] =	vst.idx.msk $0xffff, v23;
	v23 =	vor.u32 v0, v50;
	v0 =	vld [tilespmem:$0x1FB90]  }
0x3d0: {  	v43 =	vor.u32 v9, v59  }
0x3d1: {  	v51 =	vor.u32 v14, v50  }
0x3d2: {  	v55 =	vor.u32 v15, v50  }
0x3d3: {  	v54 =	vld [tilespmem:$0x1FA90];
	v56 =	vor.u32 v44, v50;
	[tilespmem:v12+s18+$0x0] =	vst.idx.msk $0xffff, v28  }
0x3d4: {  	[tilespmem:v40+s18+$0x0] =	vst.idx.msk $0xffff, v31;
	v52 =	vor.u32 v0, v50;
	v0 =	vld [tilespmem:$0x1FBA0]  }
0x3d5: {  	v15 =	vld [tilespmem:$0x1FA80];
	[tilespmem:v43+s18+$0x0] =	vst.idx.msk $0xffff, v33  }
0x3d6: {  	v26 =	vld.idx.msk [tilespmem:v51+s13+$0x0], $0xffff  }
0x3d7: {  	v57 =	vor.u32 v20, v50;
	v25 =	vld.idx.msk [tilespmem:v55+s13+$0x0], $0xffff  }
0x3d8: {  	v59 =	vshll.u32 v41, $0x7;
	v58 =	vor.u32 v22, v50;
	v28 =	vld.idx.msk [tilespmem:v56+s13+$0x0], $0xffff  }
0x3d9: {  	v35 =	vor.u32 v10, v59;
	v23 =	vld.idx.msk [tilespmem:v23+s13+$0x0], $0xffff;
	v53 =	vor.u32 v0, v50  }
0x3da: {  	v60 =	vor.u32 v1, v59;
	v24 =	vld.idx.msk [tilespmem:v52+s13+$0x0], $0xffff  }
0x3db: {  	v61 =	vor.u32 v2, v59;
	v0 =	vld [tilespmem:$0x1FCF0]  }
0x3dc: {  	v31 =	vld.idx.msk [tilespmem:v57+s13+$0x0], $0xffff  }
0x3dd: {  	v37 =	vor.u32 v9, v59;
	v62 =	vor.u32 v3, v59;
	v33 =	vld.idx.msk [tilespmem:v58+s13+$0x0], $0xffff  }
0x3de: {  	v63 =	vor.u32 v4, v59;
	v57 =	vor.u32 s23, v15;
	v27 =	vld.idx.msk [tilespmem:v53+s13+$0x0], $0xffff;
	[tilespmem:v35+s18+$0x0] =	vst.idx.msk $0xffff, v26  }
0x3df: {  	v12 =	vor.u32 v5, v59;
	[tilespmem:v60+s18+$0x0] =	vst.idx.msk $0xffff, v23;
	v23 =	vor.u32 v6, v59;
	v59 =	vand.u32 $0x38, v57  }
0x3e0: {  	[tilespmem:v61+s18+$0x0] =	vst.idx.msk $0xffff, v24;
	v61 =	vor.u32 v0, v59;
	v0 =	vld [tilespmem:$0x1FD00];
	_ =	sdelay $0x1  }
0x3e1: {  	v36 =	vor.u32 s23, v54  }
0x3e2: {  	v40 =	vand.u32 $0x38, v36  }
0x3e3: {  	v41 =	vor.u32 v45, v40;
	[tilespmem:v62+s18+$0x0] =	vst.idx.msk $0xffff, v27  }
0x3e4: {  	[tilespmem:v63+s18+$0x0] =	vst.idx.msk $0xffff, v25;
	v62 =	vor.u32 v0, v59;
	v0 =	vld [tilespmem:$0x1FD10]  }
0x3e5: {  	v43 =	vor.u32 v42, v40;
	[tilespmem:v12+s18+$0x0] =	vst.idx.msk $0xffff, v28  }
0x3e6: {  	v44 =	vor.u32 v47, v40;
	[tilespmem:v23+s18+$0x0] =	vst.idx.msk $0xffff, v31  }
0x3e7: {  	v45 =	vor.u32 v49, v40;
	[tilespmem:v37+s18+$0x0] =	vst.idx.msk $0xffff, v33  }
0x3e8: {  	v47 =	vor.u32 v17, v40;
	v27 =	vld.idx.msk [tilespmem:v41+s13+$0x0], $0xffff  }
0x3e9: {  	v63 =	vor.u32 v0, v59;
	v0 =	vld [tilespmem:$0x1FD20]  }
0x3ea: {  	v23 =	vor.u32 v48, v40;
	v25 =	vld.idx.msk [tilespmem:v43+s13+$0x0], $0xffff  }
0x3eb: {  	v49 =	vor.u32 v13, v40;
	v50 =	vshll.u32 v36, $0x7;
	v26 =	vld.idx.msk [tilespmem:v44+s13+$0x0], $0xffff  }
0x3ec: {  	v35 =	vor.u32 v10, v50;
	v48 =	vor.u32 v29, v40;
	v24 =	vld.idx.msk [tilespmem:v45+s13+$0x0], $0xffff  }
0x3ed: {  	v51 =	vor.u32 v1, v50;
	v28 =	vld.idx.msk [tilespmem:v47+s13+$0x0], $0xffff  }
0x3ee: {  	v52 =	vor.u32 v2, v50;
	v12 =	vor.u32 v0, v59;
	v0 =	vld [tilespmem:$0x1FD30]  }
0x3ef: {  	v53 =	vor.u32 v3, v50;
	v23 =	vld.idx.msk [tilespmem:v23+s13+$0x0], $0xffff  }
0x3f0: {  	v54 =	vor.u32 v4, v50;
	v33 =	vld.idx.msk [tilespmem:v49+s13+$0x0], $0xffff  }
0x3f1: {  	v55 =	vor.u32 v5, v50;
	v31 =	vld.idx.msk [tilespmem:v48+s13+$0x0], $0xffff;
	[tilespmem:v35+s18+$0x0] =	vst.idx.msk $0xffff, v27  }
0x3f2: {  	v56 =	vor.u32 v6, v50;
	[tilespmem:v51+s18+$0x0] =	vst.idx.msk $0xffff, v25  }
0x3f3: {  	v58 =	vor.u32 v9, v50;
	[tilespmem:v52+s18+$0x0] =	vst.idx.msk $0xffff, v26;
	v13 =	vor.u32 v0, v59;
	v0 =	vld [tilespmem:$0x1FD40]  }
0x3f4: {  	[tilespmem:v53+s18+$0x0] =	vst.idx.msk $0xffff, v23;
	v23 =	vor.u32 v30, v59  }
0x3f5: {  	v60 =	vor.u32 v46, v59;
	[tilespmem:v54+s18+$0x0] =	vst.idx.msk $0xffff, v24  }
0x3f6: {  	v16 =	vld [tilespmem:$0x1FAB0];
	[tilespmem:v55+s18+$0x0] =	vst.idx.msk $0xffff, v28  }
0x3f7: {  	[tilespmem:v56+s18+$0x0] =	vst.idx.msk $0xffff, v31  }
0x3f8: {  	[tilespmem:v58+s18+$0x0] =	vst.idx.msk $0xffff, v33;
	v14 =	vor.u32 v0, v59;
	v0 =	vld [tilespmem:$0x1FD70]  }
0x3f9: {  	v23 =	vld.idx.msk [tilespmem:v23+s13+$0x0], $0xffff  }
0x3fa: {  	v24 =	vld.idx.msk [tilespmem:v60+s13+$0x0], $0xffff  }
0x3fb: {  	v47 =	vor.u32 s23, v16;
	v27 =	vld.idx.msk [tilespmem:v61+s13+$0x0], $0xffff  }
0x3fc: {  	v15 =	vshll.u32 v57, $0x7;
	v49 =	vand.u32 $0x38, v47;
	v25 =	vld.idx.msk [tilespmem:v62+s13+$0x0], $0xffff  }
0x3fd: {  	v35 =	vor.u32 v10, v15;
	v50 =	vor.u32 v0, v49;
	v0 =	vld [tilespmem:$0x1FD80]  }
0x3fe: {  	v42 =	vor.u32 v1, v15;
	v26 =	vld.idx.msk [tilespmem:v63+s13+$0x0], $0xffff  }
0x3ff: {  	v43 =	vor.u32 v2, v15;
	v28 =	vld.idx.msk [tilespmem:v12+s13+$0x0], $0xffff  }
0x400: {  	v44 =	vor.u32 v3, v15;
	v31 =	vld.idx.msk [tilespmem:v13+s13+$0x0], $0xffff  }
0x401: {  	v45 =	vor.u32 v4, v15;
	v33 =	vld.idx.msk [tilespmem:v14+s13+$0x0], $0xffff  }
0x402: {  	[tilespmem:v35+s18+$0x0] =	vst.idx.msk $0xffff, v23;
	v23 =	vor.u32 v5, v15;
	v51 =	vor.u32 v0, v49;
	v0 =	vld [tilespmem:$0x1FD90]  }
0x403: {  	[tilespmem:v42+s18+$0x0] =	vst.idx.msk $0xffff, v24  }
0x404: {  	[tilespmem:v43+s18+$0x0] =	vst.idx.msk $0xffff, v27  }
0x405: {  	[tilespmem:v44+s18+$0x0] =	vst.idx.msk $0xffff, v25  }
0x406: {  	[tilespmem:v45+s18+$0x0] =	vst.idx.msk $0xffff, v26  }
0x407: {  	[tilespmem:v23+s18+$0x0] =	vst.idx.msk $0xffff, v28;
	v23 =	vor.u32 v0, v49;
	v0 =	vld [tilespmem:$0x1FDA0];
	_ =	sdelay $0x4  }
0x408: {  	v52 =	vor.u32 v0, v49;
	v0 =	vld [tilespmem:$0x1FDB0];
	_ =	sdelay $0x4  }
0x409: {  	v53 =	vor.u32 v0, v49;
	v0 =	vld [tilespmem:$0x1FDC0];
	_ =	sdelay $0x4  }
0x40a: {  	v54 =	vor.u32 v0, v49;
	v0 =	vld [tilespmem:$0x1FDD0]  }
0x40b: {  	v46 =	vor.u32 v6, v15  }
0x40c: {  	v48 =	vor.u32 v9, v15;
	_ =	sdelay $0x2  }
0x40d: {  	v55 =	vor.u32 v0, v49;
	v0 =	vld [tilespmem:$0x1FDE0]  }
0x40e: {  	[tilespmem:v46+s18+$0x0] =	vst.idx.msk $0xffff, v31  }
0x40f: {  	[tilespmem:v48+s18+$0x0] =	vst.idx.msk $0xffff, v33  }
0x410: {  	v25 =	vld.idx.msk [tilespmem:v50+s13+$0x0], $0xffff  }
0x411: {  	v57 =	vshll.u32 v47, $0x7;
	v26 =	vld.idx.msk [tilespmem:v51+s13+$0x0], $0xffff  }
0x412: {  	v35 =	vor.u32 v10, v57;
	v23 =	vld.idx.msk [tilespmem:v23+s13+$0x0], $0xffff;
	v56 =	vor.u32 v0, v49  }
0x413: {  	v58 =	vor.u32 v1, v57;
	v24 =	vld.idx.msk [tilespmem:v52+s13+$0x0], $0xffff  }
0x414: {  	v59 =	vor.u32 v2, v57;
	v27 =	vld.idx.msk [tilespmem:v53+s13+$0x0], $0xffff  }
0x415: {  	v60 =	vor.u32 v3, v57;
	v28 =	vld.idx.msk [tilespmem:v54+s13+$0x0], $0xffff  }
0x416: {  	v61 =	vor.u32 v4, v57;
	v31 =	vld.idx.msk [tilespmem:v55+s13+$0x0], $0xffff  }
0x417: {  	v62 =	vor.u32 v5, v57;
	v33 =	vld.idx.msk [tilespmem:v56+s13+$0x0], $0xffff;
	[tilespmem:v35+s18+$0x0] =	vst.idx.msk $0xffff, v25  }
0x418: {  	v18 =	vld [tilespmem:$0x1FFE0];
	v63 =	vor.u32 v6, v57;
	[tilespmem:v58+s18+$0x0] =	vst.idx.msk $0xffff, v26  }
0x419: {  	p0 =	sne.s32 s23, $0x30;
	v39 =	vld [tilespmem:$0x1FFF0];
	[tilespmem:v59+s18+$0x0] =	vst.idx.msk $0xffff, v23;
	v23 =	vor.u32 v9, v57  }
.Ltmp6:
0x41a: {  	v34 =	vld [tilespmem:$0x1FFA0];
	[tilespmem:v60+s18+$0x0] =	vst.idx.msk $0xffff, v24;
	(pc) =	sbr.rel @p0 .LBB2_9-.Ltmp6, $4  }
0x41b: {  	v36 =	vld [tilespmem:$0x1FFC0];
	[tilespmem:v61+s18+$0x0] =	vst.idx.msk $0xffff, v27  }
0x41c: {  	v37 =	vld [tilespmem:$0x1FFD0];
	[tilespmem:v62+s18+$0x0] =	vst.idx.msk $0xffff, v28  }
0x41d: {  	v35 =	vld [tilespmem:$0x1FFB0];
	[tilespmem:v63+s18+$0x0] =	vst.idx.msk $0xffff, v31  }
0x41e: {  	s23 =	sadd.s32 $0x10, s23;
	[tilespmem:v23+s18+$0x0] =	vst.idx.msk $0xffff, v33;
	v33 =	vld [tilespmem:$0x1FF90]  }
0x41f: {  	p0 =	seq.s32 s21, $0x63  }
.Ltmp7:
0x420: {  	_ = 	snop;
	(pc) =	sbr.rel @p0 .LBB2_12-.Ltmp7, $3  }
0x421: {  	_ =	sdelay $0x1  }
0x422: {  	s22 =	sadd.s32 s22, s7  }
0x423: {  	[hbm4b:s22+s9] =	stream.strided.scatter [tilespmem:s18], [sflag:$0x4], $0x2000, s10, s9, $0x38;
	[tilespmem:$0xE400] =	vst v63  }
.Ltmp8:
0x424: {  	(pc) =	sbr.rel .LBB2_2-.Ltmp8, $4  }
0x425: {  	s22 =	sshll.u32 s21, $0x8  }
0x426: {  	v23 =	vld [tilespmem:$0x1FF60];
	s22 =	sand.u32 $0x3FFFFF00, s22  }
0x427: {  	s21 =	sadd.s32 $0x1, s21;
	v28 =	vld [tilespmem:$0x1FF80];
	s22 =	sadd.s32 $0x180, s22  }
0x428: {  	v31 =	vld [tilespmem:$0x1FF70];
	[tilespmem:s13], [sflag:$0x2] =	stream.indirect.gather [hbm4b:s3+s9], $0x40, s22, s9, $0xb8  }
.LBB2_13:
0x429: {  	_ =	sfence.sel $0x180000  }
0x42a: {  	[bflag:$0x0] =	sbarrier.arrive $0xFFFF  }
0x42b: {  	p0 =	sne.s32 s2, $0x0;
	_ =	strace $0x90000047  }
0x42c: {  	s0 =	sadd.s32 @!p0 $0x100000, s0;
	[bflag:$0x2] =	sbarrier.arrive $0xFFFF  }
0x42d: {  	[sflag:s0] =	ssyncadd.tile.s32 @!p0 $0x1;
	_ =	shalt  }
.Lfunc_end2:
_tile_overlayer_lowered:
.L_overlay_start_2:
0x42e: {  	(tag) =	ssettag $0x2  }
0x42f: {  	s0 =	rddreg [dreg:$0x0];
	s2 =	stileid.u32  }
0x430: {  	s1 =	rddreg [dreg:$0x1];
	p0 =	sne.s32 s2, $0x0  }
0x431: {  	s3 =	rddreg [dreg:$0x2];
	[bflag:$0x3] =	sbarrier.arrive $0xFFFF;
	s2 =	simm.s32 @!p0 $0x1C05  }
0x432: {  	[timem:s3], [sflag:s2] =	dma.local @!p0 [hbm:s0], s1  }
0x433: {  	s0 =	simm.s32 @!p0 $0x5  }
0x434: {  	_ =	swait.ge @!p0 [sflag:s0], s1  }
0x435: {  	s1 =	ssub.s32 @!p0 $0x0, s1;
	[sflag:s0] =	ssyncset.done @!p0 $0x0  }
0x436: {  	[sflag:s0] =	ssyncadd.s32 @!p0 s1  }
0x437: {  	[bflag:$0x3] =	sbarrier.arrive $0xFFFF  }
0x438: {  	_ =	shalt  }

</sc_bundles>
